<compile_context>
chip_gen: v7x
topology: tpu7x:2x2x1
jax: 0.10.2.dev20260603
libtpu: 0.0.44.dev20260713+nightly
codegen_flags: <defaults>
</compile_context>

<pallas_src>
import functools

import jax
import jax.numpy as jnp
from jax import lax
from jax.experimental import pallas as pl
from jax.experimental.pallas import tpu as pltpu
from jax.experimental.pallas import tpu_sc as plsc

_G = 64
_C = 128
_NC, _NS = 2, 16
_NW = _NC * _NS
_BLK = 1024


def _msg_pass_sc(h, src, dst, attr, We, be, NP, EP):
    D = h.shape[1]
    ED = attr.shape[0] // EP
    PT = EP // _NW
    nchunks = PT // _C
    nwrite = NP // _NS
    mesh = plsc.VectorSubcoreMesh(core_axis_name="c", subcore_axis_name="s")

    @functools.partial(
        pl.kernel,
        out_type=(jax.ShapeDtypeStruct((NP, D), jnp.float32),
                  jax.ShapeDtypeStruct((NP, D), jnp.float32)),
        mesh=mesh,
        scratch_types=[
            pltpu.VMEM_SHARED((NP, D), jnp.float32),
            pltpu.VMEM((_C,), jnp.int32),
            pltpu.VMEM((_C,), jnp.int32),
            pltpu.VMEM((_C * ED + 16,), jnp.float32),
            pltpu.VMEM((_C, D), jnp.float32),
            pltpu.VMEM((ED, D), jnp.float32),
            pltpu.VMEM((1, D), jnp.float32),
            pltpu.SemaphoreType.DMA,
        ],
    )
    def k(h_hbm, src_hbm, dst_hbm, attr_hbm, we_hbm, be_hbm,
          out0, out1, acc, si, di, av, rows, wv, bv, sem):
        cid = lax.axis_index("c")
        sid = lax.axis_index("s")
        wid = cid * _NS + sid

        def zrow(r, carry):
            for j in range(D // 16):
                rows[r, pl.ds(j * 16, 16)] = jnp.zeros((16,), jnp.float32)
            return carry
        lax.fori_loop(0, _C, zrow, 0)
        for i in range(nwrite // _C):
            pltpu.sync_copy(rows, acc.at[pl.ds(sid * nwrite + i * _C, _C)])

        pltpu.sync_copy(we_hbm, wv)
        pltpu.sync_copy(be_hbm, bv)
        plsc.subcore_barrier()

        def chunk(i, carry):
            wvec = [[wv[kk, pl.ds(j * 16, 16)] for j in range(D // 16)]
                    for kk in range(ED)]
            bvec = [bv[0, pl.ds(j * 16, 16)] for j in range(D // 16)]
            base = wid * PT + i * _C
            pltpu.sync_copy(src_hbm.at[pl.ds(base, _C)], si)
            pltpu.sync_copy(dst_hbm.at[pl.ds(base, _C)], di)
            pltpu.sync_copy(attr_hbm.at[pl.ds(base * ED, _C * ED)],
                            av.at[pl.ds(0, _C * ED)])
            pltpu.async_copy(h_hbm.at[si], rows, sem).wait()

            def edge(c, ecarry):
                avec = av[pl.ds(c * ED, 16)]
                a = [avec[kk] for kk in range(ED)]
                for j in range(D // 16):
                    sl = pl.ds(j * 16, 16)
                    e = a[0] * wvec[0][j]
                    for kk in range(1, ED):
                        e = e + a[kk] * wvec[kk][j]
                    t = rows[c, sl] + (e + bvec[j])
                    rows[c, sl] = jnp.maximum(t, 0.0)
                return ecarry
            lax.fori_loop(0, _C, edge, 0)
            pltpu.sync_copy(rows, acc.at[di], add=True)
            return carry
        lax.fori_loop(0, nchunks, chunk, 0)

        plsc.subcore_barrier()

        @pl.when(cid == 0)
        def _():
            pltpu.sync_copy(acc.at[pl.ds(sid * nwrite, nwrite)],
                            out0.at[pl.ds(sid * nwrite, nwrite)])

        @pl.when(cid == 1)
        def _():
            pltpu.sync_copy(acc.at[pl.ds(sid * nwrite, nwrite)],
                            out1.at[pl.ds(sid * nwrite, nwrite)])

    return k(h, src, dst, attr, We, be.reshape(1, D))


def _gine_mlp(x, a0, a1, Wa, ba, Wb, bb):
    NP, D = x.shape
    H = Wa.shape[1]

    def body(x_ref, a0_ref, a1_ref, wa_ref, ba_ref, wb_ref, bb_ref, o_ref):
        z = x_ref[...] + a0_ref[...] + a1_ref[...]
        t = jnp.maximum(
            jnp.dot(z.astype(jnp.bfloat16), wa_ref[...].astype(jnp.bfloat16),
                    preferred_element_type=jnp.float32)
            + ba_ref[...], 0.0)
        o_ref[...] = jnp.maximum(
            jnp.dot(t.astype(jnp.bfloat16), wb_ref[...].astype(jnp.bfloat16),
                    preferred_element_type=jnp.float32)
            + bb_ref[...], 0.0)

    return pl.pallas_call(
        body,
        grid=(NP // _BLK,),
        in_specs=[pl.BlockSpec((_BLK, D), lambda i: (i, 0))] * 3 + [
            pl.BlockSpec((D, H), lambda i: (0, 0)),
            pl.BlockSpec((1, H), lambda i: (0, 0)),
            pl.BlockSpec((H, H), lambda i: (0, 0)),
            pl.BlockSpec((1, H), lambda i: (0, 0)),
        ],
        out_specs=pl.BlockSpec((_BLK, H), lambda i: (i, 0)),
        out_shape=jax.ShapeDtypeStruct((NP, H), jnp.float32),
    )(x, a0, a1, Wa, ba.reshape(1, H), Wb, bb.reshape(1, H))


def _gine_mlp_pool(h, a0, a1, batch3, Wa, ba, Wb, bb):
    NP, D = h.shape
    H = Wa.shape[1]
    NB = NP // _BLK

    def body(h_ref, a0_ref, a1_ref, b3_ref, wa_ref, ba_ref, wb_ref, bb_ref,
             sums_ref, cnt_ref):
        i = pl.program_id(0)
        z = h_ref[...] + a0_ref[...] + a1_ref[...]
        t = jnp.maximum(
            jnp.dot(z.astype(jnp.bfloat16), wa_ref[...].astype(jnp.bfloat16),
                    preferred_element_type=jnp.float32)
            + ba_ref[...], 0.0)
        h2 = jnp.maximum(
            jnp.dot(t.astype(jnp.bfloat16), wb_ref[...].astype(jnp.bfloat16),
                    preferred_element_type=jnp.float32)
            + bb_ref[...], 0.0)
        b = b3_ref[0, 0, :]
        oh = (b[:, None] == lax.broadcasted_iota(jnp.int32, (_BLK, _G), 1)
              ).astype(jnp.float32)
        psum = lax.dot_general(oh, h2, (((0,), (0,)), ((), ())),
                               preferred_element_type=jnp.float32,
                    precision=lax.Precision.HIGHEST)
        pcnt = jnp.sum(oh, axis=0)[:, None]

        @pl.when(i == 0)
        def _():
            sums_ref[...] = jnp.zeros_like(sums_ref)
            cnt_ref[...] = jnp.zeros_like(cnt_ref)

        sums_ref[...] += psum
        cnt_ref[...] += pcnt

    return pl.pallas_call(
        body,
        grid=(NB,),
        in_specs=[pl.BlockSpec((_BLK, D), lambda i: (i, 0))] * 3 + [
            pl.BlockSpec((1, 1, _BLK), lambda i: (i, 0, 0)),
            pl.BlockSpec((D, H), lambda i: (0, 0)),
            pl.BlockSpec((1, H), lambda i: (0, 0)),
            pl.BlockSpec((H, H), lambda i: (0, 0)),
            pl.BlockSpec((1, H), lambda i: (0, 0)),
        ],
        out_specs=(pl.BlockSpec((_G, H), lambda i: (0, 0)),
                   pl.BlockSpec((_G, 1), lambda i: (0, 0))),
        out_shape=(jax.ShapeDtypeStruct((_G, H), jnp.float32),
                   jax.ShapeDtypeStruct((_G, 1), jnp.float32)),
    )(h, a0, a1, batch3, Wa, ba.reshape(1, H), Wb, bb.reshape(1, H))


def _classifier(sums, cnt, Wc1, bc1, Wc2, bc2):
    H = Wc1.shape[0]

    def body(s_ref, c_ref, w1_ref, b1_ref, w2_ref, b2_ref, o_ref):
        pooled = s_ref[...] / jnp.maximum(c_ref[...], 1.0)
        hid = jnp.maximum(
            jnp.dot(pooled.astype(jnp.bfloat16), w1_ref[...].astype(jnp.bfloat16),
                    preferred_element_type=jnp.float32)
            + b1_ref[...], 0.0)
        o_ref[...] = (jnp.dot(hid.astype(jnp.bfloat16),
                              w2_ref[...].astype(jnp.bfloat16),
                              preferred_element_type=jnp.float32)
                      + b2_ref[...])

    return pl.pallas_call(
        body,
        out_shape=jax.ShapeDtypeStruct((_G, 1), jnp.float32),
    )(sums, cnt, Wc1, bc1.reshape(1, H), Wc2, bc2.reshape(1, 1))


def kernel(x, edge_index, edge_attr, batch, We1, be1, W1, b1, W2, b2,
           We2, be2, W3, b3, W4, b4, Wc1, bc1, Wc2, bc2):
    N, D = x.shape
    E = edge_index.shape[1]

    NP = -(-N // 2048) * 2048
    EP = -(-E // (_NW * _C)) * (_NW * _C)

    x_pad = jnp.pad(x, ((0, NP - N), (0, 0)))
    src = jnp.pad(edge_index[0].astype(jnp.int32), (0, EP - E))
    dst = jnp.pad(edge_index[1].astype(jnp.int32), (0, EP - E),
                  constant_values=N)
    attr_r = edge_attr.astype(jnp.bfloat16).astype(jnp.float32)
    We1r = We1.astype(jnp.bfloat16).astype(jnp.float32)
    We2r = We2.astype(jnp.bfloat16).astype(jnp.float32)
    attr_p = jnp.pad(attr_r, ((0, EP - E), (0, 0))).reshape(-1)
    batch3 = jnp.pad(batch.astype(jnp.int32), (0, NP - N),
                     constant_values=_G).reshape(NP // _BLK, 1, _BLK)

    a0, a1 = _msg_pass_sc(x_pad, src, dst, attr_p, We1r, be1, NP, EP)
    h1 = _gine_mlp(x_pad, a0, a1, W1, b1, W2, b2)
    c0, c1 = _msg_pass_sc(h1, src, dst, attr_p, We2r, be2, NP, EP)
    sums, cnt = _gine_mlp_pool(h1, c0, c1, batch3, W3, b3, W4, b4)
    return _classifier(sums, cnt, Wc1, bc1, Wc2, bc2)

# --- scband reference (transcript-rebuilt; emitter-appended) ---
"""Pipeline reference for scband-tcrgnn-edge-22720376996120 (READ-ONLY COPY).

The authoritative reference and input builder live on the scoring server;
editing this copy changes nothing except your own understanding.
"""

import jax, jax.numpy as jnp
import numpy as np

N = 10000
E = 320000
D = 128
H = 128
ED = 4
G = 64


def setup_inputs(seed: int = 0) -> dict:
    key = jax.random.key(seed)
    ks = jax.random.split(key, 24)
    x = jax.random.normal(ks[0], (N, D), jnp.float32)
    edge_index = jax.random.randint(ks[1], (2, E), 0, N)
    edge_attr = jax.random.normal(ks[2], (E, ED), jnp.float32)
    batch = jnp.sort(jax.random.randint(ks[3], (N,), 0, G))
    s_ed = 1.0 / np.sqrt(ED)
    s_d = 1.0 / np.sqrt(D)
    s_h = 1.0 / np.sqrt(H)
    return {
        'x': x, 'edge_index': edge_index, 'edge_attr': edge_attr, 'batch': batch,
        'We1': jax.random.normal(ks[4], (ED, D), jnp.float32) * s_ed,
        'be1': jnp.zeros((D,), jnp.float32),
        'W1': jax.random.normal(ks[5], (D, H), jnp.float32) * s_d,
        'b1': jnp.zeros((H,), jnp.float32),
        'W2': jax.random.normal(ks[6], (H, H), jnp.float32) * s_h,
        'b2': jnp.zeros((H,), jnp.float32),
        'We2': jax.random.normal(ks[7], (ED, H), jnp.float32) * s_ed,
        'be2': jnp.zeros((H,), jnp.float32),
        'W3': jax.random.normal(ks[8], (H, H), jnp.float32) * s_h,
        'b3': jnp.zeros((H,), jnp.float32),
        'W4': jax.random.normal(ks[9], (H, H), jnp.float32) * s_h,
        'b4': jnp.zeros((H,), jnp.float32),
        'Wc1': jax.random.normal(ks[10], (H, H), jnp.float32) * s_h,
        'bc1': jnp.zeros((H,), jnp.float32),
        'Wc2': jax.random.normal(ks[11], (H, 1), jnp.float32) * s_h,
        'bc2': jnp.zeros((1,), jnp.float32),
    }


def _gine_conv(h, src, dst, edge_attr, We, be, Wa, ba, Wb, bb):
    # GINEConv: msg = relu(h[src] + lin(edge_attr)); aggr = scatter_sum over dst
    e = edge_attr @ We + be
    msg = jax.nn.relu(h[src] + e)
    aggr = jax.ops.segment_sum(msg, dst, num_segments=h.shape[0])
    out = h + aggr  # eps = 0
    out = jax.nn.relu(out @ Wa + ba)
    return out @ Wb + bb


def reference(x, edge_index, edge_attr, batch, We1, be1, W1, b1, W2, b2,
              We2, be2, W3, b3, W4, b4, Wc1, bc1, Wc2, bc2):
    src = edge_index[0]
    dst = edge_index[1]
    h = _gine_conv(x, src, dst, edge_attr, We1, be1, W1, b1, W2, b2)
    h = jax.nn.relu(h)  # dropout is identity in eval mode
    h = _gine_conv(h, src, dst, edge_attr, We2, be2, W3, b3, W4, b4)
    h = jax.nn.relu(h)
    # global mean pool over batch assignment
    sums = jax.ops.segment_sum(h, batch, num_segments=G)
    counts = jax.ops.segment_sum(jnp.ones((h.shape[0],), jnp.float32), batch, num_segments=G)
    pooled = sums / jnp.maximum(counts, 1.0)[:, None]
    hid = jax.nn.relu(pooled @ Wc1 + bc1)
    out = hid @ Wc2 + bc2
    return out

if __name__ == "__main__":
    import jax
    _d = setup_inputs()
    print(jax.jit(kernel)(*tuple(_d.values())))

</pallas_src>

<mosaic_0001>
#map = affine_map<(d0, d1) -> (0, 0)>
#map1 = affine_map<(d0, d1) -> (0)>
module attributes {stable_mosaic.version = 14 : i64} {
  func.func @k(%arg0: i32, %arg1: i32, %arg2: memref<10240x128xf32, #tpu.memory_space<hbm>>, %arg3: memref<323584xi32, #tpu.memory_space<hbm>>, %arg4: memref<323584xi32, #tpu.memory_space<hbm>>, %arg5: memref<1294336xf32, #tpu.memory_space<hbm>>, %arg6: memref<4x128xf32, #tpu.memory_space<hbm>>, %arg7: memref<1x128xf32, #tpu.memory_space<hbm>>, %arg8: memref<10240x128xf32, #tpu.memory_space<hbm>>, %arg9: memref<10240x128xf32, #tpu.memory_space<hbm>>, %arg10: memref<10240x128xf32, #tpu.memory_space<vmem_shared>>, %arg11: memref<128xi32, #tpu.memory_space<vmem>>, %arg12: memref<128xi32, #tpu.memory_space<vmem>>, %arg13: memref<528xf32, #tpu.memory_space<vmem>>, %arg14: memref<128x128xf32, #tpu.memory_space<vmem>>, %arg15: memref<4x128xf32, #tpu.memory_space<vmem>>, %arg16: memref<1x128xf32, #tpu.memory_space<vmem>>, %arg17: memref<!tpu.dma_semaphore, #tpu.memory_space<semaphore_mem>>) attributes {dimension_semantics = [#tpu.dimension_semantics<core_parallel>, #tpu.dimension_semantics<subcore_parallel>], iteration_bounds = array<i64: 2, 16>, scalar_prefetch = 0 : i64, scratch_operands = 8 : i64, tpu.core_type = #tpu.core_type<sc_vector_subcore>, window_params = [{transform_indices = #map}, {transform_indices = #map1}, {transform_indices = #map1}, {transform_indices = #map1}, {transform_indices = #map}, {transform_indices = #map}, {transform_indices = #map}, {transform_indices = #map}]} {
    %mul3A = arith.constant 16 : i32
    %mul3A_0 = arith.muli %arg0, %mul3A : i32
    %add3A = arith.addi %mul3A_0, %arg1 : i32
    %scan3A = arith.constant 0 : i32
    %scan3A_1 = arith.constant 0 : i32
    %scan3A_2 = arith.constant 128 : i32
    %scan3A_3 = arith.addi %scan3A_1, %scan3A_2 : i32
    %scan3A_4 = arith.constant 1 : i32
    scf.for %scan3A_40 = %scan3A_1 to %scan3A_3 step %scan3A_4  : i32 {
      %broadcast_in_dim3A = arith.constant 0.000000e+00 : f32
      %broadcast_in_dim3A_41 = vector.broadcast %broadcast_in_dim3A : f32 to vector<16xf32>
      %swap3A = arith.index_cast %scan3A_40 : i32 to index
      %swap3A_42 = arith.constant 0 : index
      %swap3A_43 = tpu.vector_load %arg14[%swap3A, %swap3A_42] {strides = array<i32>} : memref<128x128xf32, #tpu.memory_space<vmem>>, vector<1x16xf32>,
      %swap3A_44 = vector.shape_cast %swap3A_43 : vector<1x16xf32> to vector<16xf32>
      %swap3A_45 = vector.shape_cast %broadcast_in_dim3A_41 : vector<16xf32> to vector<1x16xf32>
      tpu.vector_store %arg14[%swap3A, %swap3A_42], %swap3A_45 {strides = array<i32>} : memref<128x128xf32, #tpu.memory_space<vmem>>, vector<1x16xf32>,
      %broadcast_in_dim3A_46 = arith.constant 0.000000e+00 : f32
      %broadcast_in_dim3A_47 = vector.broadcast %broadcast_in_dim3A_46 : f32 to vector<16xf32>
      %swap3A_48 = arith.index_cast %scan3A_40 : i32 to index
      %swap3A_49 = arith.constant 16 : index
      %swap3A_50 = tpu.vector_load %arg14[%swap3A_48, %swap3A_49] {strides = array<i32>} : memref<128x128xf32, #tpu.memory_space<vmem>>, vector<1x16xf32>,
      %swap3A_51 = vector.shape_cast %swap3A_50 : vector<1x16xf32> to vector<16xf32>
      %swap3A_52 = vector.shape_cast %broadcast_in_dim3A_47 : vector<16xf32> to vector<1x16xf32>
      tpu.vector_store %arg14[%swap3A_48, %swap3A_49], %swap3A_52 {strides = array<i32>} : memref<128x128xf32, #tpu.memory_space<vmem>>, vector<1x16xf32>,
      %broadcast_in_dim3A_53 = arith.constant 0.000000e+00 : f32
      %broadcast_in_dim3A_54 = vector.broadcast %broadcast_in_dim3A_53 : f32 to vector<16xf32>
      %swap3A_55 = arith.index_cast %scan3A_40 : i32 to index
      %swap3A_56 = arith.constant 32 : index
      %swap3A_57 = tpu.vector_load %arg14[%swap3A_55, %swap3A_56] {strides = array<i32>} : memref<128x128xf32, #tpu.memory_space<vmem>>, vector<1x16xf32>,
      %swap3A_58 = vector.shape_cast %swap3A_57 : vector<1x16xf32> to vector<16xf32>
      %swap3A_59 = vector.shape_cast %broadcast_in_dim3A_54 : vector<16xf32> to vector<1x16xf32>
      tpu.vector_store %arg14[%swap3A_55, %swap3A_56], %swap3A_59 {strides = array<i32>} : memref<128x128xf32, #tpu.memory_space<vmem>>, vector<1x16xf32>,
      %broadcast_in_dim3A_60 = arith.constant 0.000000e+00 : f32
      %broadcast_in_dim3A_61 = vector.broadcast %broadcast_in_dim3A_60 : f32 to vector<16xf32>
      %swap3A_62 = arith.index_cast %scan3A_40 : i32 to index
      %swap3A_63 = arith.constant 48 : index
      %swap3A_64 = tpu.vector_load %arg14[%swap3A_62, %swap3A_63] {strides = array<i32>} : memref<128x128xf32, #tpu.memory_space<vmem>>, vector<1x16xf32>,
      %swap3A_65 = vector.shape_cast %swap3A_64 : vector<1x16xf32> to vector<16xf32>
      %swap3A_66 = vector.shape_cast %broadcast_in_dim3A_61 : vector<16xf32> to vector<1x16xf32>
      tpu.vector_store %arg14[%swap3A_62, %swap3A_63], %swap3A_66 {strides = array<i32>} : memref<128x128xf32, #tpu.memory_space<vmem>>, vector<1x16xf32>,
      %broadcast_in_dim3A_67 = arith.constant 0.000000e+00 : f32
      %broadcast_in_dim3A_68 = vector.broadcast %broadcast_in_dim3A_67 : f32 to vector<16xf32>
      %swap3A_69 = arith.index_cast %scan3A_40 : i32 to index
      %swap3A_70 = arith.constant 64 : index
      %swap3A_71 = tpu.vector_load %arg14[%swap3A_69, %swap3A_70] {strides = array<i32>} : memref<128x128xf32, #tpu.memory_space<vmem>>, vector<1x16xf32>,
      %swap3A_72 = vector.shape_cast %swap3A_71 : vector<1x16xf32> to vector<16xf32>
      %swap3A_73 = vector.shape_cast %broadcast_in_dim3A_68 : vector<16xf32> to vector<1x16xf32>
      tpu.vector_store %arg14[%swap3A_69, %swap3A_70], %swap3A_73 {strides = array<i32>} : memref<128x128xf32, #tpu.memory_space<vmem>>, vector<1x16xf32>,
      %broadcast_in_dim3A_74 = arith.constant 0.000000e+00 : f32
      %broadcast_in_dim3A_75 = vector.broadcast %broadcast_in_dim3A_74 : f32 to vector<16xf32>
      %swap3A_76 = arith.index_cast %scan3A_40 : i32 to index
      %swap3A_77 = arith.constant 80 : index
      %swap3A_78 = tpu.vector_load %arg14[%swap3A_76, %swap3A_77] {strides = array<i32>} : memref<128x128xf32, #tpu.memory_space<vmem>>, vector<1x16xf32>,
      %swap3A_79 = vector.shape_cast %swap3A_78 : vector<1x16xf32> to vector<16xf32>
      %swap3A_80 = vector.shape_cast %broadcast_in_dim3A_75 : vector<16xf32> to vector<1x16xf32>
      tpu.vector_store %arg14[%swap3A_76, %swap3A_77], %swap3A_80 {strides = array<i32>} : memref<128x128xf32, #tpu.memory_space<vmem>>, vector<1x16xf32>,
      %broadcast_in_dim3A_81 = arith.constant 0.000000e+00 : f32
      %broadcast_in_dim3A_82 = vector.broadcast %broadcast_in_dim3A_81 : f32 to vector<16xf32>
      %swap3A_83 = arith.index_cast %scan3A_40 : i32 to index
      %swap3A_84 = arith.constant 96 : index
      %swap3A_85 = tpu.vector_load %arg14[%swap3A_83, %swap3A_84] {strides = array<i32>} : memref<128x128xf32, #tpu.memory_space<vmem>>, vector<1x16xf32>,
      %swap3A_86 = vector.shape_cast %swap3A_85 : vector<1x16xf32> to vector<16xf32>
      %swap3A_87 = vector.shape_cast %broadcast_in_dim3A_82 : vector<16xf32> to vector<1x16xf32>
      tpu.vector_store %arg14[%swap3A_83, %swap3A_84], %swap3A_87 {strides = array<i32>} : memref<128x128xf32, #tpu.memory_space<vmem>>, vector<1x16xf32>,
      %broadcast_in_dim3A_88 = arith.constant 0.000000e+00 : f32
      %broadcast_in_dim3A_89 = vector.broadcast %broadcast_in_dim3A_88 : f32 to vector<16xf32>
      %swap3A_90 = arith.index_cast %scan3A_40 : i32 to index
      %swap3A_91 = arith.constant 112 : index
      %swap3A_92 = tpu.vector_load %arg14[%swap3A_90, %swap3A_91] {strides = array<i32>} : memref<128x128xf32, #tpu.memory_space<vmem>>, vector<1x16xf32>,
      %swap3A_93 = vector.shape_cast %swap3A_92 : vector<1x16xf32> to vector<16xf32>
      %swap3A_94 = vector.shape_cast %broadcast_in_dim3A_89 : vector<16xf32> to vector<1x16xf32>
      tpu.vector_store %arg14[%swap3A_90, %swap3A_91], %swap3A_94 {strides = array<i32>} : memref<128x128xf32, #tpu.memory_space<vmem>>, vector<1x16xf32>,
    }
    %scan3A_5 = arith.constant 128 : i32
    %mul3A_6 = arith.constant 640 : i32
    %mul3A_7 = arith.muli %arg1, %mul3A_6 : i32
    %add3A_8 = arith.constant 0 : i32
    %add3A_9 = arith.addi %mul3A_7, %add3A_8 : i32
    "tpu.region"() ({
      %run_scoped3A = tpu.sem_alloc : memref<!tpu.dma_semaphore, #tpu.memory_space<semaphore_mem>>
      %dma_start3A = arith.constant 0 : i32
      %dma_start3A_40 = tpu.memref_slice %arg10[%add3A_9, %dma_start3A] : memref<10240x128xf32, #tpu.memory_space<vmem_shared>> -> memref<128x128xf32, #tpu.memory_space<vmem_shared>>
      %dma_start3A_41 = arith.constant 0 : i32
      %dma_start3A_42 = tpu.memref_slice %arg10[%add3A_9, %dma_start3A_41] : memref<10240x128xf32, #tpu.memory_space<vmem_shared>> -> memref<128x128xf32, #tpu.memory_space<vmem_shared>>
      tpu.enqueue_dma source(%arg14 : memref<128x128xf32, #tpu.memory_space<vmem>>) target(%dma_start3A_42 : memref<128x128xf32, #tpu.memory_space<vmem_shared>>) target_semaphore(%run_scoped3A : memref<!tpu.dma_semaphore, #tpu.memory_space<semaphore_mem>>)
      %dma_wait3A = arith.constant 0 : i32
      %dma_wait3A_43 = tpu.memref_slice %arg10[%add3A_9, %dma_wait3A] : memref<10240x128xf32, #tpu.memory_space<vmem_shared>> -> memref<128x128xf32, #tpu.memory_space<vmem_shared>>
      %dma_wait3A_44 = arith.constant 0 : i32
      %dma_wait3A_45 = tpu.memref_slice %arg10[%add3A_9, %dma_wait3A_44] : memref<10240x128xf32, #tpu.memory_space<vmem_shared>> -> memref<128x128xf32, #tpu.memory_space<vmem_shared>>
      tpu.wait_dma2 semaphore(%run_scoped3A : memref<!tpu.dma_semaphore, #tpu.memory_space<semaphore_mem>>) src(%arg14 : memref<128x128xf32, #tpu.memory_space<vmem>>) dst(%dma_wait3A_45 : memref<128x128xf32, #tpu.memory_space<vmem_shared>>)
      tpu.yield
    }) : () -> ()
    %mul3A_10 = arith.constant 640 : i32
    %mul3A_11 = arith.muli %arg1, %mul3A_10 : i32
    %add3A_12 = arith.constant 128 : i32
    %add3A_13 = arith.addi %mul3A_11, %add3A_12 : i32
    "tpu.region"() ({
      %run_scoped3A = tpu.sem_alloc : memref<!tpu.dma_semaphore, #tpu.memory_space<semaphore_mem>>
      %dma_start3A = arith.constant 0 : i32
      %dma_start3A_40 = tpu.memref_slice %arg10[%add3A_13, %dma_start3A] : memref<10240x128xf32, #tpu.memory_space<vmem_shared>> -> memref<128x128xf32, #tpu.memory_space<vmem_shared>>
      %dma_start3A_41 = arith.constant 0 : i32
      %dma_start3A_42 = tpu.memref_slice %arg10[%add3A_13, %dma_start3A_41] : memref<10240x128xf32, #tpu.memory_space<vmem_shared>> -> memref<128x128xf32, #tpu.memory_space<vmem_shared>>
      tpu.enqueue_dma source(%arg14 : memref<128x128xf32, #tpu.memory_space<vmem>>) target(%dma_start3A_42 : memref<128x128xf32, #tpu.memory_space<vmem_shared>>) target_semaphore(%run_scoped3A : memref<!tpu.dma_semaphore, #tpu.memory_space<semaphore_mem>>)
      %dma_wait3A = arith.constant 0 : i32
      %dma_wait3A_43 = tpu.memref_slice %arg10[%add3A_13, %dma_wait3A] : memref<10240x128xf32, #tpu.memory_space<vmem_shared>> -> memref<128x128xf32, #tpu.memory_space<vmem_shared>>
      %dma_wait3A_44 = arith.constant 0 : i32
      %dma_wait3A_45 = tpu.memref_slice %arg10[%add3A_13, %dma_wait3A_44] : memref<10240x128xf32, #tpu.memory_space<vmem_shared>> -> memref<128x128xf32, #tpu.memory_space<vmem_shared>>
      tpu.wait_dma2 semaphore(%run_scoped3A : memref<!tpu.dma_semaphore, #tpu.memory_space<semaphore_mem>>) src(%arg14 : memref<128x128xf32, #tpu.memory_space<vmem>>) dst(%dma_wait3A_45 : memref<128x128xf32, #tpu.memory_space<vmem_shared>>)
      tpu.yield
    }) : () -> ()
    %mul3A_14 = arith.constant 640 : i32
    %mul3A_15 = arith.muli %arg1, %mul3A_14 : i32
    %add3A_16 = arith.constant 256 : i32
    %add3A_17 = arith.addi %mul3A_15, %add3A_16 : i32
    "tpu.region"() ({
      %run_scoped3A = tpu.sem_alloc : memref<!tpu.dma_semaphore, #tpu.memory_space<semaphore_mem>>
      %dma_start3A = arith.constant 0 : i32
      %dma_start3A_40 = tpu.memref_slice %arg10[%add3A_17, %dma_start3A] : memref<10240x128xf32, #tpu.memory_space<vmem_shared>> -> memref<128x128xf32, #tpu.memory_space<vmem_shared>>
      %dma_start3A_41 = arith.constant 0 : i32
      %dma_start3A_42 = tpu.memref_slice %arg10[%add3A_17, %dma_start3A_41] : memref<10240x128xf32, #tpu.memory_space<vmem_shared>> -> memref<128x128xf32, #tpu.memory_space<vmem_shared>>
      tpu.enqueue_dma source(%arg14 : memref<128x128xf32, #tpu.memory_space<vmem>>) target(%dma_start3A_42 : memref<128x128xf32, #tpu.memory_space<vmem_shared>>) target_semaphore(%run_scoped3A : memref<!tpu.dma_semaphore, #tpu.memory_space<semaphore_mem>>)
      %dma_wait3A = arith.constant 0 : i32
      %dma_wait3A_43 = tpu.memref_slice %arg10[%add3A_17, %dma_wait3A] : memref<10240x128xf32, #tpu.memory_space<vmem_shared>> -> memref<128x128xf32, #tpu.memory_space<vmem_shared>>
      %dma_wait3A_44 = arith.constant 0 : i32
      %dma_wait3A_45 = tpu.memref_slice %arg10[%add3A_17, %dma_wait3A_44] : memref<10240x128xf32, #tpu.memory_space<vmem_shared>> -> memref<128x128xf32, #tpu.memory_space<vmem_shared>>
      tpu.wait_dma2 semaphore(%run_scoped3A : memref<!tpu.dma_semaphore, #tpu.memory_space<semaphore_mem>>) src(%arg14 : memref<128x128xf32, #tpu.memory_space<vmem>>) dst(%dma_wait3A_45 : memref<128x128xf32, #tpu.memory_space<vmem_shared>>)
      tpu.yield
    }) : () -> ()
    %mul3A_18 = arith.constant 640 : i32
    %mul3A_19 = arith.muli %arg1, %mul3A_18 : i32
    %add3A_20 = arith.constant 384 : i32
    %add3A_21 = arith.addi %mul3A_19, %add3A_20 : i32
    "tpu.region"() ({
      %run_scoped3A = tpu.sem_alloc : memref<!tpu.dma_semaphore, #tpu.memory_space<semaphore_mem>>
      %dma_start3A = arith.constant 0 : i32
      %dma_start3A_40 = tpu.memref_slice %arg10[%add3A_21, %dma_start3A] : memref<10240x128xf32, #tpu.memory_space<vmem_shared>> -> memref<128x128xf32, #tpu.memory_space<vmem_shared>>
      %dma_start3A_41 = arith.constant 0 : i32
      %dma_start3A_42 = tpu.memref_slice %arg10[%add3A_21, %dma_start3A_41] : memref<10240x128xf32, #tpu.memory_space<vmem_shared>> -> memref<128x128xf32, #tpu.memory_space<vmem_shared>>
      tpu.enqueue_dma source(%arg14 : memref<128x128xf32, #tpu.memory_space<vmem>>) target(%dma_start3A_42 : memref<128x128xf32, #tpu.memory_space<vmem_shared>>) target_semaphore(%run_scoped3A : memref<!tpu.dma_semaphore, #tpu.memory_space<semaphore_mem>>)
      %dma_wait3A = arith.constant 0 : i32
      %dma_wait3A_43 = tpu.memref_slice %arg10[%add3A_21, %dma_wait3A] : memref<10240x128xf32, #tpu.memory_space<vmem_shared>> -> memref<128x128xf32, #tpu.memory_space<vmem_shared>>
      %dma_wait3A_44 = arith.constant 0 : i32
      %dma_wait3A_45 = tpu.memref_slice %arg10[%add3A_21, %dma_wait3A_44] : memref<10240x128xf32, #tpu.memory_space<vmem_shared>> -> memref<128x128xf32, #tpu.memory_space<vmem_shared>>
      tpu.wait_dma2 semaphore(%run_scoped3A : memref<!tpu.dma_semaphore, #tpu.memory_space<semaphore_mem>>) src(%arg14 : memref<128x128xf32, #tpu.memory_space<vmem>>) dst(%dma_wait3A_45 : memref<128x128xf32, #tpu.memory_space<vmem_shared>>)
      tpu.yield
    }) : () -> ()
    %mul3A_22 = arith.constant 640 : i32
    %mul3A_23 = arith.muli %arg1, %mul3A_22 : i32
    %add3A_24 = arith.constant 512 : i32
    %add3A_25 = arith.addi %mul3A_23, %add3A_24 : i32
    "tpu.region"() ({
      %run_scoped3A = tpu.sem_alloc : memref<!tpu.dma_semaphore, #tpu.memory_space<semaphore_mem>>
      %dma_start3A = arith.constant 0 : i32
      %dma_start3A_40 = tpu.memref_slice %arg10[%add3A_25, %dma_start3A] : memref<10240x128xf32, #tpu.memory_space<vmem_shared>> -> memref<128x128xf32, #tpu.memory_space<vmem_shared>>
      %dma_start3A_41 = arith.constant 0 : i32
      %dma_start3A_42 = tpu.memref_slice %arg10[%add3A_25, %dma_start3A_41] : memref<10240x128xf32, #tpu.memory_space<vmem_shared>> -> memref<128x128xf32, #tpu.memory_space<vmem_shared>>
      tpu.enqueue_dma source(%arg14 : memref<128x128xf32, #tpu.memory_space<vmem>>) target(%dma_start3A_42 : memref<128x128xf32, #tpu.memory_space<vmem_shared>>) target_semaphore(%run_scoped3A : memref<!tpu.dma_semaphore, #tpu.memory_space<semaphore_mem>>)
      %dma_wait3A = arith.constant 0 : i32
      %dma_wait3A_43 = tpu.memref_slice %arg10[%add3A_25, %dma_wait3A] : memref<10240x128xf32, #tpu.memory_space<vmem_shared>> -> memref<128x128xf32, #tpu.memory_space<vmem_shared>>
      %dma_wait3A_44 = arith.constant 0 : i32
      %dma_wait3A_45 = tpu.memref_slice %arg10[%add3A_25, %dma_wait3A_44] : memref<10240x128xf32, #tpu.memory_space<vmem_shared>> -> memref<128x128xf32, #tpu.memory_space<vmem_shared>>
      tpu.wait_dma2 semaphore(%run_scoped3A : memref<!tpu.dma_semaphore, #tpu.memory_space<semaphore_mem>>) src(%arg14 : memref<128x128xf32, #tpu.memory_space<vmem>>) dst(%dma_wait3A_45 : memref<128x128xf32, #tpu.memory_space<vmem_shared>>)
      tpu.yield
    }) : () -> ()
    "tpu.region"() ({
      %run_scoped3A = tpu.sem_alloc : memref<!tpu.dma_semaphore, #tpu.memory_space<semaphore_mem>>
      tpu.enqueue_dma source(%arg6 : memref<4x128xf32, #tpu.memory_space<hbm>>) target(%arg15 : memref<4x128xf32, #tpu.memory_space<vmem>>) target_semaphore(%run_scoped3A : memref<!tpu.dma_semaphore, #tpu.memory_space<semaphore_mem>>)
      tpu.wait_dma2 semaphore(%run_scoped3A : memref<!tpu.dma_semaphore, #tpu.memory_space<semaphore_mem>>) src(%arg6 : memref<4x128xf32, #tpu.memory_space<hbm>>) dst(%arg15 : memref<4x128xf32, #tpu.memory_space<vmem>>)
      tpu.yield
    }) : () -> ()
    "tpu.region"() ({
      %run_scoped3A = tpu.sem_alloc : memref<!tpu.dma_semaphore, #tpu.memory_space<semaphore_mem>>
      tpu.enqueue_dma source(%arg7 : memref<1x128xf32, #tpu.memory_space<hbm>>) target(%arg16 : memref<1x128xf32, #tpu.memory_space<vmem>>) target_semaphore(%run_scoped3A : memref<!tpu.dma_semaphore, #tpu.memory_space<semaphore_mem>>)
      tpu.wait_dma2 semaphore(%run_scoped3A : memref<!tpu.dma_semaphore, #tpu.memory_space<semaphore_mem>>) src(%arg7 : memref<1x128xf32, #tpu.memory_space<hbm>>) dst(%arg16 : memref<1x128xf32, #tpu.memory_space<vmem>>)
      tpu.yield
    }) : () -> ()
    %barrier3A = arith.constant 0 : index
    tpu.barrier barrier_id(%barrier3A)
    %scan3A_26 = arith.constant 0 : i32
    %scan3A_27 = arith.constant 0 : i32
    %scan3A_28 = arith.constant 79 : i32
    %scan3A_29 = arith.addi %scan3A_27, %scan3A_28 : i32
    %scan3A_30 = arith.constant 1 : i32
    scf.for %scan3A_40 = %scan3A_27 to %scan3A_29 step %scan3A_30  : i32 {
      %get3A = arith.constant 0 : i32
      %get3A_41 = arith.index_cast %get3A : i32 to index
      %get3A_42 = arith.constant 0 : index
      %get3A_43 = tpu.vector_load %arg15[%get3A_41, %get3A_42] {strides = array<i32>} : memref<4x128xf32, #tpu.memory_space<vmem>>, vector<1x16xf32>,
      %get3A_44 = vector.shape_cast %get3A_43 : vector<1x16xf32> to vector<16xf32>
      %get3A_45 = arith.constant 0 : i32
      %get3A_46 = arith.index_cast %get3A_45 : i32 to index
      %get3A_47 = arith.constant 16 : index
      %get3A_48 = tpu.vector_load %arg15[%get3A_46, %get3A_47] {strides = array<i32>} : memref<4x128xf32, #tpu.memory_space<vmem>>, vector<1x16xf32>,
      %get3A_49 = vector.shape_cast %get3A_48 : vector<1x16xf32> to vector<16xf32>
      %get3A_50 = arith.constant 0 : i32
      %get3A_51 = arith.index_cast %get3A_50 : i32 to index
      %get3A_52 = arith.constant 32 : index
      %get3A_53 = tpu.vector_load %arg15[%get3A_51, %get3A_52] {strides = array<i32>} : memref<4x128xf32, #tpu.memory_space<vmem>>, vector<1x16xf32>,
      %get3A_54 = vector.shape_cast %get3A_53 : vector<1x16xf32> to vector<16xf32>
      %get3A_55 = arith.constant 0 : i32
      %get3A_56 = arith.index_cast %get3A_55 : i32 to index
      %get3A_57 = arith.constant 48 : index
      %get3A_58 = tpu.vector_load %arg15[%get3A_56, %get3A_57] {strides = array<i32>} : memref<4x128xf32, #tpu.memory_space<vmem>>, vector<1x16xf32>,
      %get3A_59 = vector.shape_cast %get3A_58 : vector<1x16xf32> to vector<16xf32>
      %get3A_60 = arith.constant 0 : i32
      %get3A_61 = arith.index_cast %get3A_60 : i32 to index
      %get3A_62 = arith.constant 64 : index
      %get3A_63 = tpu.vector_load %arg15[%get3A_61, %get3A_62] {strides = array<i32>} : memref<4x128xf32, #tpu.memory_space<vmem>>, vector<1x16xf32>,
      %get3A_64 = vector.shape_cast %get3A_63 : vector<1x16xf32> to vector<16xf32>
      %get3A_65 = arith.constant 0 : i32
      %get3A_66 = arith.index_cast %get3A_65 : i32 to index
      %get3A_67 = arith.constant 80 : index
      %get3A_68 = tpu.vector_load %arg15[%get3A_66, %get3A_67] {strides = array<i32>} : memref<4x128xf32, #tpu.memory_space<vmem>>, vector<1x16xf32>,
      %get3A_69 = vector.shape_cast %get3A_68 : vector<1x16xf32> to vector<16xf32>
      %get3A_70 = arith.constant 0 : i32
      %get3A_71 = arith.index_cast %get3A_70 : i32 to index
      %get3A_72 = arith.constant 96 : index
      %get3A_73 = tpu.vector_load %arg15[%get3A_71, %get3A_72] {strides = array<i32>} : memref<4x128xf32, #tpu.memory_space<vmem>>, vector<1x16xf32>,
      %get3A_74 = vector.shape_cast %get3A_73 : vector<1x16xf32> to vector<16xf32>
      %get3A_75 = arith.constant 0 : i32
      %get3A_76 = arith.index_cast %get3A_75 : i32 to index
      %get3A_77 = arith.constant 112 : index
      %get3A_78 = tpu.vector_load %arg15[%get3A_76, %get3A_77] {strides = array<i32>} : memref<4x128xf32, #tpu.memory_space<vmem>>, vector<1x16xf32>,
      %get3A_79 = vector.shape_cast %get3A_78 : vector<1x16xf32> to vector<16xf32>
      %get3A_80 = arith.constant 1 : i32
      %get3A_81 = arith.index_cast %get3A_80 : i32 to index
      %get3A_82 = arith.constant 0 : index
      %get3A_83 = tpu.vector_load %arg15[%get3A_81, %get3A_82] {strides = array<i32>} : memref<4x128xf32, #tpu.memory_space<vmem>>, vector<1x16xf32>,
      %get3A_84 = vector.shape_cast %get3A_83 : vector<1x16xf32> to vector<16xf32>
      %get3A_85 = arith.constant 1 : i32
      %get3A_86 = arith.index_cast %get3A_85 : i32 to index
      %get3A_87 = arith.constant 16 : index
      %get3A_88 = tpu.vector_load %arg15[%get3A_86, %get3A_87] {strides = array<i32>} : memref<4x128xf32, #tpu.memory_space<vmem>>, vector<1x16xf32>,
      %get3A_89 = vector.shape_cast %get3A_88 : vector<1x16xf32> to vector<16xf32>
      %get3A_90 = arith.constant 1 : i32
      %get3A_91 = arith.index_cast %get3A_90 : i32 to index
      %get3A_92 = arith.constant 32 : index
      %get3A_93 = tpu.vector_load %arg15[%get3A_91, %get3A_92] {strides = array<i32>} : memref<4x128xf32, #tpu.memory_space<vmem>>, vector<1x16xf32>,
      %get3A_94 = vector.shape_cast %get3A_93 : vector<1x16xf32> to vector<16xf32>
      %get3A_95 = arith.constant 1 : i32
      %get3A_96 = arith.index_cast %get3A_95 : i32 to index
      %get3A_97 = arith.constant 48 : index
      %get3A_98 = tpu.vector_load %arg15[%get3A_96, %get3A_97] {strides = array<i32>} : memref<4x128xf32, #tpu.memory_space<vmem>>, vector<1x16xf32>,
      %get3A_99 = vector.shape_cast %get3A_98 : vector<1x16xf32> to vector<16xf32>
      %get3A_100 = arith.constant 1 : i32
      %get3A_101 = arith.index_cast %get3A_100 : i32 to index
      %get3A_102 = arith.constant 64 : index
      %get3A_103 = tpu.vector_load %arg15[%get3A_101, %get3A_102] {strides = array<i32>} : memref<4x128xf32, #tpu.memory_space<vmem>>, vector<1x16xf32>,
      %get3A_104 = vector.shape_cast %get3A_103 : vector<1x16xf32> to vector<16xf32>
      %get3A_105 = arith.constant 1 : i32
      %get3A_106 = arith.index_cast %get3A_105 : i32 to index
      %get3A_107 = arith.constant 80 : index
      %get3A_108 = tpu.vector_load %arg15[%get3A_106, %get3A_107] {strides = array<i32>} : memref<4x128xf32, #tpu.memory_space<vmem>>, vector<1x16xf32>,
      %get3A_109 = vector.shape_cast %get3A_108 : vector<1x16xf32> to vector<16xf32>
      %get3A_110 = arith.constant 1 : i32
      %get3A_111 = arith.index_cast %get3A_110 : i32 to index
      %get3A_112 = arith.constant 96 : index
      %get3A_113 = tpu.vector_load %arg15[%get3A_111, %get3A_112] {strides = array<i32>} : memref<4x128xf32, #tpu.memory_space<vmem>>, vector<1x16xf32>,
      %get3A_114 = vector.shape_cast %get3A_113 : vector<1x16xf32> to vector<16xf32>
      %get3A_115 = arith.constant 1 : i32
      %get3A_116 = arith.index_cast %get3A_115 : i32 to index
      %get3A_117 = arith.constant 112 : index
      %get3A_118 = tpu.vector_load %arg15[%get3A_116, %get3A_117] {strides = array<i32>} : memref<4x128xf32, #tpu.memory_space<vmem>>, vector<1x16xf32>,
      %get3A_119 = vector.shape_cast %get3A_118 : vector<1x16xf32> to vector<16xf32>
      %get3A_120 = arith.constant 2 : i32
      %get3A_121 = arith.index_cast %get3A_120 : i32 to index
      %get3A_122 = arith.constant 0 : index
      %get3A_123 = tpu.vector_load %arg15[%get3A_121, %get3A_122] {strides = array<i32>} : memref<4x128xf32, #tpu.memory_space<vmem>>, vector<1x16xf32>,
      %get3A_124 = vector.shape_cast %get3A_123 : vector<1x16xf32> to vector<16xf32>
      %get3A_125 = arith.constant 2 : i32
      %get3A_126 = arith.index_cast %get3A_125 : i32 to index
      %get3A_127 = arith.constant 16 : index
      %get3A_128 = tpu.vector_load %arg15[%get3A_126, %get3A_127] {strides = array<i32>} : memref<4x128xf32, #tpu.memory_space<vmem>>, vector<1x16xf32>,
      %get3A_129 = vector.shape_cast %get3A_128 : vector<1x16xf32> to vector<16xf32>
      %get3A_130 = arith.constant 2 : i32
      %get3A_131 = arith.index_cast %get3A_130 : i32 to index
      %get3A_132 = arith.constant 32 : index
      %get3A_133 = tpu.vector_load %arg15[%get3A_131, %get3A_132] {strides = array<i32>} : memref<4x128xf32, #tpu.memory_space<vmem>>, vector<1x16xf32>,
      %get3A_134 = vector.shape_cast %get3A_133 : vector<1x16xf32> to vector<16xf32>
      %get3A_135 = arith.constant 2 : i32
      %get3A_136 = arith.index_cast %get3A_135 : i32 to index
      %get3A_137 = arith.constant 48 : index
      %get3A_138 = tpu.vector_load %arg15[%get3A_136, %get3A_137] {strides = array<i32>} : memref<4x128xf32, #tpu.memory_space<vmem>>, vector<1x16xf32>,
      %get3A_139 = vector.shape_cast %get3A_138 : vector<1x16xf32> to vector<16xf32>
      %get3A_140 = arith.constant 2 : i32
      %get3A_141 = arith.index_cast %get3A_140 : i32 to index
      %get3A_142 = arith.constant 64 : index
      %get3A_143 = tpu.vector_load %arg15[%get3A_141, %get3A_142] {strides = array<i32>} : memref<4x128xf32, #tpu.memory_space<vmem>>, vector<1x16xf32>,
      %get3A_144 = vector.shape_cast %get3A_143 : vector<1x16xf32> to vector<16xf32>
      %get3A_145 = arith.constant 2 : i32
      %get3A_146 = arith.index_cast %get3A_145 : i32 to index
      %get3A_147 = arith.constant 80 : index
      %get3A_148 = tpu.vector_load %arg15[%get3A_146, %get3A_147] {strides = array<i32>} : memref<4x128xf32, #tpu.memory_space<vmem>>, vector<1x16xf32>,
      %get3A_149 = vector.shape_cast %get3A_148 : vector<1x16xf32> to vector<16xf32>
      %get3A_150 = arith.constant 2 : i32
      %get3A_151 = arith.index_cast %get3A_150 : i32 to index
      %get3A_152 = arith.constant 96 : index
      %get3A_153 = tpu.vector_load %arg15[%get3A_151, %get3A_152] {strides = array<i32>} : memref<4x128xf32, #tpu.memory_space<vmem>>, vector<1x16xf32>,
      %get3A_154 = vector.shape_cast %get3A_153 : vector<1x16xf32> to vector<16xf32>
      %get3A_155 = arith.constant 2 : i32
      %get3A_156 = arith.index_cast %get3A_155 : i32 to index
      %get3A_157 = arith.constant 112 : index
      %get3A_158 = tpu.vector_load %arg15[%get3A_156, %get3A_157] {strides = array<i32>} : memref<4x128xf32, #tpu.memory_space<vmem>>, vector<1x16xf32>,
      %get3A_159 = vector.shape_cast %get3A_158 : vector<1x16xf32> to vector<16xf32>
      %get3A_160 = arith.constant 3 : i32
      %get3A_161 = arith.index_cast %get3A_160 : i32 to index
      %get3A_162 = arith.constant 0 : index
      %get3A_163 = tpu.vector_load %arg15[%get3A_161, %get3A_162] {strides = array<i32>} : memref<4x128xf32, #tpu.memory_space<vmem>>, vector<1x16xf32>,
      %get3A_164 = vector.shape_cast %get3A_163 : vector<1x16xf32> to vector<16xf32>
      %get3A_165 = arith.constant 3 : i32
      %get3A_166 = arith.index_cast %get3A_165 : i32 to index
      %get3A_167 = arith.constant 16 : index
      %get3A_168 = tpu.vector_load %arg15[%get3A_166, %get3A_167] {strides = array<i32>} : memref<4x128xf32, #tpu.memory_space<vmem>>, vector<1x16xf32>,
      %get3A_169 = vector.shape_cast %get3A_168 : vector<1x16xf32> to vector<16xf32>
      %get3A_170 = arith.constant 3 : i32
      %get3A_171 = arith.index_cast %get3A_170 : i32 to index
      %get3A_172 = arith.constant 32 : index
      %get3A_173 = tpu.vector_load %arg15[%get3A_171, %get3A_172] {strides = array<i32>} : memref<4x128xf32, #tpu.memory_space<vmem>>, vector<1x16xf32>,
      %get3A_174 = vector.shape_cast %get3A_173 : vector<1x16xf32> to vector<16xf32>
      %get3A_175 = arith.constant 3 : i32
      %get3A_176 = arith.index_cast %get3A_175 : i32 to index
      %get3A_177 = arith.constant 48 : index
      %get3A_178 = tpu.vector_load %arg15[%get3A_176, %get3A_177] {strides = array<i32>} : memref<4x128xf32, #tpu.memory_space<vmem>>, vector<1x16xf32>,
      %get3A_179 = vector.shape_cast %get3A_178 : vector<1x16xf32> to vector<16xf32>
      %get3A_180 = arith.constant 3 : i32
      %get3A_181 = arith.index_cast %get3A_180 : i32 to index
      %get3A_182 = arith.constant 64 : index
      %get3A_183 = tpu.vector_load %arg15[%get3A_181, %get3A_182] {strides = array<i32>} : memref<4x128xf32, #tpu.memory_space<vmem>>, vector<1x16xf32>,
      %get3A_184 = vector.shape_cast %get3A_183 : vector<1x16xf32> to vector<16xf32>
      %get3A_185 = arith.constant 3 : i32
      %get3A_186 = arith.index_cast %get3A_185 : i32 to index
      %get3A_187 = arith.constant 80 : index
      %get3A_188 = tpu.vector_load %arg15[%get3A_186, %get3A_187] {strides = array<i32>} : memref<4x128xf32, #tpu.memory_space<vmem>>, vector<1x16xf32>,
      %get3A_189 = vector.shape_cast %get3A_188 : vector<1x16xf32> to vector<16xf32>
      %get3A_190 = arith.constant 3 : i32
      %get3A_191 = arith.index_cast %get3A_190 : i32 to index
      %get3A_192 = arith.constant 96 : index
      %get3A_193 = tpu.vector_load %arg15[%get3A_191, %get3A_192] {strides = array<i32>} : memref<4x128xf32, #tpu.memory_space<vmem>>, vector<1x16xf32>,
      %get3A_194 = vector.shape_cast %get3A_193 : vector<1x16xf32> to vector<16xf32>
      %get3A_195 = arith.constant 3 : i32
      %get3A_196 = arith.index_cast %get3A_195 : i32 to index
      %get3A_197 = arith.constant 112 : index
      %get3A_198 = tpu.vector_load %arg15[%get3A_196, %get3A_197] {strides = array<i32>} : memref<4x128xf32, #tpu.memory_space<vmem>>, vector<1x16xf32>,
      %get3A_199 = vector.shape_cast %get3A_198 : vector<1x16xf32> to vector<16xf32>
      %get3A_200 = arith.constant 0 : i32
      %get3A_201 = arith.index_cast %get3A_200 : i32 to index
      %get3A_202 = arith.constant 0 : index
      %get3A_203 = tpu.vector_load %arg16[%get3A_201, %get3A_202] {strides = array<i32>} : memref<1x128xf32, #tpu.memory_space<vmem>>, vector<1x16xf32>,
      %get3A_204 = vector.shape_cast %get3A_203 : vector<1x16xf32> to vector<16xf32>
      %get3A_205 = arith.constant 0 : i32
      %get3A_206 = arith.index_cast %get3A_205 : i32 to index
      %get3A_207 = arith.constant 16 : index
      %get3A_208 = tpu.vector_load %arg16[%get3A_206, %get3A_207] {strides = array<i32>} : memref<1x128xf32, #tpu.memory_space<vmem>>, vector<1x16xf32>,
      %get3A_209 = vector.shape_cast %get3A_208 : vector<1x16xf32> to vector<16xf32>
      %get3A_210 = arith.constant 0 : i32
      %get3A_211 = arith.index_cast %get3A_210 : i32 to index
      %get3A_212 = arith.constant 32 : index
      %get3A_213 = tpu.vector_load %arg16[%get3A_211, %get3A_212] {strides = array<i32>} : memref<1x128xf32, #tpu.memory_space<vmem>>, vector<1x16xf32>,
      %get3A_214 = vector.shape_cast %get3A_213 : vector<1x16xf32> to vector<16xf32>
      %get3A_215 = arith.constant 0 : i32
      %get3A_216 = arith.index_cast %get3A_215 : i32 to index
      %get3A_217 = arith.constant 48 : index
      %get3A_218 = tpu.vector_load %arg16[%get3A_216, %get3A_217] {strides = array<i32>} : memref<1x128xf32, #tpu.memory_space<vmem>>, vector<1x16xf32>,
      %get3A_219 = vector.shape_cast %get3A_218 : vector<1x16xf32> to vector<16xf32>
      %get3A_220 = arith.constant 0 : i32
      %get3A_221 = arith.index_cast %get3A_220 : i32 to index
      %get3A_222 = arith.constant 64 : index
      %get3A_223 = tpu.vector_load %arg16[%get3A_221, %get3A_222] {strides = array<i32>} : memref<1x128xf32, #tpu.memory_space<vmem>>, vector<1x16xf32>,
      %get3A_224 = vector.shape_cast %get3A_223 : vector<1x16xf32> to vector<16xf32>
      %get3A_225 = arith.constant 0 : i32
      %get3A_226 = arith.index_cast %get3A_225 : i32 to index
      %get3A_227 = arith.constant 80 : index
      %get3A_228 = tpu.vector_load %arg16[%get3A_226, %get3A_227] {strides = array<i32>} : memref<1x128xf32, #tpu.memory_space<vmem>>, vector<1x16xf32>,
      %get3A_229 = vector.shape_cast %get3A_228 : vector<1x16xf32> to vector<16xf32>
      %get3A_230 = arith.constant 0 : i32
      %get3A_231 = arith.index_cast %get3A_230 : i32 to index
      %get3A_232 = arith.constant 96 : index
      %get3A_233 = tpu.vector_load %arg16[%get3A_231, %get3A_232] {strides = array<i32>} : memref<1x128xf32, #tpu.memory_space<vmem>>, vector<1x16xf32>,
      %get3A_234 = vector.shape_cast %get3A_233 : vector<1x16xf32> to vector<16xf32>
      %get3A_235 = arith.constant 0 : i32
      %get3A_236 = arith.index_cast %get3A_235 : i32 to index
      %get3A_237 = arith.constant 112 : index
      %get3A_238 = tpu.vector_load %arg16[%get3A_236, %get3A_237] {strides = array<i32>} : memref<1x128xf32, #tpu.memory_space<vmem>>, vector<1x16xf32>,
      %get3A_239 = vector.shape_cast %get3A_238 : vector<1x16xf32> to vector<16xf32>
      %mul3A_240 = arith.constant 10112 : i32
      %mul3A_241 = arith.muli %add3A, %mul3A_240 : i32
      %mul3A_242 = arith.constant 128 : i32
      %mul3A_243 = arith.muli %scan3A_40, %mul3A_242 : i32
      %add3A_244 = arith.addi %mul3A_241, %mul3A_243 : i32
      "tpu.region"() ({
        %run_scoped3A = tpu.sem_alloc : memref<!tpu.dma_semaphore, #tpu.memory_space<semaphore_mem>>
        %dma_start3A_257 = tpu.memref_slice %arg3[%add3A_244] : memref<323584xi32, #tpu.memory_space<hbm>> -> memref<128xi32, #tpu.memory_space<hbm>>
        %dma_start3A_258 = tpu.memref_slice %arg3[%add3A_244] : memref<323584xi32, #tpu.memory_space<hbm>> -> memref<128xi32, #tpu.memory_space<hbm>>
        tpu.enqueue_dma source(%dma_start3A_258 : memref<128xi32, #tpu.memory_space<hbm>>) target(%arg11 : memref<128xi32, #tpu.memory_space<vmem>>) target_semaphore(%run_scoped3A : memref<!tpu.dma_semaphore, #tpu.memory_space<semaphore_mem>>)
        %dma_wait3A_259 = tpu.memref_slice %arg3[%add3A_244] : memref<323584xi32, #tpu.memory_space<hbm>> -> memref<128xi32, #tpu.memory_space<hbm>>
        %dma_wait3A_260 = tpu.memref_slice %arg3[%add3A_244] : memref<323584xi32, #tpu.memory_space<hbm>> -> memref<128xi32, #tpu.memory_space<hbm>>
        tpu.wait_dma2 semaphore(%run_scoped3A : memref<!tpu.dma_semaphore, #tpu.memory_space<semaphore_mem>>) src(%dma_wait3A_260 : memref<128xi32, #tpu.memory_space<hbm>>) dst(%arg11 : memref<128xi32, #tpu.memory_space<vmem>>)
        tpu.yield
      }) : () -> ()
      "tpu.region"() ({
        %run_scoped3A = tpu.sem_alloc : memref<!tpu.dma_semaphore, #tpu.memory_space<semaphore_mem>>
        %dma_start3A_257 = tpu.memref_slice %arg4[%add3A_244] : memref<323584xi32, #tpu.memory_space<hbm>> -> memref<128xi32, #tpu.memory_space<hbm>>
        %dma_start3A_258 = tpu.memref_slice %arg4[%add3A_244] : memref<323584xi32, #tpu.memory_space<hbm>> -> memref<128xi32, #tpu.memory_space<hbm>>
        tpu.enqueue_dma source(%dma_start3A_258 : memref<128xi32, #tpu.memory_space<hbm>>) target(%arg12 : memref<128xi32, #tpu.memory_space<vmem>>) target_semaphore(%run_scoped3A : memref<!tpu.dma_semaphore, #tpu.memory_space<semaphore_mem>>)
        %dma_wait3A_259 = tpu.memref_slice %arg4[%add3A_244] : memref<323584xi32, #tpu.memory_space<hbm>> -> memref<128xi32, #tpu.memory_space<hbm>>
        %dma_wait3A_260 = tpu.memref_slice %arg4[%add3A_244] : memref<323584xi32, #tpu.memory_space<hbm>> -> memref<128xi32, #tpu.memory_space<hbm>>
        tpu.wait_dma2 semaphore(%run_scoped3A : memref<!tpu.dma_semaphore, #tpu.memory_space<semaphore_mem>>) src(%dma_wait3A_260 : memref<128xi32, #tpu.memory_space<hbm>>) dst(%arg12 : memref<128xi32, #tpu.memory_space<vmem>>)
        tpu.yield
      }) : () -> ()
      %mul3A_245 = arith.constant 4 : i32
      %mul3A_246 = arith.muli %add3A_244, %mul3A_245 : i32
      "tpu.region"() ({
        %run_scoped3A = tpu.sem_alloc : memref<!tpu.dma_semaphore, #tpu.memory_space<semaphore_mem>>
        %dma_start3A_257 = arith.constant 0 : i32
        %dma_start3A_258 = tpu.memref_slice %arg13[%dma_start3A_257] : memref<528xf32, #tpu.memory_space<vmem>> -> memref<512xf32, #tpu.memory_space<vmem>>
        %dma_start3A_259 = tpu.memref_slice %arg5[%mul3A_246] : memref<1294336xf32, #tpu.memory_space<hbm>> -> memref<512xf32, #tpu.memory_space<hbm>>
        %dma_start3A_260 = arith.constant 0 : i32
        %dma_start3A_261 = tpu.memref_slice %arg13[%dma_start3A_260] : memref<528xf32, #tpu.memory_space<vmem>> -> memref<512xf32, #tpu.memory_space<vmem>>
        %dma_start3A_262 = tpu.memref_slice %arg5[%mul3A_246] : memref<1294336xf32, #tpu.memory_space<hbm>> -> memref<512xf32, #tpu.memory_space<hbm>>
        tpu.enqueue_dma source(%dma_start3A_262 : memref<512xf32, #tpu.memory_space<hbm>>) target(%dma_start3A_261 : memref<512xf32, #tpu.memory_space<vmem>>) target_semaphore(%run_scoped3A : memref<!tpu.dma_semaphore, #tpu.memory_space<semaphore_mem>>)
        %dma_wait3A_263 = arith.constant 0 : i32
        %dma_wait3A_264 = tpu.memref_slice %arg13[%dma_wait3A_263] : memref<528xf32, #tpu.memory_space<vmem>> -> memref<512xf32, #tpu.memory_space<vmem>>
        %dma_wait3A_265 = tpu.memref_slice %arg5[%mul3A_246] : memref<1294336xf32, #tpu.memory_space<hbm>> -> memref<512xf32, #tpu.memory_space<hbm>>
        %dma_wait3A_266 = arith.constant 0 : i32
        %dma_wait3A_267 = tpu.memref_slice %arg13[%dma_wait3A_266] : memref<528xf32, #tpu.memory_space<vmem>> -> memref<512xf32, #tpu.memory_space<vmem>>
        %dma_wait3A_268 = tpu.memref_slice %arg5[%mul3A_246] : memref<1294336xf32, #tpu.memory_space<hbm>> -> memref<512xf32, #tpu.memory_space<hbm>>
        tpu.wait_dma2 semaphore(%run_scoped3A : memref<!tpu.dma_semaphore, #tpu.memory_space<semaphore_mem>>) src(%dma_wait3A_268 : memref<512xf32, #tpu.memory_space<hbm>>) dst(%dma_wait3A_267 : memref<512xf32, #tpu.memory_space<vmem>>)
        tpu.yield
      }) : () -> ()
      %dma_start3A = arith.constant 0 : i32
      %dma_start3A_247 = arith.constant 0 : i32
      %dma_start3A_248 = tpu.memref_slice %arg2[%dma_start3A, %dma_start3A_247] : memref<10240x128xf32, #tpu.memory_space<hbm>> -> memref<10240x128xf32, #tpu.memory_space<hbm>>
      tpu.enqueue_indirect_dma source(%dma_start3A_248 : memref<10240x128xf32, #tpu.memory_space<hbm>>) target(%arg14 : memref<128x128xf32, #tpu.memory_space<vmem>>) offsets(%arg11 : memref<128xi32, #tpu.memory_space<vmem>>) semaphore(%arg17 : memref<!tpu.dma_semaphore, #tpu.memory_space<semaphore_mem>>)
      %dma_wait3A = arith.constant 0 : i32
      %dma_wait3A_249 = arith.constant 0 : i32
      %dma_wait3A_250 = tpu.memref_slice %arg2[%dma_wait3A, %dma_wait3A_249] : memref<10240x128xf32, #tpu.memory_space<hbm>> -> memref<10240x128xf32, #tpu.memory_space<hbm>>
      tpu.wait_indirect_dma semaphore(%arg17 : memref<!tpu.dma_semaphore, #tpu.memory_space<semaphore_mem>>) src(%dma_wait3A_250 : memref<10240x128xf32, #tpu.memory_space<hbm>>) dst(%arg14 : memref<128x128xf32, #tpu.memory_space<vmem>>)
      %scan3A_251 = arith.constant 0 : i32
      %scan3A_252 = arith.constant 0 : i32
      %scan3A_253 = arith.constant 128 : i32
      %scan3A_254 = arith.addi %scan3A_252, %scan3A_253 : i32
      %scan3A_255 = arith.constant 1 : i32
      scf.for %scan3A_257 = %scan3A_252 to %scan3A_254 step %scan3A_255  : i32 {
        %mul3A_258 = arith.constant 4 : i32
        %mul3A_259 = arith.muli %scan3A_257, %mul3A_258 : i32
        %get3A_260 = arith.index_cast %mul3A_259 : i32 to index
        %get3A_261 = tpu.vector_load %arg13[%get3A_260] {strides = array<i32>} : memref<528xf32, #tpu.memory_space<vmem>>, vector<16xf32>,
        %get3A_262 = vector.shape_cast %get3A_261 : vector<16xf32> to vector<16xf32>
        %slice3A = vector.extract_strided_slice %get3A_262 {offsets = [0], sizes = [1], strides = [1]} : vector<16xf32> to vector<1xf32>
        %squeeze3A = vector.extract %slice3A[0] : f32 from vector<1xf32>
        %slice3A_263 = vector.extract_strided_slice %get3A_262 {offsets = [1], sizes = [1], strides = [1]} : vector<16xf32> to vector<1xf32>
        %squeeze3A_264 = vector.extract %slice3A_263[0] : f32 from vector<1xf32>
        %slice3A_265 = vector.extract_strided_slice %get3A_262 {offsets = [2], sizes = [1], strides = [1]} : vector<16xf32> to vector<1xf32>
        %squeeze3A_266 = vector.extract %slice3A_265[0] : f32 from vector<1xf32>
        %slice3A_267 = vector.extract_strided_slice %get3A_262 {offsets = [3], sizes = [1], strides = [1]} : vector<16xf32> to vector<1xf32>
        %squeeze3A_268 = vector.extract %slice3A_267[0] : f32 from vector<1xf32>
        %mul3A_269 = vector.broadcast %squeeze3A : f32 to vector<16xf32>
        %mul3A_270 = arith.mulf %mul3A_269, %get3A_44 : vector<16xf32>
        %mul3A_271 = vector.broadcast %squeeze3A_264 : f32 to vector<16xf32>
        %mul3A_272 = arith.mulf %mul3A_271, %get3A_84 : vector<16xf32>
        %add3A_273 = arith.addf %mul3A_270, %mul3A_272 : vector<16xf32>
        %mul3A_274 = vector.broadcast %squeeze3A_266 : f32 to vector<16xf32>
        %mul3A_275 = arith.mulf %mul3A_274, %get3A_124 : vector<16xf32>
        %add3A_276 = arith.addf %add3A_273, %mul3A_275 : vector<16xf32>
        %mul3A_277 = vector.broadcast %squeeze3A_268 : f32 to vector<16xf32>
        %mul3A_278 = arith.mulf %mul3A_277, %get3A_164 : vector<16xf32>
        %add3A_279 = arith.addf %add3A_276, %mul3A_278 : vector<16xf32>
        %get3A_280 = arith.index_cast %scan3A_257 : i32 to index
        %get3A_281 = arith.constant 0 : index
        %get3A_282 = tpu.vector_load %arg14[%get3A_280, %get3A_281] {strides = array<i32>} : memref<128x128xf32, #tpu.memory_space<vmem>>, vector<1x16xf32>,
        %get3A_283 = vector.shape_cast %get3A_282 : vector<1x16xf32> to vector<16xf32>
        %add3A_284 = arith.addf %add3A_279, %get3A_204 : vector<16xf32>
        %add3A_285 = arith.addf %get3A_283, %add3A_284 : vector<16xf32>
        %max3A = arith.constant 0.000000e+00 : f32
        %max3A_286 = vector.broadcast %max3A : f32 to vector<16xf32>
        %max3A_287 = arith.maximumf %add3A_285, %max3A_286 : vector<16xf32>
        %swap3A = arith.index_cast %scan3A_257 : i32 to index
        %swap3A_288 = arith.constant 0 : index
        %swap3A_289 = tpu.vector_load %arg14[%swap3A, %swap3A_288] {strides = array<i32>} : memref<128x128xf32, #tpu.memory_space<vmem>>, vector<1x16xf32>,
        %swap3A_290 = vector.shape_cast %swap3A_289 : vector<1x16xf32> to vector<16xf32>
        %swap3A_291 = vector.shape_cast %max3A_287 : vector<16xf32> to vector<1x16xf32>
        tpu.vector_store %arg14[%swap3A, %swap3A_288], %swap3A_291 {strides = array<i32>} : memref<128x128xf32, #tpu.memory_space<vmem>>, vector<1x16xf32>,
        %mul3A_292 = vector.broadcast %squeeze3A : f32 to vector<16xf32>
        %mul3A_293 = arith.mulf %mul3A_292, %get3A_49 : vector<16xf32>
        %mul3A_294 = vector.broadcast %squeeze3A_264 : f32 to vector<16xf32>
        %mul3A_295 = arith.mulf %mul3A_294, %get3A_89 : vector<16xf32>
        %add3A_296 = arith.addf %mul3A_293, %mul3A_295 : vector<16xf32>
        %mul3A_297 = vector.broadcast %squeeze3A_266 : f32 to vector<16xf32>
        %mul3A_298 = arith.mulf %mul3A_297, %get3A_129 : vector<16xf32>
        %add3A_299 = arith.addf %add3A_296, %mul3A_298 : vector<16xf32>
        %mul3A_300 = vector.broadcast %squeeze3A_268 : f32 to vector<16xf32>
        %mul3A_301 = arith.mulf %mul3A_300, %get3A_169 : vector<16xf32>
        %add3A_302 = arith.addf %add3A_299, %mul3A_301 : vector<16xf32>
        %get3A_303 = arith.index_cast %scan3A_257 : i32 to index
        %get3A_304 = arith.constant 16 : index
        %get3A_305 = tpu.vector_load %arg14[%get3A_303, %get3A_304] {strides = array<i32>} : memref<128x128xf32, #tpu.memory_space<vmem>>, vector<1x16xf32>,
        %get3A_306 = vector.shape_cast %get3A_305 : vector<1x16xf32> to vector<16xf32>
        %add3A_307 = arith.addf %add3A_302, %get3A_209 : vector<16xf32>
        %add3A_308 = arith.addf %get3A_306, %add3A_307 : vector<16xf32>
        %max3A_309 = arith.constant 0.000000e+00 : f32
        %max3A_310 = vector.broadcast %max3A_309 : f32 to vector<16xf32>
        %max3A_311 = arith.maximumf %add3A_308, %max3A_310 : vector<16xf32>
        %swap3A_312 = arith.index_cast %scan3A_257 : i32 to index
        %swap3A_313 = arith.constant 16 : index
        %swap3A_314 = tpu.vector_load %arg14[%swap3A_312, %swap3A_313] {strides = array<i32>} : memref<128x128xf32, #tpu.memory_space<vmem>>, vector<1x16xf32>,
        %swap3A_315 = vector.shape_cast %swap3A_314 : vector<1x16xf32> to vector<16xf32>
        %swap3A_316 = vector.shape_cast %max3A_311 : vector<16xf32> to vector<1x16xf32>
        tpu.vector_store %arg14[%swap3A_312, %swap3A_313], %swap3A_316 {strides = array<i32>} : memref<128x128xf32, #tpu.memory_space<vmem>>, vector<1x16xf32>,
        %mul3A_317 = vector.broadcast %squeeze3A : f32 to vector<16xf32>
        %mul3A_318 = arith.mulf %mul3A_317, %get3A_54 : vector<16xf32>
        %mul3A_319 = vector.broadcast %squeeze3A_264 : f32 to vector<16xf32>
        %mul3A_320 = arith.mulf %mul3A_319, %get3A_94 : vector<16xf32>
        %add3A_321 = arith.addf %mul3A_318, %mul3A_320 : vector<16xf32>
        %mul3A_322 = vector.broadcast %squeeze3A_266 : f32 to vector<16xf32>
        %mul3A_323 = arith.mulf %mul3A_322, %get3A_134 : vector<16xf32>
        %add3A_324 = arith.addf %add3A_321, %mul3A_323 : vector<16xf32>
        %mul3A_325 = vector.broadcast %squeeze3A_268 : f32 to vector<16xf32>
        %mul3A_326 = arith.mulf %mul3A_325, %get3A_174 : vector<16xf32>
        %add3A_327 = arith.addf %add3A_324, %mul3A_326 : vector<16xf32>
        %get3A_328 = arith.index_cast %scan3A_257 : i32 to index
        %get3A_329 = arith.constant 32 : index
        %get3A_330 = tpu.vector_load %arg14[%get3A_328, %get3A_329] {strides = array<i32>} : memref<128x128xf32, #tpu.memory_space<vmem>>, vector<1x16xf32>,
        %get3A_331 = vector.shape_cast %get3A_330 : vector<1x16xf32> to vector<16xf32>
        %add3A_332 = arith.addf %add3A_327, %get3A_214 : vector<16xf32>
        %add3A_333 = arith.addf %get3A_331, %add3A_332 : vector<16xf32>
        %max3A_334 = arith.constant 0.000000e+00 : f32
        %max3A_335 = vector.broadcast %max3A_334 : f32 to vector<16xf32>
        %max3A_336 = arith.maximumf %add3A_333, %max3A_335 : vector<16xf32>
        %swap3A_337 = arith.index_cast %scan3A_257 : i32 to index
        %swap3A_338 = arith.constant 32 : index
        %swap3A_339 = tpu.vector_load %arg14[%swap3A_337, %swap3A_338] {strides = array<i32>} : memref<128x128xf32, #tpu.memory_space<vmem>>, vector<1x16xf32>,
        %swap3A_340 = vector.shape_cast %swap3A_339 : vector<1x16xf32> to vector<16xf32>
        %swap3A_341 = vector.shape_cast %max3A_336 : vector<16xf32> to vector<1x16xf32>
        tpu.vector_store %arg14[%swap3A_337, %swap3A_338], %swap3A_341 {strides = array<i32>} : memref<128x128xf32, #tpu.memory_space<vmem>>, vector<1x16xf32>,
        %mul3A_342 = vector.broadcast %squeeze3A : f32 to vector<16xf32>
        %mul3A_343 = arith.mulf %mul3A_342, %get3A_59 : vector<16xf32>
        %mul3A_344 = vector.broadcast %squeeze3A_264 : f32 to vector<16xf32>
        %mul3A_345 = arith.mulf %mul3A_344, %get3A_99 : vector<16xf32>
        %add3A_346 = arith.addf %mul3A_343, %mul3A_345 : vector<16xf32>
        %mul3A_347 = vector.broadcast %squeeze3A_266 : f32 to vector<16xf32>
        %mul3A_348 = arith.mulf %mul3A_347, %get3A_139 : vector<16xf32>
        %add3A_349 = arith.addf %add3A_346, %mul3A_348 : vector<16xf32>
        %mul3A_350 = vector.broadcast %squeeze3A_268 : f32 to vector<16xf32>
        %mul3A_351 = arith.mulf %mul3A_350, %get3A_179 : vector<16xf32>
        %add3A_352 = arith.addf %add3A_349, %mul3A_351 : vector<16xf32>
        %get3A_353 = arith.index_cast %scan3A_257 : i32 to index
        %get3A_354 = arith.constant 48 : index
        %get3A_355 = tpu.vector_load %arg14[%get3A_353, %get3A_354] {strides = array<i32>} : memref<128x128xf32, #tpu.memory_space<vmem>>, vector<1x16xf32>,
        %get3A_356 = vector.shape_cast %get3A_355 : vector<1x16xf32> to vector<16xf32>
        %add3A_357 = arith.addf %add3A_352, %get3A_219 : vector<16xf32>
        %add3A_358 = arith.addf %get3A_356, %add3A_357 : vector<16xf32>
        %max3A_359 = arith.constant 0.000000e+00 : f32
        %max3A_360 = vector.broadcast %max3A_359 : f32 to vector<16xf32>
        %max3A_361 = arith.maximumf %add3A_358, %max3A_360 : vector<16xf32>
        %swap3A_362 = arith.index_cast %scan3A_257 : i32 to index
        %swap3A_363 = arith.constant 48 : index
        %swap3A_364 = tpu.vector_load %arg14[%swap3A_362, %swap3A_363] {strides = array<i32>} : memref<128x128xf32, #tpu.memory_space<vmem>>, vector<1x16xf32>,
        %swap3A_365 = vector.shape_cast %swap3A_364 : vector<1x16xf32> to vector<16xf32>
        %swap3A_366 = vector.shape_cast %max3A_361 : vector<16xf32> to vector<1x16xf32>
        tpu.vector_store %arg14[%swap3A_362, %swap3A_363], %swap3A_366 {strides = array<i32>} : memref<128x128xf32, #tpu.memory_space<vmem>>, vector<1x16xf32>,
        %mul3A_367 = vector.broadcast %squeeze3A : f32 to vector<16xf32>
        %mul3A_368 = arith.mulf %mul3A_367, %get3A_64 : vector<16xf32>
        %mul3A_369 = vector.broadcast %squeeze3A_264 : f32 to vector<16xf32>
        %mul3A_370 = arith.mulf %mul3A_369, %get3A_104 : vector<16xf32>
        %add3A_371 = arith.addf %mul3A_368, %mul3A_370 : vector<16xf32>
        %mul3A_372 = vector.broadcast %squeeze3A_266 : f32 to vector<16xf32>
        %mul3A_373 = arith.mulf %mul3A_372, %get3A_144 : vector<16xf32>
        %add3A_374 = arith.addf %add3A_371, %mul3A_373 : vector<16xf32>
        %mul3A_375 = vector.broadcast %squeeze3A_268 : f32 to vector<16xf32>
        %mul3A_376 = arith.mulf %mul3A_375, %get3A_184 : vector<16xf32>
        %add3A_377 = arith.addf %add3A_374, %mul3A_376 : vector<16xf32>
        %get3A_378 = arith.index_cast %scan3A_257 : i32 to index
        %get3A_379 = arith.constant 64 : index
        %get3A_380 = tpu.vector_load %arg14[%get3A_378, %get3A_379] {strides = array<i32>} : memref<128x128xf32, #tpu.memory_space<vmem>>, vector<1x16xf32>,
        %get3A_381 = vector.shape_cast %get3A_380 : vector<1x16xf32> to vector<16xf32>
        %add3A_382 = arith.addf %add3A_377, %get3A_224 : vector<16xf32>
        %add3A_383 = arith.addf %get3A_381, %add3A_382 : vector<16xf32>
        %max3A_384 = arith.constant 0.000000e+00 : f32
        %max3A_385 = vector.broadcast %max3A_384 : f32 to vector<16xf32>
        %max3A_386 = arith.maximumf %add3A_383, %max3A_385 : vector<16xf32>
        %swap3A_387 = arith.index_cast %scan3A_257 : i32 to index
        %swap3A_388 = arith.constant 64 : index
        %swap3A_389 = tpu.vector_load %arg14[%swap3A_387, %swap3A_388] {strides = array<i32>} : memref<128x128xf32, #tpu.memory_space<vmem>>, vector<1x16xf32>,
        %swap3A_390 = vector.shape_cast %swap3A_389 : vector<1x16xf32> to vector<16xf32>
        %swap3A_391 = vector.shape_cast %max3A_386 : vector<16xf32> to vector<1x16xf32>
        tpu.vector_store %arg14[%swap3A_387, %swap3A_388], %swap3A_391 {strides = array<i32>} : memref<128x128xf32, #tpu.memory_space<vmem>>, vector<1x16xf32>,
        %mul3A_392 = vector.broadcast %squeeze3A : f32 to vector<16xf32>
        %mul3A_393 = arith.mulf %mul3A_392, %get3A_69 : vector<16xf32>
        %mul3A_394 = vector.broadcast %squeeze3A_264 : f32 to vector<16xf32>
        %mul3A_395 = arith.mulf %mul3A_394, %get3A_109 : vector<16xf32>
        %add3A_396 = arith.addf %mul3A_393, %mul3A_395 : vector<16xf32>
        %mul3A_397 = vector.broadcast %squeeze3A_266 : f32 to vector<16xf32>
        %mul3A_398 = arith.mulf %mul3A_397, %get3A_149 : vector<16xf32>
        %add3A_399 = arith.addf %add3A_396, %mul3A_398 : vector<16xf32>
        %mul3A_400 = vector.broadcast %squeeze3A_268 : f32 to vector<16xf32>
        %mul3A_401 = arith.mulf %mul3A_400, %get3A_189 : vector<16xf32>
        %add3A_402 = arith.addf %add3A_399, %mul3A_401 : vector<16xf32>
        %get3A_403 = arith.index_cast %scan3A_257 : i32 to index
        %get3A_404 = arith.constant 80 : index
        %get3A_405 = tpu.vector_load %arg14[%get3A_403, %get3A_404] {strides = array<i32>} : memref<128x128xf32, #tpu.memory_space<vmem>>, vector<1x16xf32>,
        %get3A_406 = vector.shape_cast %get3A_405 : vector<1x16xf32> to vector<16xf32>
        %add3A_407 = arith.addf %add3A_402, %get3A_229 : vector<16xf32>
        %add3A_408 = arith.addf %get3A_406, %add3A_407 : vector<16xf32>
        %max3A_409 = arith.constant 0.000000e+00 : f32
        %max3A_410 = vector.broadcast %max3A_409 : f32 to vector<16xf32>
        %max3A_411 = arith.maximumf %add3A_408, %max3A_410 : vector<16xf32>
        %swap3A_412 = arith.index_cast %scan3A_257 : i32 to index
        %swap3A_413 = arith.constant 80 : index
        %swap3A_414 = tpu.vector_load %arg14[%swap3A_412, %swap3A_413] {strides = array<i32>} : memref<128x128xf32, #tpu.memory_space<vmem>>, vector<1x16xf32>,
        %swap3A_415 = vector.shape_cast %swap3A_414 : vector<1x16xf32> to vector<16xf32>
        %swap3A_416 = vector.shape_cast %max3A_411 : vector<16xf32> to vector<1x16xf32>
        tpu.vector_store %arg14[%swap3A_412, %swap3A_413], %swap3A_416 {strides = array<i32>} : memref<128x128xf32, #tpu.memory_space<vmem>>, vector<1x16xf32>,
        %mul3A_417 = vector.broadcast %squeeze3A : f32 to vector<16xf32>
        %mul3A_418 = arith.mulf %mul3A_417, %get3A_74 : vector<16xf32>
        %mul3A_419 = vector.broadcast %squeeze3A_264 : f32 to vector<16xf32>
        %mul3A_420 = arith.mulf %mul3A_419, %get3A_114 : vector<16xf32>
        %add3A_421 = arith.addf %mul3A_418, %mul3A_420 : vector<16xf32>
        %mul3A_422 = vector.broadcast %squeeze3A_266 : f32 to vector<16xf32>
        %mul3A_423 = arith.mulf %mul3A_422, %get3A_154 : vector<16xf32>
        %add3A_424 = arith.addf %add3A_421, %mul3A_423 : vector<16xf32>
        %mul3A_425 = vector.broadcast %squeeze3A_268 : f32 to vector<16xf32>
        %mul3A_426 = arith.mulf %mul3A_425, %get3A_194 : vector<16xf32>
        %add3A_427 = arith.addf %add3A_424, %mul3A_426 : vector<16xf32>
        %get3A_428 = arith.index_cast %scan3A_257 : i32 to index
        %get3A_429 = arith.constant 96 : index
        %get3A_430 = tpu.vector_load %arg14[%get3A_428, %get3A_429] {strides = array<i32>} : memref<128x128xf32, #tpu.memory_space<vmem>>, vector<1x16xf32>,
        %get3A_431 = vector.shape_cast %get3A_430 : vector<1x16xf32> to vector<16xf32>
        %add3A_432 = arith.addf %add3A_427, %get3A_234 : vector<16xf32>
        %add3A_433 = arith.addf %get3A_431, %add3A_432 : vector<16xf32>
        %max3A_434 = arith.constant 0.000000e+00 : f32
        %max3A_435 = vector.broadcast %max3A_434 : f32 to vector<16xf32>
        %max3A_436 = arith.maximumf %add3A_433, %max3A_435 : vector<16xf32>
        %swap3A_437 = arith.index_cast %scan3A_257 : i32 to index
        %swap3A_438 = arith.constant 96 : index
        %swap3A_439 = tpu.vector_load %arg14[%swap3A_437, %swap3A_438] {strides = array<i32>} : memref<128x128xf32, #tpu.memory_space<vmem>>, vector<1x16xf32>,
        %swap3A_440 = vector.shape_cast %swap3A_439 : vector<1x16xf32> to vector<16xf32>
        %swap3A_441 = vector.shape_cast %max3A_436 : vector<16xf32> to vector<1x16xf32>
        tpu.vector_store %arg14[%swap3A_437, %swap3A_438], %swap3A_441 {strides = array<i32>} : memref<128x128xf32, #tpu.memory_space<vmem>>, vector<1x16xf32>,
        %mul3A_442 = vector.broadcast %squeeze3A : f32 to vector<16xf32>
        %mul3A_443 = arith.mulf %mul3A_442, %get3A_79 : vector<16xf32>
        %mul3A_444 = vector.broadcast %squeeze3A_264 : f32 to vector<16xf32>
        %mul3A_445 = arith.mulf %mul3A_444, %get3A_119 : vector<16xf32>
        %add3A_446 = arith.addf %mul3A_443, %mul3A_445 : vector<16xf32>
        %mul3A_447 = vector.broadcast %squeeze3A_266 : f32 to vector<16xf32>
        %mul3A_448 = arith.mulf %mul3A_447, %get3A_159 : vector<16xf32>
        %add3A_449 = arith.addf %add3A_446, %mul3A_448 : vector<16xf32>
        %mul3A_450 = vector.broadcast %squeeze3A_268 : f32 to vector<16xf32>
        %mul3A_451 = arith.mulf %mul3A_450, %get3A_199 : vector<16xf32>
        %add3A_452 = arith.addf %add3A_449, %mul3A_451 : vector<16xf32>
        %get3A_453 = arith.index_cast %scan3A_257 : i32 to index
        %get3A_454 = arith.constant 112 : index
        %get3A_455 = tpu.vector_load %arg14[%get3A_453, %get3A_454] {strides = array<i32>} : memref<128x128xf32, #tpu.memory_space<vmem>>, vector<1x16xf32>,
        %get3A_456 = vector.shape_cast %get3A_455 : vector<1x16xf32> to vector<16xf32>
        %add3A_457 = arith.addf %add3A_452, %get3A_239 : vector<16xf32>
        %add3A_458 = arith.addf %get3A_456, %add3A_457 : vector<16xf32>
        %max3A_459 = arith.constant 0.000000e+00 : f32
        %max3A_460 = vector.broadcast %max3A_459 : f32 to vector<16xf32>
        %max3A_461 = arith.maximumf %add3A_458, %max3A_460 : vector<16xf32>
        %swap3A_462 = arith.index_cast %scan3A_257 : i32 to index
        %swap3A_463 = arith.constant 112 : index
        %swap3A_464 = tpu.vector_load %arg14[%swap3A_462, %swap3A_463] {strides = array<i32>} : memref<128x128xf32, #tpu.memory_space<vmem>>, vector<1x16xf32>,
        %swap3A_465 = vector.shape_cast %swap3A_464 : vector<1x16xf32> to vector<16xf32>
        %swap3A_466 = vector.shape_cast %max3A_461 : vector<16xf32> to vector<1x16xf32>
        tpu.vector_store %arg14[%swap3A_462, %swap3A_463], %swap3A_466 {strides = array<i32>} : memref<128x128xf32, #tpu.memory_space<vmem>>, vector<1x16xf32>,
      }
      %scan3A_256 = arith.constant 128 : i32
      "tpu.region"() ({
        %run_scoped3A = tpu.sem_alloc : memref<!tpu.dma_semaphore, #tpu.memory_space<semaphore_mem>>
        %dma_start3A_257 = arith.constant 0 : i32
        %dma_start3A_258 = arith.constant 0 : i32
        %dma_start3A_259 = tpu.memref_slice %arg10[%dma_start3A_257, %dma_start3A_258] : memref<10240x128xf32, #tpu.memory_space<vmem_shared>> -> memref<10240x128xf32, #tpu.memory_space<vmem_shared>>
        tpu.enqueue_indirect_dma source(%arg14 : memref<128x128xf32, #tpu.memory_space<vmem>>) target(%dma_start3A_259 : memref<10240x128xf32, #tpu.memory_space<vmem_shared>>) offsets(%arg12 : memref<128xi32, #tpu.memory_space<vmem>>) semaphore(%run_scoped3A : memref<!tpu.dma_semaphore, #tpu.memory_space<semaphore_mem>>) {add = true}
        %dma_wait3A_260 = arith.constant 0 : i32
        %dma_wait3A_261 = arith.constant 0 : i32
        %dma_wait3A_262 = tpu.memref_slice %arg10[%dma_wait3A_260, %dma_wait3A_261] : memref<10240x128xf32, #tpu.memory_space<vmem_shared>> -> memref<10240x128xf32, #tpu.memory_space<vmem_shared>>
        tpu.wait_indirect_dma semaphore(%run_scoped3A : memref<!tpu.dma_semaphore, #tpu.memory_space<semaphore_mem>>) src(%arg14 : memref<128x128xf32, #tpu.memory_space<vmem>>) dst(%dma_wait3A_262 : memref<10240x128xf32, #tpu.memory_space<vmem_shared>>)
        tpu.yield
      }) : () -> ()
    }
    %scan3A_31 = arith.constant 79 : i32
    %barrier3A_32 = arith.constant 0 : index
    tpu.barrier barrier_id(%barrier3A_32)
    %eq3A = arith.constant 0 : i32
    %eq3A_33 = arith.cmpi eq, %arg0, %eq3A : i32
    %convert_element_type3A = arith.extui %eq3A_33 : i1 to i32
    %cond3A = arith.constant 0 : i32
    %cond3A_34 = arith.cmpi ne, %convert_element_type3A, %cond3A : i32
    scf.if %cond3A_34 {
      %mul3A_40 = arith.constant 640 : i32
      %mul3A_41 = arith.muli %arg1, %mul3A_40 : i32
      %mul3A_42 = arith.constant 640 : i32
      %mul3A_43 = arith.muli %arg1, %mul3A_42 : i32
      "tpu.region"() ({
        %run_scoped3A = tpu.sem_alloc : memref<!tpu.dma_semaphore, #tpu.memory_space<semaphore_mem>>
        %dma_start3A = arith.constant 0 : i32
        %dma_start3A_44 = tpu.memref_slice %arg8[%mul3A_43, %dma_start3A] : memref<10240x128xf32, #tpu.memory_space<hbm>> -> memref<640x128xf32, #tpu.memory_space<hbm>>
        %dma_start3A_45 = arith.constant 0 : i32
        %dma_start3A_46 = tpu.memref_slice %arg10[%mul3A_41, %dma_start3A_45] : memref<10240x128xf32, #tpu.memory_space<vmem_shared>> -> memref<640x128xf32, #tpu.memory_space<vmem_shared>>
        tpu.enqueue_dma source(%dma_start3A_46 : memref<640x128xf32, #tpu.memory_space<vmem_shared>>) target(%dma_start3A_44 : memref<640x128xf32, #tpu.memory_space<hbm>>) target_semaphore(%run_scoped3A : memref<!tpu.dma_semaphore, #tpu.memory_space<semaphore_mem>>)
        %dma_wait3A = arith.constant 0 : i32
        %dma_wait3A_47 = tpu.memref_slice %arg8[%mul3A_43, %dma_wait3A] : memref<10240x128xf32, #tpu.memory_space<hbm>> -> memref<640x128xf32, #tpu.memory_space<hbm>>
        %dma_wait3A_48 = arith.constant 0 : i32
        %dma_wait3A_49 = tpu.memref_slice %arg10[%mul3A_41, %dma_wait3A_48] : memref<10240x128xf32, #tpu.memory_space<vmem_shared>> -> memref<640x128xf32, #tpu.memory_space<vmem_shared>>
        tpu.wait_dma2 semaphore(%run_scoped3A : memref<!tpu.dma_semaphore, #tpu.memory_space<semaphore_mem>>) src(%dma_wait3A_49 : memref<640x128xf32, #tpu.memory_space<vmem_shared>>) dst(%dma_wait3A_47 : memref<640x128xf32, #tpu.memory_space<hbm>>)
        tpu.yield
      }) : () -> ()
    } else {
    }
    %eq3A_35 = arith.constant 1 : i32
    %eq3A_36 = arith.cmpi eq, %arg0, %eq3A_35 : i32
    %convert_element_type3A_37 = arith.extui %eq3A_36 : i1 to i32
    %cond3A_38 = arith.constant 0 : i32
    %cond3A_39 = arith.cmpi ne, %convert_element_type3A_37, %cond3A_38 : i32
    scf.if %cond3A_39 {
      %mul3A_40 = arith.constant 640 : i32
      %mul3A_41 = arith.muli %arg1, %mul3A_40 : i32
      %mul3A_42 = arith.constant 640 : i32
      %mul3A_43 = arith.muli %arg1, %mul3A_42 : i32
      "tpu.region"() ({
        %run_scoped3A = tpu.sem_alloc : memref<!tpu.dma_semaphore, #tpu.memory_space<semaphore_mem>>
        %dma_start3A = arith.constant 0 : i32
        %dma_start3A_44 = tpu.memref_slice %arg9[%mul3A_43, %dma_start3A] : memref<10240x128xf32, #tpu.memory_space<hbm>> -> memref<640x128xf32, #tpu.memory_space<hbm>>
        %dma_start3A_45 = arith.constant 0 : i32
        %dma_start3A_46 = tpu.memref_slice %arg10[%mul3A_41, %dma_start3A_45] : memref<10240x128xf32, #tpu.memory_space<vmem_shared>> -> memref<640x128xf32, #tpu.memory_space<vmem_shared>>
        tpu.enqueue_dma source(%dma_start3A_46 : memref<640x128xf32, #tpu.memory_space<vmem_shared>>) target(%dma_start3A_44 : memref<640x128xf32, #tpu.memory_space<hbm>>) target_semaphore(%run_scoped3A : memref<!tpu.dma_semaphore, #tpu.memory_space<semaphore_mem>>)
        %dma_wait3A = arith.constant 0 : i32
        %dma_wait3A_47 = tpu.memref_slice %arg9[%mul3A_43, %dma_wait3A] : memref<10240x128xf32, #tpu.memory_space<hbm>> -> memref<640x128xf32, #tpu.memory_space<hbm>>
        %dma_wait3A_48 = arith.constant 0 : i32
        %dma_wait3A_49 = tpu.memref_slice %arg10[%mul3A_41, %dma_wait3A_48] : memref<10240x128xf32, #tpu.memory_space<vmem_shared>> -> memref<640x128xf32, #tpu.memory_space<vmem_shared>>
        tpu.wait_dma2 semaphore(%run_scoped3A : memref<!tpu.dma_semaphore, #tpu.memory_space<semaphore_mem>>) src(%dma_wait3A_49 : memref<640x128xf32, #tpu.memory_space<vmem_shared>>) dst(%dma_wait3A_47 : memref<640x128xf32, #tpu.memory_space<hbm>>)
        tpu.yield
      }) : () -> ()
    } else {
    }
    return
  }
}

#map = affine_map<(d0, d1) -> (0, 0)>
#map1 = affine_map<(d0, d1) -> (0)>
module attributes {stable_mosaic.version = 14 : i64} {
  func.func @k(%arg0: i32, %arg1: i32, %arg2: memref<10240x128xf32, #tpu.memory_space<hbm>>, %arg3: memref<323584xi32, #tpu.memory_space<hbm>>, %arg4: memref<323584xi32, #tpu.memory_space<hbm>>, %arg5: memref<1294336xf32, #tpu.memory_space<hbm>>, %arg6: memref<4x128xf32, #tpu.memory_space<hbm>>, %arg7: memref<1x128xf32, #tpu.memory_space<hbm>>, %arg8: memref<10240x128xf32, #tpu.memory_space<hbm>>, %arg9: memref<10240x128xf32, #tpu.memory_space<hbm>>, %arg10: memref<10240x128xf32, #tpu.memory_space<vmem_shared>>, %arg11: memref<128xi32, #tpu.memory_space<vmem>>, %arg12: memref<128xi32, #tpu.memory_space<vmem>>, %arg13: memref<528xf32, #tpu.memory_space<vmem>>, %arg14: memref<128x128xf32, #tpu.memory_space<vmem>>, %arg15: memref<4x128xf32, #tpu.memory_space<vmem>>, %arg16: memref<1x128xf32, #tpu.memory_space<vmem>>, %arg17: memref<!tpu.dma_semaphore, #tpu.memory_space<semaphore_mem>>) attributes {dimension_semantics = [#tpu.dimension_semantics<core_parallel>, #tpu.dimension_semantics<subcore_parallel>], iteration_bounds = array<i64: 2, 16>, scalar_prefetch = 0 : i64, scratch_operands = 8 : i64, tpu.core_type = #tpu.core_type<sc_vector_subcore>, window_params = [{transform_indices = #map}, {transform_indices = #map1}, {transform_indices = #map1}, {transform_indices = #map1}, {transform_indices = #map}, {transform_indices = #map}, {transform_indices = #map}, {transform_indices = #map}]} {
    %mul3A = arith.constant 16 : i32
    %mul3A_0 = arith.muli %arg0, %mul3A : i32
    %add3A = arith.addi %mul3A_0, %arg1 : i32
    %scan3A = arith.constant 0 : i32
    %scan3A_1 = arith.constant 0 : i32
    %scan3A_2 = arith.constant 128 : i32
    %scan3A_3 = arith.addi %scan3A_1, %scan3A_2 : i32
    %scan3A_4 = arith.constant 1 : i32
    scf.for %scan3A_40 = %scan3A_1 to %scan3A_3 step %scan3A_4  : i32 {
      %broadcast_in_dim3A = arith.constant 0.000000e+00 : f32
      %broadcast_in_dim3A_41 = vector.broadcast %broadcast_in_dim3A : f32 to vector<16xf32>
      %swap3A = arith.index_cast %scan3A_40 : i32 to index
      %swap3A_42 = arith.constant 0 : index
      %swap3A_43 = tpu.vector_load %arg14[%swap3A, %swap3A_42] {strides = array<i32>} : memref<128x128xf32, #tpu.memory_space<vmem>>, vector<1x16xf32>,
      %swap3A_44 = vector.shape_cast %swap3A_43 : vector<1x16xf32> to vector<16xf32>
      %swap3A_45 = vector.shape_cast %broadcast_in_dim3A_41 : vector<16xf32> to vector<1x16xf32>
      tpu.vector_store %arg14[%swap3A, %swap3A_42], %swap3A_45 {strides = array<i32>} : memref<128x128xf32, #tpu.memory_space<vmem>>, vector<1x16xf32>,
      %broadcast_in_dim3A_46 = arith.constant 0.000000e+00 : f32
      %broadcast_in_dim3A_47 = vector.broadcast %broadcast_in_dim3A_46 : f32 to vector<16xf32>
      %swap3A_48 = arith.index_cast %scan3A_40 : i32 to index
      %swap3A_49 = arith.constant 16 : index
      %swap3A_50 = tpu.vector_load %arg14[%swap3A_48, %swap3A_49] {strides = array<i32>} : memref<128x128xf32, #tpu.memory_space<vmem>>, vector<1x16xf32>,
      %swap3A_51 = vector.shape_cast %swap3A_50 : vector<1x16xf32> to vector<16xf32>
      %swap3A_52 = vector.shape_cast %broadcast_in_dim3A_47 : vector<16xf32> to vector<1x16xf32>
      tpu.vector_store %arg14[%swap3A_48, %swap3A_49], %swap3A_52 {strides = array<i32>} : memref<128x128xf32, #tpu.memory_space<vmem>>, vector<1x16xf32>,
      %broadcast_in_dim3A_53 = arith.constant 0.000000e+00 : f32
      %broadcast_in_dim3A_54 = vector.broadcast %broadcast_in_dim3A_53 : f32 to vector<16xf32>
      %swap3A_55 = arith.index_cast %scan3A_40 : i32 to index
      %swap3A_56 = arith.constant 32 : index
      %swap3A_57 = tpu.vector_load %arg14[%swap3A_55, %swap3A_56] {strides = array<i32>} : memref<128x128xf32, #tpu.memory_space<vmem>>, vector<1x16xf32>,
      %swap3A_58 = vector.shape_cast %swap3A_57 : vector<1x16xf32> to vector<16xf32>
      %swap3A_59 = vector.shape_cast %broadcast_in_dim3A_54 : vector<16xf32> to vector<1x16xf32>
      tpu.vector_store %arg14[%swap3A_55, %swap3A_56], %swap3A_59 {strides = array<i32>} : memref<128x128xf32, #tpu.memory_space<vmem>>, vector<1x16xf32>,
      %broadcast_in_dim3A_60 = arith.constant 0.000000e+00 : f32
      %broadcast_in_dim3A_61 = vector.broadcast %broadcast_in_dim3A_60 : f32 to vector<16xf32>
      %swap3A_62 = arith.index_cast %scan3A_40 : i32 to index
      %swap3A_63 = arith.constant 48 : index
      %swap3A_64 = tpu.vector_load %arg14[%swap3A_62, %swap3A_63] {strides = array<i32>} : memref<128x128xf32, #tpu.memory_space<vmem>>, vector<1x16xf32>,
      %swap3A_65 = vector.shape_cast %swap3A_64 : vector<1x16xf32> to vector<16xf32>
      %swap3A_66 = vector.shape_cast %broadcast_in_dim3A_61 : vector<16xf32> to vector<1x16xf32>
      tpu.vector_store %arg14[%swap3A_62, %swap3A_63], %swap3A_66 {strides = array<i32>} : memref<128x128xf32, #tpu.memory_space<vmem>>, vector<1x16xf32>,
      %broadcast_in_dim3A_67 = arith.constant 0.000000e+00 : f32
      %broadcast_in_dim3A_68 = vector.broadcast %broadcast_in_dim3A_67 : f32 to vector<16xf32>
      %swap3A_69 = arith.index_cast %scan3A_40 : i32 to index
      %swap3A_70 = arith.constant 64 : index
      %swap3A_71 = tpu.vector_load %arg14[%swap3A_69, %swap3A_70] {strides = array<i32>} : memref<128x128xf32, #tpu.memory_space<vmem>>, vector<1x16xf32>,
      %swap3A_72 = vector.shape_cast %swap3A_71 : vector<1x16xf32> to vector<16xf32>
      %swap3A_73 = vector.shape_cast %broadcast_in_dim3A_68 : vector<16xf32> to vector<1x16xf32>
      tpu.vector_store %arg14[%swap3A_69, %swap3A_70], %swap3A_73 {strides = array<i32>} : memref<128x128xf32, #tpu.memory_space<vmem>>, vector<1x16xf32>,
      %broadcast_in_dim3A_74 = arith.constant 0.000000e+00 : f32
      %broadcast_in_dim3A_75 = vector.broadcast %broadcast_in_dim3A_74 : f32 to vector<16xf32>
      %swap3A_76 = arith.index_cast %scan3A_40 : i32 to index
      %swap3A_77 = arith.constant 80 : index
      %swap3A_78 = tpu.vector_load %arg14[%swap3A_76, %swap3A_77] {strides = array<i32>} : memref<128x128xf32, #tpu.memory_space<vmem>>, vector<1x16xf32>,
      %swap3A_79 = vector.shape_cast %swap3A_78 : vector<1x16xf32> to vector<16xf32>
      %swap3A_80 = vector.shape_cast %broadcast_in_dim3A_75 : vector<16xf32> to vector<1x16xf32>
      tpu.vector_store %arg14[%swap3A_76, %swap3A_77], %swap3A_80 {strides = array<i32>} : memref<128x128xf32, #tpu.memory_space<vmem>>, vector<1x16xf32>,
      %broadcast_in_dim3A_81 = arith.constant 0.000000e+00 : f32
      %broadcast_in_dim3A_82 = vector.broadcast %broadcast_in_dim3A_81 : f32 to vector<16xf32>
      %swap3A_83 = arith.index_cast %scan3A_40 : i32 to index
      %swap3A_84 = arith.constant 96 : index
      %swap3A_85 = tpu.vector_load %arg14[%swap3A_83, %swap3A_84] {strides = array<i32>} : memref<128x128xf32, #tpu.memory_space<vmem>>, vector<1x16xf32>,
      %swap3A_86 = vector.shape_cast %swap3A_85 : vector<1x16xf32> to vector<16xf32>
      %swap3A_87 = vector.shape_cast %broadcast_in_dim3A_82 : vector<16xf32> to vector<1x16xf32>
      tpu.vector_store %arg14[%swap3A_83, %swap3A_84], %swap3A_87 {strides = array<i32>} : memref<128x128xf32, #tpu.memory_space<vmem>>, vector<1x16xf32>,
      %broadcast_in_dim3A_88 = arith.constant 0.000000e+00 : f32
      %broadcast_in_dim3A_89 = vector.broadcast %broadcast_in_dim3A_88 : f32 to vector<16xf32>
      %swap3A_90 = arith.index_cast %scan3A_40 : i32 to index
      %swap3A_91 = arith.constant 112 : index
      %swap3A_92 = tpu.vector_load %arg14[%swap3A_90, %swap3A_91] {strides = array<i32>} : memref<128x128xf32, #tpu.memory_space<vmem>>, vector<1x16xf32>,
      %swap3A_93 = vector.shape_cast %swap3A_92 : vector<1x16xf32> to vector<16xf32>
      %swap3A_94 = vector.shape_cast %broadcast_in_dim3A_89 : vector<16xf32> to vector<1x16xf32>
      tpu.vector_store %arg14[%swap3A_90, %swap3A_91], %swap3A_94 {strides = array<i32>} : memref<128x128xf32, #tpu.memory_space<vmem>>, vector<1x16xf32>,
    }
    %scan3A_5 = arith.constant 128 : i32
    %mul3A_6 = arith.constant 640 : i32
    %mul3A_7 = arith.muli %arg1, %mul3A_6 : i32
    %add3A_8 = arith.constant 0 : i32
    %add3A_9 = arith.addi %mul3A_7, %add3A_8 : i32
    "tpu.region"() ({
      %run_scoped3A = tpu.sem_alloc : memref<!tpu.dma_semaphore, #tpu.memory_space<semaphore_mem>>
      %dma_start3A = arith.constant 0 : i32
      %dma_start3A_40 = tpu.memref_slice %arg10[%add3A_9, %dma_start3A] : memref<10240x128xf32, #tpu.memory_space<vmem_shared>> -> memref<128x128xf32, #tpu.memory_space<vmem_shared>>
      %dma_start3A_41 = arith.constant 0 : i32
      %dma_start3A_42 = tpu.memref_slice %arg10[%add3A_9, %dma_start3A_41] : memref<10240x128xf32, #tpu.memory_space<vmem_shared>> -> memref<128x128xf32, #tpu.memory_space<vmem_shared>>
      tpu.enqueue_dma source(%arg14 : memref<128x128xf32, #tpu.memory_space<vmem>>) target(%dma_start3A_42 : memref<128x128xf32, #tpu.memory_space<vmem_shared>>) target_semaphore(%run_scoped3A : memref<!tpu.dma_semaphore, #tpu.memory_space<semaphore_mem>>)
      %dma_wait3A = arith.constant 0 : i32
      %dma_wait3A_43 = tpu.memref_slice %arg10[%add3A_9, %dma_wait3A] : memref<10240x128xf32, #tpu.memory_space<vmem_shared>> -> memref<128x128xf32, #tpu.memory_space<vmem_shared>>
      %dma_wait3A_44 = arith.constant 0 : i32
      %dma_wait3A_45 = tpu.memref_slice %arg10[%add3A_9, %dma_wait3A_44] : memref<10240x128xf32, #tpu.memory_space<vmem_shared>> -> memref<128x128xf32, #tpu.memory_space<vmem_shared>>
      tpu.wait_dma2 semaphore(%run_scoped3A : memref<!tpu.dma_semaphore, #tpu.memory_space<semaphore_mem>>) src(%arg14 : memref<128x128xf32, #tpu.memory_space<vmem>>) dst(%dma_wait3A_45 : memref<128x128xf32, #tpu.memory_space<vmem_shared>>)
      tpu.yield
    }) : () -> ()
    %mul3A_10 = arith.constant 640 : i32
    %mul3A_11 = arith.muli %arg1, %mul3A_10 : i32
    %add3A_12 = arith.constant 128 : i32
    %add3A_13 = arith.addi %mul3A_11, %add3A_12 : i32
    "tpu.region"() ({
      %run_scoped3A = tpu.sem_alloc : memref<!tpu.dma_semaphore, #tpu.memory_space<semaphore_mem>>
      %dma_start3A = arith.constant 0 : i32
      %dma_start3A_40 = tpu.memref_slice %arg10[%add3A_13, %dma_start3A] : memref<10240x128xf32, #tpu.memory_space<vmem_shared>> -> memref<128x128xf32, #tpu.memory_space<vmem_shared>>
      %dma_start3A_41 = arith.constant 0 : i32
      %dma_start3A_42 = tpu.memref_slice %arg10[%add3A_13, %dma_start3A_41] : memref<10240x128xf32, #tpu.memory_space<vmem_shared>> -> memref<128x128xf32, #tpu.memory_space<vmem_shared>>
      tpu.enqueue_dma source(%arg14 : memref<128x128xf32, #tpu.memory_space<vmem>>) target(%dma_start3A_42 : memref<128x128xf32, #tpu.memory_space<vmem_shared>>) target_semaphore(%run_scoped3A : memref<!tpu.dma_semaphore, #tpu.memory_space<semaphore_mem>>)
      %dma_wait3A = arith.constant 0 : i32
      %dma_wait3A_43 = tpu.memref_slice %arg10[%add3A_13, %dma_wait3A] : memref<10240x128xf32, #tpu.memory_space<vmem_shared>> -> memref<128x128xf32, #tpu.memory_space<vmem_shared>>
      %dma_wait3A_44 = arith.constant 0 : i32
      %dma_wait3A_45 = tpu.memref_slice %arg10[%add3A_13, %dma_wait3A_44] : memref<10240x128xf32, #tpu.memory_space<vmem_shared>> -> memref<128x128xf32, #tpu.memory_space<vmem_shared>>
      tpu.wait_dma2 semaphore(%run_scoped3A : memref<!tpu.dma_semaphore, #tpu.memory_space<semaphore_mem>>) src(%arg14 : memref<128x128xf32, #tpu.memory_space<vmem>>) dst(%dma_wait3A_45 : memref<128x128xf32, #tpu.memory_space<vmem_shared>>)
      tpu.yield
    }) : () -> ()
    %mul3A_14 = arith.constant 640 : i32
    %mul3A_15 = arith.muli %arg1, %mul3A_14 : i32
    %add3A_16 = arith.constant 256 : i32
    %add3A_17 = arith.addi %mul3A_15, %add3A_16 : i32
    "tpu.region"() ({
      %run_scoped3A = tpu.sem_alloc : memref<!tpu.dma_semaphore, #tpu.memory_space<semaphore_mem>>
      %dma_start3A = arith.constant 0 : i32
      %dma_start3A_40 = tpu.memref_slice %arg10[%add3A_17, %dma_start3A] : memref<10240x128xf32, #tpu.memory_space<vmem_shared>> -> memref<128x128xf32, #tpu.memory_space<vmem_shared>>
      %dma_start3A_41 = arith.constant 0 : i32
      %dma_start3A_42 = tpu.memref_slice %arg10[%add3A_17, %dma_start3A_41] : memref<10240x128xf32, #tpu.memory_space<vmem_shared>> -> memref<128x128xf32, #tpu.memory_space<vmem_shared>>
      tpu.enqueue_dma source(%arg14 : memref<128x128xf32, #tpu.memory_space<vmem>>) target(%dma_start3A_42 : memref<128x128xf32, #tpu.memory_space<vmem_shared>>) target_semaphore(%run_scoped3A : memref<!tpu.dma_semaphore, #tpu.memory_space<semaphore_mem>>)
      %dma_wait3A = arith.constant 0 : i32
      %dma_wait3A_43 = tpu.memref_slice %arg10[%add3A_17, %dma_wait3A] : memref<10240x128xf32, #tpu.memory_space<vmem_shared>> -> memref<128x128xf32, #tpu.memory_space<vmem_shared>>
      %dma_wait3A_44 = arith.constant 0 : i32
      %dma_wait3A_45 = tpu.memref_slice %arg10[%add3A_17, %dma_wait3A_44] : memref<10240x128xf32, #tpu.memory_space<vmem_shared>> -> memref<128x128xf32, #tpu.memory_space<vmem_shared>>
      tpu.wait_dma2 semaphore(%run_scoped3A : memref<!tpu.dma_semaphore, #tpu.memory_space<semaphore_mem>>) src(%arg14 : memref<128x128xf32, #tpu.memory_space<vmem>>) dst(%dma_wait3A_45 : memref<128x128xf32, #tpu.memory_space<vmem_shared>>)
      tpu.yield
    }) : () -> ()
    %mul3A_18 = arith.constant 640 : i32
    %mul3A_19 = arith.muli %arg1, %mul3A_18 : i32
    %add3A_20 = arith.constant 384 : i32
    %add3A_21 = arith.addi %mul3A_19, %add3A_20 : i32
    "tpu.region"() ({
      %run_scoped3A = tpu.sem_alloc : memref<!tpu.dma_semaphore, #tpu.memory_space<semaphore_mem>>
      %dma_start3A = arith.constant 0 : i32
      %dma_start3A_40 = tpu.memref_slice %arg10[%add3A_21, %dma_start3A] : memref<10240x128xf32, #tpu.memory_space<vmem_shared>> -> memref<128x128xf32, #tpu.memory_space<vmem_shared>>
      %dma_start3A_41 = arith.constant 0 : i32
      %dma_start3A_42 = tpu.memref_slice %arg10[%add3A_21, %dma_start3A_41] : memref<10240x128xf32, #tpu.memory_space<vmem_shared>> -> memref<128x128xf32, #tpu.memory_space<vmem_shared>>
      tpu.enqueue_dma source(%arg14 : memref<128x128xf32, #tpu.memory_space<vmem>>) target(%dma_start3A_42 : memref<128x128xf32, #tpu.memory_space<vmem_shared>>) target_semaphore(%run_scoped3A : memref<!tpu.dma_semaphore, #tpu.memory_space<semaphore_mem>>)
      %dma_wait3A = arith.constant 0 : i32
      %dma_wait3A_43 = tpu.memref_slice %arg10[%add3A_21, %dma_wait3A] : memref<10240x128xf32, #tpu.memory_space<vmem_shared>> -> memref<128x128xf32, #tpu.memory_space<vmem_shared>>
      %dma_wait3A_44 = arith.constant 0 : i32
      %dma_wait3A_45 = tpu.memref_slice %arg10[%add3A_21, %dma_wait3A_44] : memref<10240x128xf32, #tpu.memory_space<vmem_shared>> -> memref<128x128xf32, #tpu.memory_space<vmem_shared>>
      tpu.wait_dma2 semaphore(%run_scoped3A : memref<!tpu.dma_semaphore, #tpu.memory_space<semaphore_mem>>) src(%arg14 : memref<128x128xf32, #tpu.memory_space<vmem>>) dst(%dma_wait3A_45 : memref<128x128xf32, #tpu.memory_space<vmem_shared>>)
      tpu.yield
    }) : () -> ()
    %mul3A_22 = arith.constant 640 : i32
    %mul3A_23 = arith.muli %arg1, %mul3A_22 : i32
    %add3A_24 = arith.constant 512 : i32
    %add3A_25 = arith.addi %mul3A_23, %add3A_24 : i32
    "tpu.region"() ({
      %run_scoped3A = tpu.sem_alloc : memref<!tpu.dma_semaphore, #tpu.memory_space<semaphore_mem>>
      %dma_start3A = arith.constant 0 : i32
      %dma_start3A_40 = tpu.memref_slice %arg10[%add3A_25, %dma_start3A] : memref<10240x128xf32, #tpu.memory_space<vmem_shared>> -> memref<128x128xf32, #tpu.memory_space<vmem_shared>>
      %dma_start3A_41 = arith.constant 0 : i32
      %dma_start3A_42 = tpu.memref_slice %arg10[%add3A_25, %dma_start3A_41] : memref<10240x128xf32, #tpu.memory_space<vmem_shared>> -> memref<128x128xf32, #tpu.memory_space<vmem_shared>>
      tpu.enqueue_dma source(%arg14 : memref<128x128xf32, #tpu.memory_space<vmem>>) target(%dma_start3A_42 : memref<128x128xf32, #tpu.memory_space<vmem_shared>>) target_semaphore(%run_scoped3A : memref<!tpu.dma_semaphore, #tpu.memory_space<semaphore_mem>>)
      %dma_wait3A = arith.constant 0 : i32
      %dma_wait3A_43 = tpu.memref_slice %arg10[%add3A_25, %dma_wait3A] : memref<10240x128xf32, #tpu.memory_space<vmem_shared>> -> memref<128x128xf32, #tpu.memory_space<vmem_shared>>
      %dma_wait3A_44 = arith.constant 0 : i32
      %dma_wait3A_45 = tpu.memref_slice %arg10[%add3A_25, %dma_wait3A_44] : memref<10240x128xf32, #tpu.memory_space<vmem_shared>> -> memref<128x128xf32, #tpu.memory_space<vmem_shared>>
      tpu.wait_dma2 semaphore(%run_scoped3A : memref<!tpu.dma_semaphore, #tpu.memory_space<semaphore_mem>>) src(%arg14 : memref<128x128xf32, #tpu.memory_space<vmem>>) dst(%dma_wait3A_45 : memref<128x128xf32, #tpu.memory_space<vmem_shared>>)
      tpu.yield
    }) : () -> ()
    "tpu.region"() ({
      %run_scoped3A = tpu.sem_alloc : memref<!tpu.dma_semaphore, #tpu.memory_space<semaphore_mem>>
      tpu.enqueue_dma source(%arg6 : memref<4x128xf32, #tpu.memory_space<hbm>>) target(%arg15 : memref<4x128xf32, #tpu.memory_space<vmem>>) target_semaphore(%run_scoped3A : memref<!tpu.dma_semaphore, #tpu.memory_space<semaphore_mem>>)
      tpu.wait_dma2 semaphore(%run_scoped3A : memref<!tpu.dma_semaphore, #tpu.memory_space<semaphore_mem>>) src(%arg6 : memref<4x128xf32, #tpu.memory_space<hbm>>) dst(%arg15 : memref<4x128xf32, #tpu.memory_space<vmem>>)
      tpu.yield
    }) : () -> ()
    "tpu.region"() ({
      %run_scoped3A = tpu.sem_alloc : memref<!tpu.dma_semaphore, #tpu.memory_space<semaphore_mem>>
      tpu.enqueue_dma source(%arg7 : memref<1x128xf32, #tpu.memory_space<hbm>>) target(%arg16 : memref<1x128xf32, #tpu.memory_space<vmem>>) target_semaphore(%run_scoped3A : memref<!tpu.dma_semaphore, #tpu.memory_space<semaphore_mem>>)
      tpu.wait_dma2 semaphore(%run_scoped3A : memref<!tpu.dma_semaphore, #tpu.memory_space<semaphore_mem>>) src(%arg7 : memref<1x128xf32, #tpu.memory_space<hbm>>) dst(%arg16 : memref<1x128xf32, #tpu.memory_space<vmem>>)
      tpu.yield
    }) : () -> ()
    %barrier3A = arith.constant 0 : index
    tpu.barrier barrier_id(%barrier3A)
    %scan3A_26 = arith.constant 0 : i32
    %scan3A_27 = arith.constant 0 : i32
    %scan3A_28 = arith.constant 79 : i32
    %scan3A_29 = arith.addi %scan3A_27, %scan3A_28 : i32
    %scan3A_30 = arith.constant 1 : i32
    scf.for %scan3A_40 = %scan3A_27 to %scan3A_29 step %scan3A_30  : i32 {
      %get3A = arith.constant 0 : i32
      %get3A_41 = arith.index_cast %get3A : i32 to index
      %get3A_42 = arith.constant 0 : index
      %get3A_43 = tpu.vector_load %arg15[%get3A_41, %get3A_42] {strides = array<i32>} : memref<4x128xf32, #tpu.memory_space<vmem>>, vector<1x16xf32>,
      %get3A_44 = vector.shape_cast %get3A_43 : vector<1x16xf32> to vector<16xf32>
      %get3A_45 = arith.constant 0 : i32
      %get3A_46 = arith.index_cast %get3A_45 : i32 to index
      %get3A_47 = arith.constant 16 : index
      %get3A_48 = tpu.vector_load %arg15[%get3A_46, %get3A_47] {strides = array<i32>} : memref<4x128xf32, #tpu.memory_space<vmem>>, vector<1x16xf32>,
      %get3A_49 = vector.shape_cast %get3A_48 : vector<1x16xf32> to vector<16xf32>
      %get3A_50 = arith.constant 0 : i32
      %get3A_51 = arith.index_cast %get3A_50 : i32 to index
      %get3A_52 = arith.constant 32 : index
      %get3A_53 = tpu.vector_load %arg15[%get3A_51, %get3A_52] {strides = array<i32>} : memref<4x128xf32, #tpu.memory_space<vmem>>, vector<1x16xf32>,
      %get3A_54 = vector.shape_cast %get3A_53 : vector<1x16xf32> to vector<16xf32>
      %get3A_55 = arith.constant 0 : i32
      %get3A_56 = arith.index_cast %get3A_55 : i32 to index
      %get3A_57 = arith.constant 48 : index
      %get3A_58 = tpu.vector_load %arg15[%get3A_56, %get3A_57] {strides = array<i32>} : memref<4x128xf32, #tpu.memory_space<vmem>>, vector<1x16xf32>,
      %get3A_59 = vector.shape_cast %get3A_58 : vector<1x16xf32> to vector<16xf32>
      %get3A_60 = arith.constant 0 : i32
      %get3A_61 = arith.index_cast %get3A_60 : i32 to index
      %get3A_62 = arith.constant 64 : index
      %get3A_63 = tpu.vector_load %arg15[%get3A_61, %get3A_62] {strides = array<i32>} : memref<4x128xf32, #tpu.memory_space<vmem>>, vector<1x16xf32>,
      %get3A_64 = vector.shape_cast %get3A_63 : vector<1x16xf32> to vector<16xf32>
      %get3A_65 = arith.constant 0 : i32
      %get3A_66 = arith.index_cast %get3A_65 : i32 to index
      %get3A_67 = arith.constant 80 : index
      %get3A_68 = tpu.vector_load %arg15[%get3A_66, %get3A_67] {strides = array<i32>} : memref<4x128xf32, #tpu.memory_space<vmem>>, vector<1x16xf32>,
      %get3A_69 = vector.shape_cast %get3A_68 : vector<1x16xf32> to vector<16xf32>
      %get3A_70 = arith.constant 0 : i32
      %get3A_71 = arith.index_cast %get3A_70 : i32 to index
      %get3A_72 = arith.constant 96 : index
      %get3A_73 = tpu.vector_load %arg15[%get3A_71, %get3A_72] {strides = array<i32>} : memref<4x128xf32, #tpu.memory_space<vmem>>, vector<1x16xf32>,
      %get3A_74 = vector.shape_cast %get3A_73 : vector<1x16xf32> to vector<16xf32>
      %get3A_75 = arith.constant 0 : i32
      %get3A_76 = arith.index_cast %get3A_75 : i32 to index
      %get3A_77 = arith.constant 112 : index
      %get3A_78 = tpu.vector_load %arg15[%get3A_76, %get3A_77] {strides = array<i32>} : memref<4x128xf32, #tpu.memory_space<vmem>>, vector<1x16xf32>,
      %get3A_79 = vector.shape_cast %get3A_78 : vector<1x16xf32> to vector<16xf32>
      %get3A_80 = arith.constant 1 : i32
      %get3A_81 = arith.index_cast %get3A_80 : i32 to index
      %get3A_82 = arith.constant 0 : index
      %get3A_83 = tpu.vector_load %arg15[%get3A_81, %get3A_82] {strides = array<i32>} : memref<4x128xf32, #tpu.memory_space<vmem>>, vector<1x16xf32>,
      %get3A_84 = vector.shape_cast %get3A_83 : vector<1x16xf32> to vector<16xf32>
      %get3A_85 = arith.constant 1 : i32
      %get3A_86 = arith.index_cast %get3A_85 : i32 to index
      %get3A_87 = arith.constant 16 : index
      %get3A_88 = tpu.vector_load %arg15[%get3A_86, %get3A_87] {strides = array<i32>} : memref<4x128xf32, #tpu.memory_space<vmem>>, vector<1x16xf32>,
      %get3A_89 = vector.shape_cast %get3A_88 : vector<1x16xf32> to vector<16xf32>
      %get3A_90 = arith.constant 1 : i32
      %get3A_91 = arith.index_cast %get3A_90 : i32 to index
      %get3A_92 = arith.constant 32 : index
      %get3A_93 = tpu.vector_load %arg15[%get3A_91, %get3A_92] {strides = array<i32>} : memref<4x128xf32, #tpu.memory_space<vmem>>, vector<1x16xf32>,
      %get3A_94 = vector.shape_cast %get3A_93 : vector<1x16xf32> to vector<16xf32>
      %get3A_95 = arith.constant 1 : i32
      %get3A_96 = arith.index_cast %get3A_95 : i32 to index
      %get3A_97 = arith.constant 48 : index
      %get3A_98 = tpu.vector_load %arg15[%get3A_96, %get3A_97] {strides = array<i32>} : memref<4x128xf32, #tpu.memory_space<vmem>>, vector<1x16xf32>,
      %get3A_99 = vector.shape_cast %get3A_98 : vector<1x16xf32> to vector<16xf32>
      %get3A_100 = arith.constant 1 : i32
      %get3A_101 = arith.index_cast %get3A_100 : i32 to index
      %get3A_102 = arith.constant 64 : index
      %get3A_103 = tpu.vector_load %arg15[%get3A_101, %get3A_102] {strides = array<i32>} : memref<4x128xf32, #tpu.memory_space<vmem>>, vector<1x16xf32>,
      %get3A_104 = vector.shape_cast %get3A_103 : vector<1x16xf32> to vector<16xf32>
      %get3A_105 = arith.constant 1 : i32
      %get3A_106 = arith.index_cast %get3A_105 : i32 to index
      %get3A_107 = arith.constant 80 : index
      %get3A_108 = tpu.vector_load %arg15[%get3A_106, %get3A_107] {strides = array<i32>} : memref<4x128xf32, #tpu.memory_space<vmem>>, vector<1x16xf32>,
      %get3A_109 = vector.shape_cast %get3A_108 : vector<1x16xf32> to vector<16xf32>
      %get3A_110 = arith.constant 1 : i32
      %get3A_111 = arith.index_cast %get3A_110 : i32 to index
      %get3A_112 = arith.constant 96 : index
      %get3A_113 = tpu.vector_load %arg15[%get3A_111, %get3A_112] {strides = array<i32>} : memref<4x128xf32, #tpu.memory_space<vmem>>, vector<1x16xf32>,
      %get3A_114 = vector.shape_cast %get3A_113 : vector<1x16xf32> to vector<16xf32>
      %get3A_115 = arith.constant 1 : i32
      %get3A_116 = arith.index_cast %get3A_115 : i32 to index
      %get3A_117 = arith.constant 112 : index
      %get3A_118 = tpu.vector_load %arg15[%get3A_116, %get3A_117] {strides = array<i32>} : memref<4x128xf32, #tpu.memory_space<vmem>>, vector<1x16xf32>,
      %get3A_119 = vector.shape_cast %get3A_118 : vector<1x16xf32> to vector<16xf32>
      %get3A_120 = arith.constant 2 : i32
      %get3A_121 = arith.index_cast %get3A_120 : i32 to index
      %get3A_122 = arith.constant 0 : index
      %get3A_123 = tpu.vector_load %arg15[%get3A_121, %get3A_122] {strides = array<i32>} : memref<4x128xf32, #tpu.memory_space<vmem>>, vector<1x16xf32>,
      %get3A_124 = vector.shape_cast %get3A_123 : vector<1x16xf32> to vector<16xf32>
      %get3A_125 = arith.constant 2 : i32
      %get3A_126 = arith.index_cast %get3A_125 : i32 to index
      %get3A_127 = arith.constant 16 : index
      %get3A_128 = tpu.vector_load %arg15[%get3A_126, %get3A_127] {strides = array<i32>} : memref<4x128xf32, #tpu.memory_space<vmem>>, vector<1x16xf32>,
      %get3A_129 = vector.shape_cast %get3A_128 : vector<1x16xf32> to vector<16xf32>
      %get3A_130 = arith.constant 2 : i32
      %get3A_131 = arith.index_cast %get3A_130 : i32 to index
      %get3A_132 = arith.constant 32 : index
      %get3A_133 = tpu.vector_load %arg15[%get3A_131, %get3A_132] {strides = array<i32>} : memref<4x128xf32, #tpu.memory_space<vmem>>, vector<1x16xf32>,
      %get3A_134 = vector.shape_cast %get3A_133 : vector<1x16xf32> to vector<16xf32>
      %get3A_135 = arith.constant 2 : i32
      %get3A_136 = arith.index_cast %get3A_135 : i32 to index
      %get3A_137 = arith.constant 48 : index
      %get3A_138 = tpu.vector_load %arg15[%get3A_136, %get3A_137] {strides = array<i32>} : memref<4x128xf32, #tpu.memory_space<vmem>>, vector<1x16xf32>,
      %get3A_139 = vector.shape_cast %get3A_138 : vector<1x16xf32> to vector<16xf32>
      %get3A_140 = arith.constant 2 : i32
      %get3A_141 = arith.index_cast %get3A_140 : i32 to index
      %get3A_142 = arith.constant 64 : index
      %get3A_143 = tpu.vector_load %arg15[%get3A_141, %get3A_142] {strides = array<i32>} : memref<4x128xf32, #tpu.memory_space<vmem>>, vector<1x16xf32>,
      %get3A_144 = vector.shape_cast %get3A_143 : vector<1x16xf32> to vector<16xf32>
      %get3A_145 = arith.constant 2 : i32
      %get3A_146 = arith.index_cast %get3A_145 : i32 to index
      %get3A_147 = arith.constant 80 : index
      %get3A_148 = tpu.vector_load %arg15[%get3A_146, %get3A_147] {strides = array<i32>} : memref<4x128xf32, #tpu.memory_space<vmem>>, vector<1x16xf32>,
      %get3A_149 = vector.shape_cast %get3A_148 : vector<1x16xf32> to vector<16xf32>
      %get3A_150 = arith.constant 2 : i32
      %get3A_151 = arith.index_cast %get3A_150 : i32 to index
      %get3A_152 = arith.constant 96 : index
      %get3A_153 = tpu.vector_load %arg15[%get3A_151, %get3A_152] {strides = array<i32>} : memref<4x128xf32, #tpu.memory_space<vmem>>, vector<1x16xf32>,
      %get3A_154 = vector.shape_cast %get3A_153 : vector<1x16xf32> to vector<16xf32>
      %get3A_155 = arith.constant 2 : i32
      %get3A_156 = arith.index_cast %get3A_155 : i32 to index
      %get3A_157 = arith.constant 112 : index
      %get3A_158 = tpu.vector_load %arg15[%get3A_156, %get3A_157] {strides = array<i32>} : memref<4x128xf32, #tpu.memory_space<vmem>>, vector<1x16xf32>,
      %get3A_159 = vector.shape_cast %get3A_158 : vector<1x16xf32> to vector<16xf32>
      %get3A_160 = arith.constant 3 : i32
      %get3A_161 = arith.index_cast %get3A_160 : i32 to index
      %get3A_162 = arith.constant 0 : index
      %get3A_163 = tpu.vector_load %arg15[%get3A_161, %get3A_162] {strides = array<i32>} : memref<4x128xf32, #tpu.memory_space<vmem>>, vector<1x16xf32>,
      %get3A_164 = vector.shape_cast %get3A_163 : vector<1x16xf32> to vector<16xf32>
      %get3A_165 = arith.constant 3 : i32
      %get3A_166 = arith.index_cast %get3A_165 : i32 to index
      %get3A_167 = arith.constant 16 : index
      %get3A_168 = tpu.vector_load %arg15[%get3A_166, %get3A_167] {strides = array<i32>} : memref<4x128xf32, #tpu.memory_space<vmem>>, vector<1x16xf32>,
      %get3A_169 = vector.shape_cast %get3A_168 : vector<1x16xf32> to vector<16xf32>
      %get3A_170 = arith.constant 3 : i32
      %get3A_171 = arith.index_cast %get3A_170 : i32 to index
      %get3A_172 = arith.constant 32 : index
      %get3A_173 = tpu.vector_load %arg15[%get3A_171, %get3A_172] {strides = array<i32>} : memref<4x128xf32, #tpu.memory_space<vmem>>, vector<1x16xf32>,
      %get3A_174 = vector.shape_cast %get3A_173 : vector<1x16xf32> to vector<16xf32>
      %get3A_175 = arith.constant 3 : i32
      %get3A_176 = arith.index_cast %get3A_175 : i32 to index
      %get3A_177 = arith.constant 48 : index
      %get3A_178 = tpu.vector_load %arg15[%get3A_176, %get3A_177] {strides = array<i32>} : memref<4x128xf32, #tpu.memory_space<vmem>>, vector<1x16xf32>,
      %get3A_179 = vector.shape_cast %get3A_178 : vector<1x16xf32> to vector<16xf32>
      %get3A_180 = arith.constant 3 : i32
      %get3A_181 = arith.index_cast %get3A_180 : i32 to index
      %get3A_182 = arith.constant 64 : index
      %get3A_183 = tpu.vector_load %arg15[%get3A_181, %get3A_182] {strides = array<i32>} : memref<4x128xf32, #tpu.memory_space<vmem>>, vector<1x16xf32>,
      %get3A_184 = vector.shape_cast %get3A_183 : vector<1x16xf32> to vector<16xf32>
      %get3A_185 = arith.constant 3 : i32
      %get3A_186 = arith.index_cast %get3A_185 : i32 to index
      %get3A_187 = arith.constant 80 : index
      %get3A_188 = tpu.vector_load %arg15[%get3A_186, %get3A_187] {strides = array<i32>} : memref<4x128xf32, #tpu.memory_space<vmem>>, vector<1x16xf32>,
      %get3A_189 = vector.shape_cast %get3A_188 : vector<1x16xf32> to vector<16xf32>
      %get3A_190 = arith.constant 3 : i32
      %get3A_191 = arith.index_cast %get3A_190 : i32 to index
      %get3A_192 = arith.constant 96 : index
      %get3A_193 = tpu.vector_load %arg15[%get3A_191, %get3A_192] {strides = array<i32>} : memref<4x128xf32, #tpu.memory_space<vmem>>, vector<1x16xf32>,
      %get3A_194 = vector.shape_cast %get3A_193 : vector<1x16xf32> to vector<16xf32>
      %get3A_195 = arith.constant 3 : i32
      %get3A_196 = arith.index_cast %get3A_195 : i32 to index
      %get3A_197 = arith.constant 112 : index
      %get3A_198 = tpu.vector_load %arg15[%get3A_196, %get3A_197] {strides = array<i32>} : memref<4x128xf32, #tpu.memory_space<vmem>>, vector<1x16xf32>,
      %get3A_199 = vector.shape_cast %get3A_198 : vector<1x16xf32> to vector<16xf32>
      %get3A_200 = arith.constant 0 : i32
      %get3A_201 = arith.index_cast %get3A_200 : i32 to index
      %get3A_202 = arith.constant 0 : index
      %get3A_203 = tpu.vector_load %arg16[%get3A_201, %get3A_202] {strides = array<i32>} : memref<1x128xf32, #tpu.memory_space<vmem>>, vector<1x16xf32>,
      %get3A_204 = vector.shape_cast %get3A_203 : vector<1x16xf32> to vector<16xf32>
      %get3A_205 = arith.constant 0 : i32
      %get3A_206 = arith.index_cast %get3A_205 : i32 to index
      %get3A_207 = arith.constant 16 : index
      %get3A_208 = tpu.vector_load %arg16[%get3A_206, %get3A_207] {strides = array<i32>} : memref<1x128xf32, #tpu.memory_space<vmem>>, vector<1x16xf32>,
      %get3A_209 = vector.shape_cast %get3A_208 : vector<1x16xf32> to vector<16xf32>
      %get3A_210 = arith.constant 0 : i32
      %get3A_211 = arith.index_cast %get3A_210 : i32 to index
      %get3A_212 = arith.constant 32 : index
      %get3A_213 = tpu.vector_load %arg16[%get3A_211, %get3A_212] {strides = array<i32>} : memref<1x128xf32, #tpu.memory_space<vmem>>, vector<1x16xf32>,
      %get3A_214 = vector.shape_cast %get3A_213 : vector<1x16xf32> to vector<16xf32>
      %get3A_215 = arith.constant 0 : i32
      %get3A_216 = arith.index_cast %get3A_215 : i32 to index
      %get3A_217 = arith.constant 48 : index
      %get3A_218 = tpu.vector_load %arg16[%get3A_216, %get3A_217] {strides = array<i32>} : memref<1x128xf32, #tpu.memory_space<vmem>>, vector<1x16xf32>,
      %get3A_219 = vector.shape_cast %get3A_218 : vector<1x16xf32> to vector<16xf32>
      %get3A_220 = arith.constant 0 : i32
      %get3A_221 = arith.index_cast %get3A_220 : i32 to index
      %get3A_222 = arith.constant 64 : index
      %get3A_223 = tpu.vector_load %arg16[%get3A_221, %get3A_222] {strides = array<i32>} : memref<1x128xf32, #tpu.memory_space<vmem>>, vector<1x16xf32>,
      %get3A_224 = vector.shape_cast %get3A_223 : vector<1x16xf32> to vector<16xf32>
      %get3A_225 = arith.constant 0 : i32
      %get3A_226 = arith.index_cast %get3A_225 : i32 to index
      %get3A_227 = arith.constant 80 : index
      %get3A_228 = tpu.vector_load %arg16[%get3A_226, %get3A_227] {strides = array<i32>} : memref<1x128xf32, #tpu.memory_space<vmem>>, vector<1x16xf32>,
      %get3A_229 = vector.shape_cast %get3A_228 : vector<1x16xf32> to vector<16xf32>
      %get3A_230 = arith.constant 0 : i32
      %get3A_231 = arith.index_cast %get3A_230 : i32 to index
      %get3A_232 = arith.constant 96 : index
      %get3A_233 = tpu.vector_load %arg16[%get3A_231, %get3A_232] {strides = array<i32>} : memref<1x128xf32, #tpu.memory_space<vmem>>, vector<1x16xf32>,
      %get3A_234 = vector.shape_cast %get3A_233 : vector<1x16xf32> to vector<16xf32>
      %get3A_235 = arith.constant 0 : i32
      %get3A_236 = arith.index_cast %get3A_235 : i32 to index
      %get3A_237 = arith.constant 112 : index
      %get3A_238 = tpu.vector_load %arg16[%get3A_236, %get3A_237] {strides = array<i32>} : memref<1x128xf32, #tpu.memory_space<vmem>>, vector<1x16xf32>,
      %get3A_239 = vector.shape_cast %get3A_238 : vector<1x16xf32> to vector<16xf32>
      %mul3A_240 = arith.constant 10112 : i32
      %mul3A_241 = arith.muli %add3A, %mul3A_240 : i32
      %mul3A_242 = arith.constant 128 : i32
      %mul3A_243 = arith.muli %scan3A_40, %mul3A_242 : i32
      %add3A_244 = arith.addi %mul3A_241, %mul3A_243 : i32
      "tpu.region"() ({
        %run_scoped3A = tpu.sem_alloc : memref<!tpu.dma_semaphore, #tpu.memory_space<semaphore_mem>>
        %dma_start3A_257 = tpu.memref_slice %arg3[%add3A_244] : memref<323584xi32, #tpu.memory_space<hbm>> -> memref<128xi32, #tpu.memory_space<hbm>>
        %dma_start3A_258 = tpu.memref_slice %arg3[%add3A_244] : memref<323584xi32, #tpu.memory_space<hbm>> -> memref<128xi32, #tpu.memory_space<hbm>>
        tpu.enqueue_dma source(%dma_start3A_258 : memref<128xi32, #tpu.memory_space<hbm>>) target(%arg11 : memref<128xi32, #tpu.memory_space<vmem>>) target_semaphore(%run_scoped3A : memref<!tpu.dma_semaphore, #tpu.memory_space<semaphore_mem>>)
        %dma_wait3A_259 = tpu.memref_slice %arg3[%add3A_244] : memref<323584xi32, #tpu.memory_space<hbm>> -> memref<128xi32, #tpu.memory_space<hbm>>
        %dma_wait3A_260 = tpu.memref_slice %arg3[%add3A_244] : memref<323584xi32, #tpu.memory_space<hbm>> -> memref<128xi32, #tpu.memory_space<hbm>>
        tpu.wait_dma2 semaphore(%run_scoped3A : memref<!tpu.dma_semaphore, #tpu.memory_space<semaphore_mem>>) src(%dma_wait3A_260 : memref<128xi32, #tpu.memory_space<hbm>>) dst(%arg11 : memref<128xi32, #tpu.memory_space<vmem>>)
        tpu.yield
      }) : () -> ()
      "tpu.region"() ({
        %run_scoped3A = tpu.sem_alloc : memref<!tpu.dma_semaphore, #tpu.memory_space<semaphore_mem>>
        %dma_start3A_257 = tpu.memref_slice %arg4[%add3A_244] : memref<323584xi32, #tpu.memory_space<hbm>> -> memref<128xi32, #tpu.memory_space<hbm>>
        %dma_start3A_258 = tpu.memref_slice %arg4[%add3A_244] : memref<323584xi32, #tpu.memory_space<hbm>> -> memref<128xi32, #tpu.memory_space<hbm>>
        tpu.enqueue_dma source(%dma_start3A_258 : memref<128xi32, #tpu.memory_space<hbm>>) target(%arg12 : memref<128xi32, #tpu.memory_space<vmem>>) target_semaphore(%run_scoped3A : memref<!tpu.dma_semaphore, #tpu.memory_space<semaphore_mem>>)
        %dma_wait3A_259 = tpu.memref_slice %arg4[%add3A_244] : memref<323584xi32, #tpu.memory_space<hbm>> -> memref<128xi32, #tpu.memory_space<hbm>>
        %dma_wait3A_260 = tpu.memref_slice %arg4[%add3A_244] : memref<323584xi32, #tpu.memory_space<hbm>> -> memref<128xi32, #tpu.memory_space<hbm>>
        tpu.wait_dma2 semaphore(%run_scoped3A : memref<!tpu.dma_semaphore, #tpu.memory_space<semaphore_mem>>) src(%dma_wait3A_260 : memref<128xi32, #tpu.memory_space<hbm>>) dst(%arg12 : memref<128xi32, #tpu.memory_space<vmem>>)
        tpu.yield
      }) : () -> ()
      %mul3A_245 = arith.constant 4 : i32
      %mul3A_246 = arith.muli %add3A_244, %mul3A_245 : i32
      "tpu.region"() ({
        %run_scoped3A = tpu.sem_alloc : memref<!tpu.dma_semaphore, #tpu.memory_space<semaphore_mem>>
        %dma_start3A_257 = arith.constant 0 : i32
        %dma_start3A_258 = tpu.memref_slice %arg13[%dma_start3A_257] : memref<528xf32, #tpu.memory_space<vmem>> -> memref<512xf32, #tpu.memory_space<vmem>>
        %dma_start3A_259 = tpu.memref_slice %arg5[%mul3A_246] : memref<1294336xf32, #tpu.memory_space<hbm>> -> memref<512xf32, #tpu.memory_space<hbm>>
        %dma_start3A_260 = arith.constant 0 : i32
        %dma_start3A_261 = tpu.memref_slice %arg13[%dma_start3A_260] : memref<528xf32, #tpu.memory_space<vmem>> -> memref<512xf32, #tpu.memory_space<vmem>>
        %dma_start3A_262 = tpu.memref_slice %arg5[%mul3A_246] : memref<1294336xf32, #tpu.memory_space<hbm>> -> memref<512xf32, #tpu.memory_space<hbm>>
        tpu.enqueue_dma source(%dma_start3A_262 : memref<512xf32, #tpu.memory_space<hbm>>) target(%dma_start3A_261 : memref<512xf32, #tpu.memory_space<vmem>>) target_semaphore(%run_scoped3A : memref<!tpu.dma_semaphore, #tpu.memory_space<semaphore_mem>>)
        %dma_wait3A_263 = arith.constant 0 : i32
        %dma_wait3A_264 = tpu.memref_slice %arg13[%dma_wait3A_263] : memref<528xf32, #tpu.memory_space<vmem>> -> memref<512xf32, #tpu.memory_space<vmem>>
        %dma_wait3A_265 = tpu.memref_slice %arg5[%mul3A_246] : memref<1294336xf32, #tpu.memory_space<hbm>> -> memref<512xf32, #tpu.memory_space<hbm>>
        %dma_wait3A_266 = arith.constant 0 : i32
        %dma_wait3A_267 = tpu.memref_slice %arg13[%dma_wait3A_266] : memref<528xf32, #tpu.memory_space<vmem>> -> memref<512xf32, #tpu.memory_space<vmem>>
        %dma_wait3A_268 = tpu.memref_slice %arg5[%mul3A_246] : memref<1294336xf32, #tpu.memory_space<hbm>> -> memref<512xf32, #tpu.memory_space<hbm>>
        tpu.wait_dma2 semaphore(%run_scoped3A : memref<!tpu.dma_semaphore, #tpu.memory_space<semaphore_mem>>) src(%dma_wait3A_268 : memref<512xf32, #tpu.memory_space<hbm>>) dst(%dma_wait3A_267 : memref<512xf32, #tpu.memory_space<vmem>>)
        tpu.yield
      }) : () -> ()
      %dma_start3A = arith.constant 0 : i32
      %dma_start3A_247 = arith.constant 0 : i32
      %dma_start3A_248 = tpu.memref_slice %arg2[%dma_start3A, %dma_start3A_247] : memref<10240x128xf32, #tpu.memory_space<hbm>> -> memref<10240x128xf32, #tpu.memory_space<hbm>>
      tpu.enqueue_indirect_dma source(%dma_start3A_248 : memref<10240x128xf32, #tpu.memory_space<hbm>>) target(%arg14 : memref<128x128xf32, #tpu.memory_space<vmem>>) offsets(%arg11 : memref<128xi32, #tpu.memory_space<vmem>>) semaphore(%arg17 : memref<!tpu.dma_semaphore, #tpu.memory_space<semaphore_mem>>)
      %dma_wait3A = arith.constant 0 : i32
      %dma_wait3A_249 = arith.constant 0 : i32
      %dma_wait3A_250 = tpu.memref_slice %arg2[%dma_wait3A, %dma_wait3A_249] : memref<10240x128xf32, #tpu.memory_space<hbm>> -> memref<10240x128xf32, #tpu.memory_space<hbm>>
      tpu.wait_indirect_dma semaphore(%arg17 : memref<!tpu.dma_semaphore, #tpu.memory_space<semaphore_mem>>) src(%dma_wait3A_250 : memref<10240x128xf32, #tpu.memory_space<hbm>>) dst(%arg14 : memref<128x128xf32, #tpu.memory_space<vmem>>)
      %scan3A_251 = arith.constant 0 : i32
      %scan3A_252 = arith.constant 0 : i32
      %scan3A_253 = arith.constant 128 : i32
      %scan3A_254 = arith.addi %scan3A_252, %scan3A_253 : i32
      %scan3A_255 = arith.constant 1 : i32
      scf.for %scan3A_257 = %scan3A_252 to %scan3A_254 step %scan3A_255  : i32 {
        %mul3A_258 = arith.constant 4 : i32
        %mul3A_259 = arith.muli %scan3A_257, %mul3A_258 : i32
        %get3A_260 = arith.index_cast %mul3A_259 : i32 to index
        %get3A_261 = tpu.vector_load %arg13[%get3A_260] {strides = array<i32>} : memref<528xf32, #tpu.memory_space<vmem>>, vector<16xf32>,
        %get3A_262 = vector.shape_cast %get3A_261 : vector<16xf32> to vector<16xf32>
        %slice3A = vector.extract_strided_slice %get3A_262 {offsets = [0], sizes = [1], strides = [1]} : vector<16xf32> to vector<1xf32>
        %squeeze3A = vector.extract %slice3A[0] : f32 from vector<1xf32>
        %slice3A_263 = vector.extract_strided_slice %get3A_262 {offsets = [1], sizes = [1], strides = [1]} : vector<16xf32> to vector<1xf32>
        %squeeze3A_264 = vector.extract %slice3A_263[0] : f32 from vector<1xf32>
        %slice3A_265 = vector.extract_strided_slice %get3A_262 {offsets = [2], sizes = [1], strides = [1]} : vector<16xf32> to vector<1xf32>
        %squeeze3A_266 = vector.extract %slice3A_265[0] : f32 from vector<1xf32>
        %slice3A_267 = vector.extract_strided_slice %get3A_262 {offsets = [3], sizes = [1], strides = [1]} : vector<16xf32> to vector<1xf32>
        %squeeze3A_268 = vector.extract %slice3A_267[0] : f32 from vector<1xf32>
        %mul3A_269 = vector.broadcast %squeeze3A : f32 to vector<16xf32>
        %mul3A_270 = arith.mulf %mul3A_269, %get3A_44 : vector<16xf32>
        %mul3A_271 = vector.broadcast %squeeze3A_264 : f32 to vector<16xf32>
        %mul3A_272 = arith.mulf %mul3A_271, %get3A_84 : vector<16xf32>
        %add3A_273 = arith.addf %mul3A_270, %mul3A_272 : vector<16xf32>
        %mul3A_274 = vector.broadcast %squeeze3A_266 : f32 to vector<16xf32>
        %mul3A_275 = arith.mulf %mul3A_274, %get3A_124 : vector<16xf32>
        %add3A_276 = arith.addf %add3A_273, %mul3A_275 : vector<16xf32>
        %mul3A_277 = vector.broadcast %squeeze3A_268 : f32 to vector<16xf32>
        %mul3A_278 = arith.mulf %mul3A_277, %get3A_164 : vector<16xf32>
        %add3A_279 = arith.addf %add3A_276, %mul3A_278 : vector<16xf32>
        %get3A_280 = arith.index_cast %scan3A_257 : i32 to index
        %get3A_281 = arith.constant 0 : index
        %get3A_282 = tpu.vector_load %arg14[%get3A_280, %get3A_281] {strides = array<i32>} : memref<128x128xf32, #tpu.memory_space<vmem>>, vector<1x16xf32>,
        %get3A_283 = vector.shape_cast %get3A_282 : vector<1x16xf32> to vector<16xf32>
        %add3A_284 = arith.addf %add3A_279, %get3A_204 : vector<16xf32>
        %add3A_285 = arith.addf %get3A_283, %add3A_284 : vector<16xf32>
        %max3A = arith.constant 0.000000e+00 : f32
        %max3A_286 = vector.broadcast %max3A : f32 to vector<16xf32>
        %max3A_287 = arith.maximumf %add3A_285, %max3A_286 : vector<16xf32>
        %swap3A = arith.index_cast %scan3A_257 : i32 to index
        %swap3A_288 = arith.constant 0 : index
        %swap3A_289 = tpu.vector_load %arg14[%swap3A, %swap3A_288] {strides = array<i32>} : memref<128x128xf32, #tpu.memory_space<vmem>>, vector<1x16xf32>,
        %swap3A_290 = vector.shape_cast %swap3A_289 : vector<1x16xf32> to vector<16xf32>
        %swap3A_291 = vector.shape_cast %max3A_287 : vector<16xf32> to vector<1x16xf32>
        tpu.vector_store %arg14[%swap3A, %swap3A_288], %swap3A_291 {strides = array<i32>} : memref<128x128xf32, #tpu.memory_space<vmem>>, vector<1x16xf32>,
        %mul3A_292 = vector.broadcast %squeeze3A : f32 to vector<16xf32>
        %mul3A_293 = arith.mulf %mul3A_292, %get3A_49 : vector<16xf32>
        %mul3A_294 = vector.broadcast %squeeze3A_264 : f32 to vector<16xf32>
        %mul3A_295 = arith.mulf %mul3A_294, %get3A_89 : vector<16xf32>
        %add3A_296 = arith.addf %mul3A_293, %mul3A_295 : vector<16xf32>
        %mul3A_297 = vector.broadcast %squeeze3A_266 : f32 to vector<16xf32>
        %mul3A_298 = arith.mulf %mul3A_297, %get3A_129 : vector<16xf32>
        %add3A_299 = arith.addf %add3A_296, %mul3A_298 : vector<16xf32>
        %mul3A_300 = vector.broadcast %squeeze3A_268 : f32 to vector<16xf32>
        %mul3A_301 = arith.mulf %mul3A_300, %get3A_169 : vector<16xf32>
        %add3A_302 = arith.addf %add3A_299, %mul3A_301 : vector<16xf32>
        %get3A_303 = arith.index_cast %scan3A_257 : i32 to index
        %get3A_304 = arith.constant 16 : index
        %get3A_305 = tpu.vector_load %arg14[%get3A_303, %get3A_304] {strides = array<i32>} : memref<128x128xf32, #tpu.memory_space<vmem>>, vector<1x16xf32>,
        %get3A_306 = vector.shape_cast %get3A_305 : vector<1x16xf32> to vector<16xf32>
        %add3A_307 = arith.addf %add3A_302, %get3A_209 : vector<16xf32>
        %add3A_308 = arith.addf %get3A_306, %add3A_307 : vector<16xf32>
        %max3A_309 = arith.constant 0.000000e+00 : f32
        %max3A_310 = vector.broadcast %max3A_309 : f32 to vector<16xf32>
        %max3A_311 = arith.maximumf %add3A_308, %max3A_310 : vector<16xf32>
        %swap3A_312 = arith.index_cast %scan3A_257 : i32 to index
        %swap3A_313 = arith.constant 16 : index
        %swap3A_314 = tpu.vector_load %arg14[%swap3A_312, %swap3A_313] {strides = array<i32>} : memref<128x128xf32, #tpu.memory_space<vmem>>, vector<1x16xf32>,
        %swap3A_315 = vector.shape_cast %swap3A_314 : vector<1x16xf32> to vector<16xf32>
        %swap3A_316 = vector.shape_cast %max3A_311 : vector<16xf32> to vector<1x16xf32>
        tpu.vector_store %arg14[%swap3A_312, %swap3A_313], %swap3A_316 {strides = array<i32>} : memref<128x128xf32, #tpu.memory_space<vmem>>, vector<1x16xf32>,
        %mul3A_317 = vector.broadcast %squeeze3A : f32 to vector<16xf32>
        %mul3A_318 = arith.mulf %mul3A_317, %get3A_54 : vector<16xf32>
        %mul3A_319 = vector.broadcast %squeeze3A_264 : f32 to vector<16xf32>
        %mul3A_320 = arith.mulf %mul3A_319, %get3A_94 : vector<16xf32>
        %add3A_321 = arith.addf %mul3A_318, %mul3A_320 : vector<16xf32>
        %mul3A_322 = vector.broadcast %squeeze3A_266 : f32 to vector<16xf32>
        %mul3A_323 = arith.mulf %mul3A_322, %get3A_134 : vector<16xf32>
        %add3A_324 = arith.addf %add3A_321, %mul3A_323 : vector<16xf32>
        %mul3A_325 = vector.broadcast %squeeze3A_268 : f32 to vector<16xf32>
        %mul3A_326 = arith.mulf %mul3A_325, %get3A_174 : vector<16xf32>
        %add3A_327 = arith.addf %add3A_324, %mul3A_326 : vector<16xf32>
        %get3A_328 = arith.index_cast %scan3A_257 : i32 to index
        %get3A_329 = arith.constant 32 : index
        %get3A_330 = tpu.vector_load %arg14[%get3A_328, %get3A_329] {strides = array<i32>} : memref<128x128xf32, #tpu.memory_space<vmem>>, vector<1x16xf32>,
        %get3A_331 = vector.shape_cast %get3A_330 : vector<1x16xf32> to vector<16xf32>
        %add3A_332 = arith.addf %add3A_327, %get3A_214 : vector<16xf32>
        %add3A_333 = arith.addf %get3A_331, %add3A_332 : vector<16xf32>
        %max3A_334 = arith.constant 0.000000e+00 : f32
        %max3A_335 = vector.broadcast %max3A_334 : f32 to vector<16xf32>
        %max3A_336 = arith.maximumf %add3A_333, %max3A_335 : vector<16xf32>
        %swap3A_337 = arith.index_cast %scan3A_257 : i32 to index
        %swap3A_338 = arith.constant 32 : index
        %swap3A_339 = tpu.vector_load %arg14[%swap3A_337, %swap3A_338] {strides = array<i32>} : memref<128x128xf32, #tpu.memory_space<vmem>>, vector<1x16xf32>,
        %swap3A_340 = vector.shape_cast %swap3A_339 : vector<1x16xf32> to vector<16xf32>
        %swap3A_341 = vector.shape_cast %max3A_336 : vector<16xf32> to vector<1x16xf32>
        tpu.vector_store %arg14[%swap3A_337, %swap3A_338], %swap3A_341 {strides = array<i32>} : memref<128x128xf32, #tpu.memory_space<vmem>>, vector<1x16xf32>,
        %mul3A_342 = vector.broadcast %squeeze3A : f32 to vector<16xf32>
        %mul3A_343 = arith.mulf %mul3A_342, %get3A_59 : vector<16xf32>
        %mul3A_344 = vector.broadcast %squeeze3A_264 : f32 to vector<16xf32>
        %mul3A_345 = arith.mulf %mul3A_344, %get3A_99 : vector<16xf32>
        %add3A_346 = arith.addf %mul3A_343, %mul3A_345 : vector<16xf32>
        %mul3A_347 = vector.broadcast %squeeze3A_266 : f32 to vector<16xf32>
        %mul3A_348 = arith.mulf %mul3A_347, %get3A_139 : vector<16xf32>
        %add3A_349 = arith.addf %add3A_346, %mul3A_348 : vector<16xf32>
        %mul3A_350 = vector.broadcast %squeeze3A_268 : f32 to vector<16xf32>
        %mul3A_351 = arith.mulf %mul3A_350, %get3A_179 : vector<16xf32>
        %add3A_352 = arith.addf %add3A_349, %mul3A_351 : vector<16xf32>
        %get3A_353 = arith.index_cast %scan3A_257 : i32 to index
        %get3A_354 = arith.constant 48 : index
        %get3A_355 = tpu.vector_load %arg14[%get3A_353, %get3A_354] {strides = array<i32>} : memref<128x128xf32, #tpu.memory_space<vmem>>, vector<1x16xf32>,
        %get3A_356 = vector.shape_cast %get3A_355 : vector<1x16xf32> to vector<16xf32>
        %add3A_357 = arith.addf %add3A_352, %get3A_219 : vector<16xf32>
        %add3A_358 = arith.addf %get3A_356, %add3A_357 : vector<16xf32>
        %max3A_359 = arith.constant 0.000000e+00 : f32
        %max3A_360 = vector.broadcast %max3A_359 : f32 to vector<16xf32>
        %max3A_361 = arith.maximumf %add3A_358, %max3A_360 : vector<16xf32>
        %swap3A_362 = arith.index_cast %scan3A_257 : i32 to index
        %swap3A_363 = arith.constant 48 : index
        %swap3A_364 = tpu.vector_load %arg14[%swap3A_362, %swap3A_363] {strides = array<i32>} : memref<128x128xf32, #tpu.memory_space<vmem>>, vector<1x16xf32>,
        %swap3A_365 = vector.shape_cast %swap3A_364 : vector<1x16xf32> to vector<16xf32>
        %swap3A_366 = vector.shape_cast %max3A_361 : vector<16xf32> to vector<1x16xf32>
        tpu.vector_store %arg14[%swap3A_362, %swap3A_363], %swap3A_366 {strides = array<i32>} : memref<128x128xf32, #tpu.memory_space<vmem>>, vector<1x16xf32>,
        %mul3A_367 = vector.broadcast %squeeze3A : f32 to vector<16xf32>
        %mul3A_368 = arith.mulf %mul3A_367, %get3A_64 : vector<16xf32>
        %mul3A_369 = vector.broadcast %squeeze3A_264 : f32 to vector<16xf32>
        %mul3A_370 = arith.mulf %mul3A_369, %get3A_104 : vector<16xf32>
        %add3A_371 = arith.addf %mul3A_368, %mul3A_370 : vector<16xf32>
        %mul3A_372 = vector.broadcast %squeeze3A_266 : f32 to vector<16xf32>
        %mul3A_373 = arith.mulf %mul3A_372, %get3A_144 : vector<16xf32>
        %add3A_374 = arith.addf %add3A_371, %mul3A_373 : vector<16xf32>
        %mul3A_375 = vector.broadcast %squeeze3A_268 : f32 to vector<16xf32>
        %mul3A_376 = arith.mulf %mul3A_375, %get3A_184 : vector<16xf32>
        %add3A_377 = arith.addf %add3A_374, %mul3A_376 : vector<16xf32>
        %get3A_378 = arith.index_cast %scan3A_257 : i32 to index
        %get3A_379 = arith.constant 64 : index
        %get3A_380 = tpu.vector_load %arg14[%get3A_378, %get3A_379] {strides = array<i32>} : memref<128x128xf32, #tpu.memory_space<vmem>>, vector<1x16xf32>,
        %get3A_381 = vector.shape_cast %get3A_380 : vector<1x16xf32> to vector<16xf32>
        %add3A_382 = arith.addf %add3A_377, %get3A_224 : vector<16xf32>
        %add3A_383 = arith.addf %get3A_381, %add3A_382 : vector<16xf32>
        %max3A_384 = arith.constant 0.000000e+00 : f32
        %max3A_385 = vector.broadcast %max3A_384 : f32 to vector<16xf32>
        %max3A_386 = arith.maximumf %add3A_383, %max3A_385 : vector<16xf32>
        %swap3A_387 = arith.index_cast %scan3A_257 : i32 to index
        %swap3A_388 = arith.constant 64 : index
        %swap3A_389 = tpu.vector_load %arg14[%swap3A_387, %swap3A_388] {strides = array<i32>} : memref<128x128xf32, #tpu.memory_space<vmem>>, vector<1x16xf32>,
        %swap3A_390 = vector.shape_cast %swap3A_389 : vector<1x16xf32> to vector<16xf32>
        %swap3A_391 = vector.shape_cast %max3A_386 : vector<16xf32> to vector<1x16xf32>
        tpu.vector_store %arg14[%swap3A_387, %swap3A_388], %swap3A_391 {strides = array<i32>} : memref<128x128xf32, #tpu.memory_space<vmem>>, vector<1x16xf32>,
        %mul3A_392 = vector.broadcast %squeeze3A : f32 to vector<16xf32>
        %mul3A_393 = arith.mulf %mul3A_392, %get3A_69 : vector<16xf32>
        %mul3A_394 = vector.broadcast %squeeze3A_264 : f32 to vector<16xf32>
        %mul3A_395 = arith.mulf %mul3A_394, %get3A_109 : vector<16xf32>
        %add3A_396 = arith.addf %mul3A_393, %mul3A_395 : vector<16xf32>
        %mul3A_397 = vector.broadcast %squeeze3A_266 : f32 to vector<16xf32>
        %mul3A_398 = arith.mulf %mul3A_397, %get3A_149 : vector<16xf32>
        %add3A_399 = arith.addf %add3A_396, %mul3A_398 : vector<16xf32>
        %mul3A_400 = vector.broadcast %squeeze3A_268 : f32 to vector<16xf32>
        %mul3A_401 = arith.mulf %mul3A_400, %get3A_189 : vector<16xf32>
        %add3A_402 = arith.addf %add3A_399, %mul3A_401 : vector<16xf32>
        %get3A_403 = arith.index_cast %scan3A_257 : i32 to index
        %get3A_404 = arith.constant 80 : index
        %get3A_405 = tpu.vector_load %arg14[%get3A_403, %get3A_404] {strides = array<i32>} : memref<128x128xf32, #tpu.memory_space<vmem>>, vector<1x16xf32>,
        %get3A_406 = vector.shape_cast %get3A_405 : vector<1x16xf32> to vector<16xf32>
        %add3A_407 = arith.addf %add3A_402, %get3A_229 : vector<16xf32>
        %add3A_408 = arith.addf %get3A_406, %add3A_407 : vector<16xf32>
        %max3A_409 = arith.constant 0.000000e+00 : f32
        %max3A_410 = vector.broadcast %max3A_409 : f32 to vector<16xf32>
        %max3A_411 = arith.maximumf %add3A_408, %max3A_410 : vector<16xf32>
        %swap3A_412 = arith.index_cast %scan3A_257 : i32 to index
        %swap3A_413 = arith.constant 80 : index
        %swap3A_414 = tpu.vector_load %arg14[%swap3A_412, %swap3A_413] {strides = array<i32>} : memref<128x128xf32, #tpu.memory_space<vmem>>, vector<1x16xf32>,
        %swap3A_415 = vector.shape_cast %swap3A_414 : vector<1x16xf32> to vector<16xf32>
        %swap3A_416 = vector.shape_cast %max3A_411 : vector<16xf32> to vector<1x16xf32>
        tpu.vector_store %arg14[%swap3A_412, %swap3A_413], %swap3A_416 {strides = array<i32>} : memref<128x128xf32, #tpu.memory_space<vmem>>, vector<1x16xf32>,
        %mul3A_417 = vector.broadcast %squeeze3A : f32 to vector<16xf32>
        %mul3A_418 = arith.mulf %mul3A_417, %get3A_74 : vector<16xf32>
        %mul3A_419 = vector.broadcast %squeeze3A_264 : f32 to vector<16xf32>
        %mul3A_420 = arith.mulf %mul3A_419, %get3A_114 : vector<16xf32>
        %add3A_421 = arith.addf %mul3A_418, %mul3A_420 : vector<16xf32>
        %mul3A_422 = vector.broadcast %squeeze3A_266 : f32 to vector<16xf32>
        %mul3A_423 = arith.mulf %mul3A_422, %get3A_154 : vector<16xf32>
        %add3A_424 = arith.addf %add3A_421, %mul3A_423 : vector<16xf32>
        %mul3A_425 = vector.broadcast %squeeze3A_268 : f32 to vector<16xf32>
        %mul3A_426 = arith.mulf %mul3A_425, %get3A_194 : vector<16xf32>
        %add3A_427 = arith.addf %add3A_424, %mul3A_426 : vector<16xf32>
        %get3A_428 = arith.index_cast %scan3A_257 : i32 to index
        %get3A_429 = arith.constant 96 : index
        %get3A_430 = tpu.vector_load %arg14[%get3A_428, %get3A_429] {strides = array<i32>} : memref<128x128xf32, #tpu.memory_space<vmem>>, vector<1x16xf32>,
        %get3A_431 = vector.shape_cast %get3A_430 : vector<1x16xf32> to vector<16xf32>
        %add3A_432 = arith.addf %add3A_427, %get3A_234 : vector<16xf32>
        %add3A_433 = arith.addf %get3A_431, %add3A_432 : vector<16xf32>
        %max3A_434 = arith.constant 0.000000e+00 : f32
        %max3A_435 = vector.broadcast %max3A_434 : f32 to vector<16xf32>
        %max3A_436 = arith.maximumf %add3A_433, %max3A_435 : vector<16xf32>
        %swap3A_437 = arith.index_cast %scan3A_257 : i32 to index
        %swap3A_438 = arith.constant 96 : index
        %swap3A_439 = tpu.vector_load %arg14[%swap3A_437, %swap3A_438] {strides = array<i32>} : memref<128x128xf32, #tpu.memory_space<vmem>>, vector<1x16xf32>,
        %swap3A_440 = vector.shape_cast %swap3A_439 : vector<1x16xf32> to vector<16xf32>
        %swap3A_441 = vector.shape_cast %max3A_436 : vector<16xf32> to vector<1x16xf32>
        tpu.vector_store %arg14[%swap3A_437, %swap3A_438], %swap3A_441 {strides = array<i32>} : memref<128x128xf32, #tpu.memory_space<vmem>>, vector<1x16xf32>,
        %mul3A_442 = vector.broadcast %squeeze3A : f32 to vector<16xf32>
        %mul3A_443 = arith.mulf %mul3A_442, %get3A_79 : vector<16xf32>
        %mul3A_444 = vector.broadcast %squeeze3A_264 : f32 to vector<16xf32>
        %mul3A_445 = arith.mulf %mul3A_444, %get3A_119 : vector<16xf32>
        %add3A_446 = arith.addf %mul3A_443, %mul3A_445 : vector<16xf32>
        %mul3A_447 = vector.broadcast %squeeze3A_266 : f32 to vector<16xf32>
        %mul3A_448 = arith.mulf %mul3A_447, %get3A_159 : vector<16xf32>
        %add3A_449 = arith.addf %add3A_446, %mul3A_448 : vector<16xf32>
        %mul3A_450 = vector.broadcast %squeeze3A_268 : f32 to vector<16xf32>
        %mul3A_451 = arith.mulf %mul3A_450, %get3A_199 : vector<16xf32>
        %add3A_452 = arith.addf %add3A_449, %mul3A_451 : vector<16xf32>
        %get3A_453 = arith.index_cast %scan3A_257 : i32 to index
        %get3A_454 = arith.constant 112 : index
        %get3A_455 = tpu.vector_load %arg14[%get3A_453, %get3A_454] {strides = array<i32>} : memref<128x128xf32, #tpu.memory_space<vmem>>, vector<1x16xf32>,
        %get3A_456 = vector.shape_cast %get3A_455 : vector<1x16xf32> to vector<16xf32>
        %add3A_457 = arith.addf %add3A_452, %get3A_239 : vector<16xf32>
        %add3A_458 = arith.addf %get3A_456, %add3A_457 : vector<16xf32>
        %max3A_459 = arith.constant 0.000000e+00 : f32
        %max3A_460 = vector.broadcast %max3A_459 : f32 to vector<16xf32>
        %max3A_461 = arith.maximumf %add3A_458, %max3A_460 : vector<16xf32>
        %swap3A_462 = arith.index_cast %scan3A_257 : i32 to index
        %swap3A_463 = arith.constant 112 : index
        %swap3A_464 = tpu.vector_load %arg14[%swap3A_462, %swap3A_463] {strides = array<i32>} : memref<128x128xf32, #tpu.memory_space<vmem>>, vector<1x16xf32>,
        %swap3A_465 = vector.shape_cast %swap3A_464 : vector<1x16xf32> to vector<16xf32>
        %swap3A_466 = vector.shape_cast %max3A_461 : vector<16xf32> to vector<1x16xf32>
        tpu.vector_store %arg14[%swap3A_462, %swap3A_463], %swap3A_466 {strides = array<i32>} : memref<128x128xf32, #tpu.memory_space<vmem>>, vector<1x16xf32>,
      }
      %scan3A_256 = arith.constant 128 : i32
      "tpu.region"() ({
        %run_scoped3A = tpu.sem_alloc : memref<!tpu.dma_semaphore, #tpu.memory_space<semaphore_mem>>
        %dma_start3A_257 = arith.constant 0 : i32
        %dma_start3A_258 = arith.constant 0 : i32
        %dma_start3A_259 = tpu.memref_slice %arg10[%dma_start3A_257, %dma_start3A_258] : memref<10240x128xf32, #tpu.memory_space<vmem_shared>> -> memref<10240x128xf32, #tpu.memory_space<vmem_shared>>
        tpu.enqueue_indirect_dma source(%arg14 : memref<128x128xf32, #tpu.memory_space<vmem>>) target(%dma_start3A_259 : memref<10240x128xf32, #tpu.memory_space<vmem_shared>>) offsets(%arg12 : memref<128xi32, #tpu.memory_space<vmem>>) semaphore(%run_scoped3A : memref<!tpu.dma_semaphore, #tpu.memory_space<semaphore_mem>>) {add = true}
        %dma_wait3A_260 = arith.constant 0 : i32
        %dma_wait3A_261 = arith.constant 0 : i32
        %dma_wait3A_262 = tpu.memref_slice %arg10[%dma_wait3A_260, %dma_wait3A_261] : memref<10240x128xf32, #tpu.memory_space<vmem_shared>> -> memref<10240x128xf32, #tpu.memory_space<vmem_shared>>
        tpu.wait_indirect_dma semaphore(%run_scoped3A : memref<!tpu.dma_semaphore, #tpu.memory_space<semaphore_mem>>) src(%arg14 : memref<128x128xf32, #tpu.memory_space<vmem>>) dst(%dma_wait3A_262 : memref<10240x128xf32, #tpu.memory_space<vmem_shared>>)
        tpu.yield
      }) : () -> ()
    }
    %scan3A_31 = arith.constant 79 : i32
    %barrier3A_32 = arith.constant 0 : index
    tpu.barrier barrier_id(%barrier3A_32)
    %eq3A = arith.constant 0 : i32
    %eq3A_33 = arith.cmpi eq, %arg0, %eq3A : i32
    %convert_element_type3A = arith.extui %eq3A_33 : i1 to i32
    %cond3A = arith.constant 0 : i32
    %cond3A_34 = arith.cmpi ne, %convert_element_type3A, %cond3A : i32
    scf.if %cond3A_34 {
      %mul3A_40 = arith.constant 640 : i32
      %mul3A_41 = arith.muli %arg1, %mul3A_40 : i32
      %mul3A_42 = arith.constant 640 : i32
      %mul3A_43 = arith.muli %arg1, %mul3A_42 : i32
      "tpu.region"() ({
        %run_scoped3A = tpu.sem_alloc : memref<!tpu.dma_semaphore, #tpu.memory_space<semaphore_mem>>
        %dma_start3A = arith.constant 0 : i32
        %dma_start3A_44 = tpu.memref_slice %arg8[%mul3A_43, %dma_start3A] : memref<10240x128xf32, #tpu.memory_space<hbm>> -> memref<640x128xf32, #tpu.memory_space<hbm>>
        %dma_start3A_45 = arith.constant 0 : i32
        %dma_start3A_46 = tpu.memref_slice %arg10[%mul3A_41, %dma_start3A_45] : memref<10240x128xf32, #tpu.memory_space<vmem_shared>> -> memref<640x128xf32, #tpu.memory_space<vmem_shared>>
        tpu.enqueue_dma source(%dma_start3A_46 : memref<640x128xf32, #tpu.memory_space<vmem_shared>>) target(%dma_start3A_44 : memref<640x128xf32, #tpu.memory_space<hbm>>) target_semaphore(%run_scoped3A : memref<!tpu.dma_semaphore, #tpu.memory_space<semaphore_mem>>)
        %dma_wait3A = arith.constant 0 : i32
        %dma_wait3A_47 = tpu.memref_slice %arg8[%mul3A_43, %dma_wait3A] : memref<10240x128xf32, #tpu.memory_space<hbm>> -> memref<640x128xf32, #tpu.memory_space<hbm>>
        %dma_wait3A_48 = arith.constant 0 : i32
        %dma_wait3A_49 = tpu.memref_slice %arg10[%mul3A_41, %dma_wait3A_48] : memref<10240x128xf32, #tpu.memory_space<vmem_shared>> -> memref<640x128xf32, #tpu.memory_space<vmem_shared>>
        tpu.wait_dma2 semaphore(%run_scoped3A : memref<!tpu.dma_semaphore, #tpu.memory_space<semaphore_mem>>) src(%dma_wait3A_49 : memref<640x128xf32, #tpu.memory_space<vmem_shared>>) dst(%dma_wait3A_47 : memref<640x128xf32, #tpu.memory_space<hbm>>)
        tpu.yield
      }) : () -> ()
    } else {
    }
    %eq3A_35 = arith.constant 1 : i32
    %eq3A_36 = arith.cmpi eq, %arg0, %eq3A_35 : i32
    %convert_element_type3A_37 = arith.extui %eq3A_36 : i1 to i32
    %cond3A_38 = arith.constant 0 : i32
    %cond3A_39 = arith.cmpi ne, %convert_element_type3A_37, %cond3A_38 : i32
    scf.if %cond3A_39 {
      %mul3A_40 = arith.constant 640 : i32
      %mul3A_41 = arith.muli %arg1, %mul3A_40 : i32
      %mul3A_42 = arith.constant 640 : i32
      %mul3A_43 = arith.muli %arg1, %mul3A_42 : i32
      "tpu.region"() ({
        %run_scoped3A = tpu.sem_alloc : memref<!tpu.dma_semaphore, #tpu.memory_space<semaphore_mem>>
        %dma_start3A = arith.constant 0 : i32
        %dma_start3A_44 = tpu.memref_slice %arg9[%mul3A_43, %dma_start3A] : memref<10240x128xf32, #tpu.memory_space<hbm>> -> memref<640x128xf32, #tpu.memory_space<hbm>>
        %dma_start3A_45 = arith.constant 0 : i32
        %dma_start3A_46 = tpu.memref_slice %arg10[%mul3A_41, %dma_start3A_45] : memref<10240x128xf32, #tpu.memory_space<vmem_shared>> -> memref<640x128xf32, #tpu.memory_space<vmem_shared>>
        tpu.enqueue_dma source(%dma_start3A_46 : memref<640x128xf32, #tpu.memory_space<vmem_shared>>) target(%dma_start3A_44 : memref<640x128xf32, #tpu.memory_space<hbm>>) target_semaphore(%run_scoped3A : memref<!tpu.dma_semaphore, #tpu.memory_space<semaphore_mem>>)
        %dma_wait3A = arith.constant 0 : i32
        %dma_wait3A_47 = tpu.memref_slice %arg9[%mul3A_43, %dma_wait3A] : memref<10240x128xf32, #tpu.memory_space<hbm>> -> memref<640x128xf32, #tpu.memory_space<hbm>>
        %dma_wait3A_48 = arith.constant 0 : i32
        %dma_wait3A_49 = tpu.memref_slice %arg10[%mul3A_41, %dma_wait3A_48] : memref<10240x128xf32, #tpu.memory_space<vmem_shared>> -> memref<640x128xf32, #tpu.memory_space<vmem_shared>>
        tpu.wait_dma2 semaphore(%run_scoped3A : memref<!tpu.dma_semaphore, #tpu.memory_space<semaphore_mem>>) src(%dma_wait3A_49 : memref<640x128xf32, #tpu.memory_space<vmem_shared>>) dst(%dma_wait3A_47 : memref<640x128xf32, #tpu.memory_space<hbm>>)
        tpu.yield
      }) : () -> ()
    } else {
    }
    return
  }
}

module attributes {stable_mosaic.version = 14 : i64} {
  func.func @body(%arg0: i32, %arg1: memref<1024x128xf32, #tpu.memory_space<vmem>>, %arg2: memref<1024x128xf32, #tpu.memory_space<vmem>>, %arg3: memref<1024x128xf32, #tpu.memory_space<vmem>>, %arg4: memref<128x128xf32, #tpu.memory_space<vmem>>, %arg5: memref<1x128xf32, #tpu.memory_space<vmem>>, %arg6: memref<128x128xf32, #tpu.memory_space<vmem>>, %arg7: memref<1x128xf32, #tpu.memory_space<vmem>>, %arg8: memref<1024x128xf32, #tpu.memory_space<vmem>>) attributes {dimension_semantics = [#tpu.dimension_semantics<arbitrary>], iteration_bounds = array<i64: 10>, scalar_prefetch = 0 : i64, scratch_operands = 0 : i64, tpu.core_type = #tpu.core_type<tc>, window_params = [{transform_indices = @transform_0, window_bounds = array<i64: 1024, 128>}, {transform_indices = @transform_1, window_bounds = array<i64: 1024, 128>}, {transform_indices = @transform_2, window_bounds = array<i64: 1024, 128>}, {pipeline_mode = #tpu.pipeline_mode<synchronous>, transform_indices = @transform_3, window_bounds = array<i64: 128, 128>}, {pipeline_mode = #tpu.pipeline_mode<synchronous>, transform_indices = @transform_4, window_bounds = array<i64: 1, 128>}, {pipeline_mode = #tpu.pipeline_mode<synchronous>, transform_indices = @transform_5, window_bounds = array<i64: 128, 128>}, {pipeline_mode = #tpu.pipeline_mode<synchronous>, transform_indices = @transform_6, window_bounds = array<i64: 1, 128>}, {transform_indices = @transform_7, window_bounds = array<i64: 1024, 128>}]} {
    %get3A = arith.constant 0 : index
    %get3A_0 = arith.constant 0 : index
    %get3A_1 = vector.load %arg1[%get3A, %get3A_0] : memref<1024x128xf32, #tpu.memory_space<vmem>>, vector<1024x128xf32>
    %get3A_2 = arith.constant 0 : index
    %get3A_3 = arith.constant 0 : index
    %get3A_4 = vector.load %arg2[%get3A_2, %get3A_3] : memref<1024x128xf32, #tpu.memory_space<vmem>>, vector<1024x128xf32>
    %add3A = arith.addf %get3A_1, %get3A_4 : vector<1024x128xf32>
    %get3A_5 = arith.constant 0 : index
    %get3A_6 = arith.constant 0 : index
    %get3A_7 = vector.load %arg3[%get3A_5, %get3A_6] : memref<1024x128xf32, #tpu.memory_space<vmem>>, vector<1024x128xf32>
    %add3A_8 = arith.addf %add3A, %get3A_7 : vector<1024x128xf32>
    %convert_element_type3A = arith.truncf %add3A_8 : vector<1024x128xf32> to vector<1024x128xbf16>
    %get3A_9 = arith.constant 0 : index
    %get3A_10 = arith.constant 0 : index
    %get3A_11 = vector.load %arg4[%get3A_9, %get3A_10] : memref<128x128xf32, #tpu.memory_space<vmem>>, vector<128x128xf32>
    %convert_element_type3A_12 = arith.truncf %get3A_11 : vector<128x128xf32> to vector<128x128xbf16>
    %dot_general3A = arith.constant dense<0.000000e+00> : vector<1024x128xf32>
    %dot_general3A_13 = tpu.matmul %convert_element_type3A, %convert_element_type3A_12, %dot_general3A {dimension_numbers = #tpu.dot_dimension_numbers<[1], [0], [0], [1], [0, 0, 1, 1], [], []>, transpose_lhs_hint = false} : vector<1024x128xbf16>, vector<128x128xbf16>, vector<1024x128xf32> -> vector<1024x128xf32>
    %get3A_14 = arith.constant 0 : index
    %get3A_15 = arith.constant 0 : index
    %get3A_16 = vector.load %arg5[%get3A_14, %get3A_15] : memref<1x128xf32, #tpu.memory_space<vmem>>, vector<1x128xf32>
    %add3A_17 = vector.broadcast %get3A_16 : vector<1x128xf32> to vector<1024x128xf32>
    %add3A_18 = arith.addf %dot_general3A_13, %add3A_17 : vector<1024x128xf32>
    %max3A = arith.constant 0.000000e+00 : f32
    %max3A_19 = vector.broadcast %max3A : f32 to vector<1024x128xf32>
    %max3A_20 = arith.maximumf %add3A_18, %max3A_19 : vector<1024x128xf32>
    %convert_element_type3A_21 = arith.truncf %max3A_20 : vector<1024x128xf32> to vector<1024x128xbf16>
    %get3A_22 = arith.constant 0 : index
    %get3A_23 = arith.constant 0 : index
    %get3A_24 = vector.load %arg6[%get3A_22, %get3A_23] : memref<128x128xf32, #tpu.memory_space<vmem>>, vector<128x128xf32>
    %convert_element_type3A_25 = arith.truncf %get3A_24 : vector<128x128xf32> to vector<128x128xbf16>
    %dot_general3A_26 = arith.constant dense<0.000000e+00> : vector<1024x128xf32>
    %dot_general3A_27 = tpu.matmul %convert_element_type3A_21, %convert_element_type3A_25, %dot_general3A_26 {dimension_numbers = #tpu.dot_dimension_numbers<[1], [0], [0], [1], [0, 0, 1, 1], [], []>, transpose_lhs_hint = false} : vector<1024x128xbf16>, vector<128x128xbf16>, vector<1024x128xf32> -> vector<1024x128xf32>
    %get3A_28 = arith.constant 0 : index
    %get3A_29 = arith.constant 0 : index
    %get3A_30 = vector.load %arg7[%get3A_28, %get3A_29] : memref<1x128xf32, #tpu.memory_space<vmem>>, vector<1x128xf32>
    %add3A_31 = vector.broadcast %get3A_30 : vector<1x128xf32> to vector<1024x128xf32>
    %add3A_32 = arith.addf %dot_general3A_27, %add3A_31 : vector<1024x128xf32>
    %max3A_33 = arith.constant 0.000000e+00 : f32
    %max3A_34 = vector.broadcast %max3A_33 : f32 to vector<1024x128xf32>
    %max3A_35 = arith.maximumf %add3A_32, %max3A_34 : vector<1024x128xf32>
    %swap3A = arith.constant 0 : index
    %swap3A_36 = arith.constant 0 : index
    %swap3A_37 = vector.load %arg8[%swap3A, %swap3A_36] : memref<1024x128xf32, #tpu.memory_space<vmem>>, vector<1024x128xf32>
    tpu.vector_store %arg8[%swap3A, %swap3A_36], %max3A_35 {strides = array<i32>} : memref<1024x128xf32, #tpu.memory_space<vmem>>, vector<1024x128xf32>,
    return
  }
  func.func @transform_0(%arg0: i32) -> (i32, i32) {
    %c0_i32 = arith.constant 0 : i32
    %c0_i32_0 = arith.constant 0 : i32
    return %arg0, %c0_i32 : i32, i32
  }
  func.func @transform_1(%arg0: i32) -> (i32, i32) {
    %c0_i32 = arith.constant 0 : i32
    %c0_i32_0 = arith.constant 0 : i32
    return %arg0, %c0_i32 : i32, i32
  }
  func.func @transform_2(%arg0: i32) -> (i32, i32) {
    %c0_i32 = arith.constant 0 : i32
    %c0_i32_0 = arith.constant 0 : i32
    return %arg0, %c0_i32 : i32, i32
  }
  func.func @transform_3(%arg0: i32) -> (i32, i32) {
    %c0_i32 = arith.constant 0 : i32
    %c0_i32_0 = arith.constant 0 : i32
    %c0_i32_1 = arith.constant 0 : i32
    return %c0_i32, %c0_i32_0 : i32, i32
  }
  func.func @transform_4(%arg0: i32) -> (i32, i32) {
    %c0_i32 = arith.constant 0 : i32
    %c0_i32_0 = arith.constant 0 : i32
    %c0_i32_1 = arith.constant 0 : i32
    return %c0_i32, %c0_i32_0 : i32, i32
  }
  func.func @transform_5(%arg0: i32) -> (i32, i32) {
    %c0_i32 = arith.constant 0 : i32
    %c0_i32_0 = arith.constant 0 : i32
    %c0_i32_1 = arith.constant 0 : i32
    return %c0_i32, %c0_i32_0 : i32, i32
  }
  func.func @transform_6(%arg0: i32) -> (i32, i32) {
    %c0_i32 = arith.constant 0 : i32
    %c0_i32_0 = arith.constant 0 : i32
    %c0_i32_1 = arith.constant 0 : i32
    return %c0_i32, %c0_i32_0 : i32, i32
  }
  func.func @transform_7(%arg0: i32) -> (i32, i32) {
    %c0_i32 = arith.constant 0 : i32
    %c0_i32_0 = arith.constant 0 : i32
    return %arg0, %c0_i32 : i32, i32
  }
}

module attributes {stable_mosaic.version = 14 : i64} {
  func.func @body(%arg0: i32, %arg1: memref<1024x128xf32, #tpu.memory_space<vmem>>, %arg2: memref<1024x128xf32, #tpu.memory_space<vmem>>, %arg3: memref<1024x128xf32, #tpu.memory_space<vmem>>, %arg4: memref<1x1x1024xi32, #tpu.memory_space<vmem>>, %arg5: memref<128x128xf32, #tpu.memory_space<vmem>>, %arg6: memref<1x128xf32, #tpu.memory_space<vmem>>, %arg7: memref<128x128xf32, #tpu.memory_space<vmem>>, %arg8: memref<1x128xf32, #tpu.memory_space<vmem>>, %arg9: memref<64x128xf32, #tpu.memory_space<vmem>>, %arg10: memref<64x1xf32, #tpu.memory_space<vmem>>) attributes {dimension_semantics = [#tpu.dimension_semantics<arbitrary>], iteration_bounds = array<i64: 10>, scalar_prefetch = 0 : i64, scratch_operands = 0 : i64, tpu.core_type = #tpu.core_type<tc>, window_params = [{transform_indices = @transform_0, window_bounds = array<i64: 1024, 128>}, {transform_indices = @transform_1, window_bounds = array<i64: 1024, 128>}, {transform_indices = @transform_2, window_bounds = array<i64: 1024, 128>}, {transform_indices = @transform_3, window_bounds = array<i64: 1, 1, 1024>}, {pipeline_mode = #tpu.pipeline_mode<synchronous>, transform_indices = @transform_4, window_bounds = array<i64: 128, 128>}, {pipeline_mode = #tpu.pipeline_mode<synchronous>, transform_indices = @transform_5, window_bounds = array<i64: 1, 128>}, {pipeline_mode = #tpu.pipeline_mode<synchronous>, transform_indices = @transform_6, window_bounds = array<i64: 128, 128>}, {pipeline_mode = #tpu.pipeline_mode<synchronous>, transform_indices = @transform_7, window_bounds = array<i64: 1, 128>}, {pipeline_mode = #tpu.pipeline_mode<synchronous>, transform_indices = @transform_8, window_bounds = array<i64: 64, 128>}, {pipeline_mode = #tpu.pipeline_mode<synchronous>, transform_indices = @transform_9, window_bounds = array<i64: 64, 1>}]} {
    %get3A = arith.constant 0 : index
    %get3A_0 = arith.constant 0 : index
    %get3A_1 = vector.load %arg1[%get3A, %get3A_0] : memref<1024x128xf32, #tpu.memory_space<vmem>>, vector<1024x128xf32>
    %get3A_2 = arith.constant 0 : index
    %get3A_3 = arith.constant 0 : index
    %get3A_4 = vector.load %arg2[%get3A_2, %get3A_3] : memref<1024x128xf32, #tpu.memory_space<vmem>>, vector<1024x128xf32>
    %add3A = arith.addf %get3A_1, %get3A_4 : vector<1024x128xf32>
    %get3A_5 = arith.constant 0 : index
    %get3A_6 = arith.constant 0 : index
    %get3A_7 = vector.load %arg3[%get3A_5, %get3A_6] : memref<1024x128xf32, #tpu.memory_space<vmem>>, vector<1024x128xf32>
    %add3A_8 = arith.addf %add3A, %get3A_7 : vector<1024x128xf32>
    %convert_element_type3A = arith.truncf %add3A_8 : vector<1024x128xf32> to vector<1024x128xbf16>
    %get3A_9 = arith.constant 0 : index
    %get3A_10 = arith.constant 0 : index
    %get3A_11 = vector.load %arg5[%get3A_9, %get3A_10] : memref<128x128xf32, #tpu.memory_space<vmem>>, vector<128x128xf32>
    %convert_element_type3A_12 = arith.truncf %get3A_11 : vector<128x128xf32> to vector<128x128xbf16>
    %dot_general3A = arith.constant dense<0.000000e+00> : vector<1024x128xf32>
    %dot_general3A_13 = tpu.matmul %convert_element_type3A, %convert_element_type3A_12, %dot_general3A {dimension_numbers = #tpu.dot_dimension_numbers<[1], [0], [0], [1], [0, 0, 1, 1], [], []>, transpose_lhs_hint = false} : vector<1024x128xbf16>, vector<128x128xbf16>, vector<1024x128xf32> -> vector<1024x128xf32>
    %get3A_14 = arith.constant 0 : index
    %get3A_15 = arith.constant 0 : index
    %get3A_16 = vector.load %arg6[%get3A_14, %get3A_15] : memref<1x128xf32, #tpu.memory_space<vmem>>, vector<1x128xf32>
    %add3A_17 = vector.broadcast %get3A_16 : vector<1x128xf32> to vector<1024x128xf32>
    %add3A_18 = arith.addf %dot_general3A_13, %add3A_17 : vector<1024x128xf32>
    %max3A = arith.constant 0.000000e+00 : f32
    %max3A_19 = vector.broadcast %max3A : f32 to vector<1024x128xf32>
    %max3A_20 = arith.maximumf %add3A_18, %max3A_19 : vector<1024x128xf32>
    %convert_element_type3A_21 = arith.truncf %max3A_20 : vector<1024x128xf32> to vector<1024x128xbf16>
    %get3A_22 = arith.constant 0 : index
    %get3A_23 = arith.constant 0 : index
    %get3A_24 = vector.load %arg7[%get3A_22, %get3A_23] : memref<128x128xf32, #tpu.memory_space<vmem>>, vector<128x128xf32>
    %convert_element_type3A_25 = arith.truncf %get3A_24 : vector<128x128xf32> to vector<128x128xbf16>
    %dot_general3A_26 = arith.constant dense<0.000000e+00> : vector<1024x128xf32>
    %dot_general3A_27 = tpu.matmul %convert_element_type3A_21, %convert_element_type3A_25, %dot_general3A_26 {dimension_numbers = #tpu.dot_dimension_numbers<[1], [0], [0], [1], [0, 0, 1, 1], [], []>, transpose_lhs_hint = false} : vector<1024x128xbf16>, vector<128x128xbf16>, vector<1024x128xf32> -> vector<1024x128xf32>
    %get3A_28 = arith.constant 0 : index
    %get3A_29 = arith.constant 0 : index
    %get3A_30 = vector.load %arg8[%get3A_28, %get3A_29] : memref<1x128xf32, #tpu.memory_space<vmem>>, vector<1x128xf32>
    %add3A_31 = vector.broadcast %get3A_30 : vector<1x128xf32> to vector<1024x128xf32>
    %add3A_32 = arith.addf %dot_general3A_27, %add3A_31 : vector<1024x128xf32>
    %max3A_33 = arith.constant 0.000000e+00 : f32
    %max3A_34 = vector.broadcast %max3A_33 : f32 to vector<1024x128xf32>
    %max3A_35 = arith.maximumf %add3A_32, %max3A_34 : vector<1024x128xf32>
    %get3A_36 = arith.constant 0 : index
    %get3A_37 = arith.constant 0 : index
    %get3A_38 = arith.constant 0 : index
    %get3A_39 = vector.load %arg4[%get3A_36, %get3A_37, %get3A_38] : memref<1x1x1024xi32, #tpu.memory_space<vmem>>, vector<1x1x1024xi32>
    %get3A_40 = vector.shape_cast %get3A_39 : vector<1x1x1024xi32> to vector<1024xi32>
    %broadcast_in_dim3A = vector.shape_cast %get3A_40 : vector<1024xi32> to vector<1024x1xi32>
    %iota3A = tpu.iota {dimensions = array<i32: 1>} : vector<1024x64xi32>
    %eq3A = vector.broadcast %broadcast_in_dim3A : vector<1024x1xi32> to vector<1024x64xi32>
    %eq3A_41 = arith.cmpi eq, %eq3A, %iota3A : vector<1024x64xi32>
    %convert_element_type3A_42 = arith.extui %eq3A_41 : vector<1024x64xi1> to vector<1024x64xi32>
    %convert_element_type3A_43 = arith.sitofp %convert_element_type3A_42 : vector<1024x64xi32> to vector<1024x64xf32>
    %dot_general3A_44 = arith.constant dense<0.000000e+00> : vector<64x128xf32>
    %dot_general3A_45 = tpu.matmul %convert_element_type3A_43, %max3A_35, %dot_general3A_44 {dimension_numbers = #tpu.dot_dimension_numbers<[0], [0], [1], [1], [0, 1, 1, 1], [], []>, precision = #tpu.contract_precision<fp32>, transpose_lhs_hint = false} : vector<1024x64xf32>, vector<1024x128xf32>, vector<64x128xf32> -> vector<64x128xf32>
    %reduce_sum3A = arith.constant dense<0.000000e+00> : vector<64xf32>
    %reduce_sum3A_46 = vector.multi_reduction <add>, %convert_element_type3A_43, %reduce_sum3A [0] : vector<1024x64xf32> to vector<64xf32>
    %broadcast_in_dim3A_47 = vector.shape_cast %reduce_sum3A_46 : vector<64xf32> to vector<64x1xf32>
    %eq3A_48 = arith.constant 0 : i32
    %eq3A_49 = arith.cmpi eq, %arg0, %eq3A_48 : i32
    %convert_element_type3A_50 = arith.extui %eq3A_49 : i1 to i32
    %cond3A = arith.constant 0 : i32
    %cond3A_51 = arith.cmpi ne, %convert_element_type3A_50, %cond3A : i32
    scf.if %cond3A_51 {
      %broadcast_in_dim3A_65 = arith.constant 0.000000e+00 : f32
      %broadcast_in_dim3A_66 = vector.broadcast %broadcast_in_dim3A_65 : f32 to vector<64x128xf32>
      %swap3A_67 = arith.constant 0 : index
      %swap3A_68 = arith.constant 0 : index
      %swap3A_69 = vector.load %arg9[%swap3A_67, %swap3A_68] : memref<64x128xf32, #tpu.memory_space<vmem>>, vector<64x128xf32>
      tpu.vector_store %arg9[%swap3A_67, %swap3A_68], %broadcast_in_dim3A_66 {strides = array<i32>} : memref<64x128xf32, #tpu.memory_space<vmem>>, vector<64x128xf32>,
      %broadcast_in_dim3A_70 = arith.constant 0.000000e+00 : f32
      %broadcast_in_dim3A_71 = vector.broadcast %broadcast_in_dim3A_70 : f32 to vector<64x1xf32>
      %swap3A_72 = arith.constant 0 : index
      %swap3A_73 = arith.constant 0 : index
      %swap3A_74 = vector.load %arg10[%swap3A_72, %swap3A_73] : memref<64x1xf32, #tpu.memory_space<vmem>>, vector<64x1xf32>
      tpu.vector_store %arg10[%swap3A_72, %swap3A_73], %broadcast_in_dim3A_71 {strides = array<i32>} : memref<64x1xf32, #tpu.memory_space<vmem>>, vector<64x1xf32>,
    } else {
    }
    %get3A_52 = arith.constant 0 : index
    %get3A_53 = arith.constant 0 : index
    %get3A_54 = vector.load %arg9[%get3A_52, %get3A_53] : memref<64x128xf32, #tpu.memory_space<vmem>>, vector<64x128xf32>
    %add3A_55 = arith.addf %get3A_54, %dot_general3A_45 : vector<64x128xf32>
    %swap3A = arith.constant 0 : index
    %swap3A_56 = arith.constant 0 : index
    %swap3A_57 = vector.load %arg9[%swap3A, %swap3A_56] : memref<64x128xf32, #tpu.memory_space<vmem>>, vector<64x128xf32>
    tpu.vector_store %arg9[%swap3A, %swap3A_56], %add3A_55 {strides = array<i32>} : memref<64x128xf32, #tpu.memory_space<vmem>>, vector<64x128xf32>,
    %get3A_58 = arith.constant 0 : index
    %get3A_59 = arith.constant 0 : index
    %get3A_60 = vector.load %arg10[%get3A_58, %get3A_59] : memref<64x1xf32, #tpu.memory_space<vmem>>, vector<64x1xf32>
    %add3A_61 = arith.addf %get3A_60, %broadcast_in_dim3A_47 : vector<64x1xf32>
    %swap3A_62 = arith.constant 0 : index
    %swap3A_63 = arith.constant 0 : index
    %swap3A_64 = vector.load %arg10[%swap3A_62, %swap3A_63] : memref<64x1xf32, #tpu.memory_space<vmem>>, vector<64x1xf32>
    tpu.vector_store %arg10[%swap3A_62, %swap3A_63], %add3A_61 {strides = array<i32>} : memref<64x1xf32, #tpu.memory_space<vmem>>, vector<64x1xf32>,
    return
  }
  func.func @transform_0(%arg0: i32) -> (i32, i32) {
    %c0_i32 = arith.constant 0 : i32
    %c0_i32_0 = arith.constant 0 : i32
    return %arg0, %c0_i32 : i32, i32
  }
  func.func @transform_1(%arg0: i32) -> (i32, i32) {
    %c0_i32 = arith.constant 0 : i32
    %c0_i32_0 = arith.constant 0 : i32
    return %arg0, %c0_i32 : i32, i32
  }
  func.func @transform_2(%arg0: i32) -> (i32, i32) {
    %c0_i32 = arith.constant 0 : i32
    %c0_i32_0 = arith.constant 0 : i32
    return %arg0, %c0_i32 : i32, i32
  }
  func.func @transform_3(%arg0: i32) -> (i32, i32, i32) {
    %c0_i32 = arith.constant 0 : i32
    %c0_i32_0 = arith.constant 0 : i32
    %c0_i32_1 = arith.constant 0 : i32
    return %arg0, %c0_i32, %c0_i32_0 : i32, i32, i32
  }
  func.func @transform_4(%arg0: i32) -> (i32, i32) {
    %c0_i32 = arith.constant 0 : i32
    %c0_i32_0 = arith.constant 0 : i32
    %c0_i32_1 = arith.constant 0 : i32
    return %c0_i32, %c0_i32_0 : i32, i32
  }
  func.func @transform_5(%arg0: i32) -> (i32, i32) {
    %c0_i32 = arith.constant 0 : i32
    %c0_i32_0 = arith.constant 0 : i32
    %c0_i32_1 = arith.constant 0 : i32
    return %c0_i32, %c0_i32_0 : i32, i32
  }
  func.func @transform_6(%arg0: i32) -> (i32, i32) {
    %c0_i32 = arith.constant 0 : i32
    %c0_i32_0 = arith.constant 0 : i32
    %c0_i32_1 = arith.constant 0 : i32
    return %c0_i32, %c0_i32_0 : i32, i32
  }
  func.func @transform_7(%arg0: i32) -> (i32, i32) {
    %c0_i32 = arith.constant 0 : i32
    %c0_i32_0 = arith.constant 0 : i32
    %c0_i32_1 = arith.constant 0 : i32
    return %c0_i32, %c0_i32_0 : i32, i32
  }
  func.func @transform_8(%arg0: i32) -> (i32, i32) {
    %c0_i32 = arith.constant 0 : i32
    %c0_i32_0 = arith.constant 0 : i32
    %c0_i32_1 = arith.constant 0 : i32
    return %c0_i32, %c0_i32_0 : i32, i32
  }
  func.func @transform_9(%arg0: i32) -> (i32, i32) {
    %c0_i32 = arith.constant 0 : i32
    %c0_i32_0 = arith.constant 0 : i32
    %c0_i32_1 = arith.constant 0 : i32
    return %c0_i32, %c0_i32_0 : i32, i32
  }
}

module attributes {stable_mosaic.version = 14 : i64} {
  func.func @body(%arg0: memref<64x128xf32, #tpu.memory_space<vmem>>, %arg1: memref<64x1xf32, #tpu.memory_space<vmem>>, %arg2: memref<128x128xf32, #tpu.memory_space<vmem>>, %arg3: memref<1x128xf32, #tpu.memory_space<vmem>>, %arg4: memref<128x1xf32, #tpu.memory_space<vmem>>, %arg5: memref<1x1xf32, #tpu.memory_space<vmem>>, %arg6: memref<64x1xf32, #tpu.memory_space<vmem>>) attributes {dimension_semantics = [], scalar_prefetch = 0 : i64, scratch_operands = 0 : i64, tpu.core_type = #tpu.core_type<tc>} {
    %get3A = arith.constant 0 : index
    %get3A_0 = arith.constant 0 : index
    %get3A_1 = vector.load %arg0[%get3A, %get3A_0] : memref<64x128xf32, #tpu.memory_space<vmem>>, vector<64x128xf32>
    %get3A_2 = arith.constant 0 : index
    %get3A_3 = arith.constant 0 : index
    %get3A_4 = vector.load %arg1[%get3A_2, %get3A_3] : memref<64x1xf32, #tpu.memory_space<vmem>>, vector<64x1xf32>
    %max3A = arith.constant 1.000000e+00 : f32
    %max3A_5 = vector.broadcast %max3A : f32 to vector<64x1xf32>
    %max3A_6 = arith.maximumf %get3A_4, %max3A_5 : vector<64x1xf32>
    %div3A = vector.broadcast %max3A_6 : vector<64x1xf32> to vector<64x128xf32>
    %div3A_7 = arith.divf %get3A_1, %div3A : vector<64x128xf32>
    %convert_element_type3A = arith.truncf %div3A_7 : vector<64x128xf32> to vector<64x128xbf16>
    %get3A_8 = arith.constant 0 : index
    %get3A_9 = arith.constant 0 : index
    %get3A_10 = vector.load %arg2[%get3A_8, %get3A_9] : memref<128x128xf32, #tpu.memory_space<vmem>>, vector<128x128xf32>
    %convert_element_type3A_11 = arith.truncf %get3A_10 : vector<128x128xf32> to vector<128x128xbf16>
    %dot_general3A = arith.constant dense<0.000000e+00> : vector<64x128xf32>
    %dot_general3A_12 = tpu.matmul %convert_element_type3A, %convert_element_type3A_11, %dot_general3A {dimension_numbers = #tpu.dot_dimension_numbers<[1], [0], [0], [1], [0, 0, 1, 1], [], []>, transpose_lhs_hint = false} : vector<64x128xbf16>, vector<128x128xbf16>, vector<64x128xf32> -> vector<64x128xf32>
    %get3A_13 = arith.constant 0 : index
    %get3A_14 = arith.constant 0 : index
    %get3A_15 = vector.load %arg3[%get3A_13, %get3A_14] : memref<1x128xf32, #tpu.memory_space<vmem>>, vector<1x128xf32>
    %add3A = vector.broadcast %get3A_15 : vector<1x128xf32> to vector<64x128xf32>
    %add3A_16 = arith.addf %dot_general3A_12, %add3A : vector<64x128xf32>
    %max3A_17 = arith.constant 0.000000e+00 : f32
    %max3A_18 = vector.broadcast %max3A_17 : f32 to vector<64x128xf32>
    %max3A_19 = arith.maximumf %add3A_16, %max3A_18 : vector<64x128xf32>
    %convert_element_type3A_20 = arith.truncf %max3A_19 : vector<64x128xf32> to vector<64x128xbf16>
    %get3A_21 = arith.constant 0 : index
    %get3A_22 = arith.constant 0 : index
    %get3A_23 = vector.load %arg4[%get3A_21, %get3A_22] : memref<128x1xf32, #tpu.memory_space<vmem>>, vector<128x1xf32>
    %convert_element_type3A_24 = arith.truncf %get3A_23 : vector<128x1xf32> to vector<128x1xbf16>
    %dot_general3A_25 = arith.constant dense<0.000000e+00> : vector<64x1xf32>
    %dot_general3A_26 = tpu.matmul %convert_element_type3A_20, %convert_element_type3A_24, %dot_general3A_25 {dimension_numbers = #tpu.dot_dimension_numbers<[1], [0], [0], [1], [0, 0, 1, 1], [], []>, transpose_lhs_hint = false} : vector<64x128xbf16>, vector<128x1xbf16>, vector<64x1xf32> -> vector<64x1xf32>
    %get3A_27 = arith.constant 0 : index
    %get3A_28 = arith.constant 0 : index
    %get3A_29 = vector.load %arg5[%get3A_27, %get3A_28] : memref<1x1xf32, #tpu.memory_space<vmem>>, vector<1x1xf32>
    %add3A_30 = vector.broadcast %get3A_29 : vector<1x1xf32> to vector<64x1xf32>
    %add3A_31 = arith.addf %dot_general3A_26, %add3A_30 : vector<64x1xf32>
    %swap3A = arith.constant 0 : index
    %swap3A_32 = arith.constant 0 : index
    %swap3A_33 = vector.load %arg6[%swap3A, %swap3A_32] : memref<64x1xf32, #tpu.memory_space<vmem>>, vector<64x1xf32>
    tpu.vector_store %arg6[%swap3A, %swap3A_32], %add3A_31 {strides = array<i32>} : memref<64x1xf32, #tpu.memory_space<vmem>>, vector<64x1xf32>,
    return
  }
}

</mosaic_0001>

<sc_bundles>
// kernel: kernel.10.cloned.1.call-start
scs
__scs_entry_jumppad:
0x0: {  	(pc) =	sbr.rel $0x88, $3  }
0x1: {  	(tag) =	ssettag $0x0;
	lr =	simm.s32 $0x1  }
0x2: {  	[smem:$0x3F8D] =	sst lr;
	_ =	strace $0xD0000000  }
0x3: {  	_ = 	snop  }
0x4: {  	_ = 	snop  }
0x5: {  	_ = 	snop  }
0x6: {  	_ = 	snop  }
0x7: {  	_ = 	snop  }
__scs_overlays_trampoline_lowered:
0x8: {  	[smem:$0x3F9C] =	sst s0  }
0x9: {  	[smem:$0x3F9D] =	sst s1  }
0xa: {  	[smem:$0x3F9E] =	sst s2  }
0xb: {  	[smem:$0x3F9F] =	sst s3  }
0xc: {  	[smem:$0x3FA0] =	sst s4  }
0xd: {  	[smem:$0x3FA1] =	sst s5  }
0xe: {  	[smem:$0x3FA2] =	sst s6  }
0xf: {  	[smem:$0x3FA3] =	sst s7  }
0x10: {  	[smem:$0x3FA4] =	sst s8  }
0x11: {  	[smem:$0x3FA5] =	sst s9;
	s0 =	simm.s32 @!p0 $0x0  }
0x12: {  	s1 =	sld [smem:$0x3F8B];
	s0 =	simm.s32 @p0 $0x1  }
0x13: {  	[smem:$0x3FA6] =	sst s0;
	s0 =	simm.s32 @!p1 $0x0  }
0x14: {  	s2 =	sld [smem:$0x3F8A];
	s0 =	simm.s32 @p1 $0x1  }
0x15: {  	[smem:$0x3FA7] =	sst s0;
	s0 =	simm.s32 @!p2 $0x0  }
0x16: {  	s3 =	sld [smem:$0x3FDB];
	s0 =	simm.s32 @p2 $0x1  }
0x17: {  	s4 =	simm.s32 $0x1BF5;
	[smem:$0x3FA9] =	sst s0  }
0x18: {  	s0 =	sld [smem:$0x3F8C];
	_ =	swait.ge [sflag:s4], $0x0  }
0x19: {  	s7 =	sld [smem:$0x3F8D]  }
0x1a: {  	s8 =	sadd.s32 $0xFFFFE003, lr  }
0x1b: {  	s9 =	sadd.s32 $0xFFFFFEF7, lr;
	s5 =	simm.s32 $0xFFFFFFFF;
	p2 =	slt.u32 s8, $0xFFFFF086  }
0x1c: {  	p1 =	slt.u32 s9, $0xF7A;
	s5 =	simm.s32 @!p2 $0x0  }
0x1d: {  	s5 =	simm.s32 @p1 $0x1;
	p0 =	seq.s32 s7, s2  }
0x1e: {  	s7 =	smul.u32 @!p0 $0xF7A, s2;
	p2 =	seq.s32 @!p0 s5, $0x0  }
0x1f: {  	s9 =	smul.u32 $0xF7A, s1;
	s8 =	simm.s32 @!p0 $0x1BF5;
	p2 =	por !p2, p0  }
0x20: {  	[sflag:s8] =	ssyncset.s32 @!p0 $0xFFFFF086;
	s6 =	sadd.s32 @!p0 s3, s7;
	s7 =	simm.s32 @!p0 $0x108  }
0x21: {  	s3 =	sadd.s32 s3, s9;
	s6 =	sadd.s32 @!p0 $0x88, s6;
	s7 =	simm.s32 @p2 $0x1082  }
0x22: {  	[simem:s7], [sflag:s8] =	dma.local @!p0 [hbm:s6], $0xF7A  }
0x23: {  	s9 =	sor.u32 $0xD0000000, s2;
	s6 =	simm.s32 $0x108;
	_ =	swait.ge @!p0 [sflag:s8], $0x0  }
0x24: {  	s3 =	sadd.s32 $0x88, s3;
	s6 =	simm.s32 @!p1 $0x1082;
	[sflag:s4] =	ssyncset.s32 $0xFFFFF086  }
0x25: {  	[simem:s6], [sflag:s4] =	dma.local [hbm:s3], $0xF7A  }
0x26: {  	[smem:$0x3F8D] =	sst s1;
	(tag) =	ssettag s2;
	_ =	strace s9  }
0x27: {  	s1 =	sld [smem:$0x3F9D]  }
0x28: {  	s2 =	sld [smem:$0x3F9E]  }
0x29: {  	s4 =	sld [smem:$0x3FA0]  }
0x2a: {  	p0 =	seq.s32 s5, $0x0;
	s5 =	sld [smem:$0x3FA1]  }
0x2b: {  	s6 =	sld [smem:$0x3FA2]  }
0x2c: {  	s7 =	sld [smem:$0x3FA3]  }
0x2d: {  	s3 =	simm.s32 $0x108;
	s8 =	sld [smem:$0x3FA4]  }
0x2e: {  	s3 =	simm.s32 @!p0 $0x1082;
	s9 =	sld [smem:$0x3FA5]  }
0x2f: {  	lr =	sadd.s32 s0, s3;
	s0 =	sld [smem:$0x3F9C]  }
0x30: {  	s3 =	sld [smem:$0x3F9F]  }
0x31: {  	[smem:$0x3FA8] =	sst s10  }
0x32: {  	s10 =	sld [smem:$0x3FA6];
	_ =	sdelay $0x3  }
0x33: {  	p0 =	seq.s32 s10, $0x1;
	s10 =	sld [smem:$0x3FA8];
	_ =	sdelay $0x3  }
0x34: {  	[smem:$0x3FA8] =	sst s10  }
0x35: {  	s10 =	sld [smem:$0x3FA7];
	_ =	sdelay $0x3  }
0x36: {  	p1 =	seq.s32 s10, $0x1;
	s10 =	sld [smem:$0x3FA8];
	_ =	sdelay $0x3  }
0x37: {  	[smem:$0x3FA8] =	sst s10  }
0x38: {  	s10 =	sld [smem:$0x3FA9]  }
0x39: {  	_ = 	snop;
	(pc) =	sbr.ind lr, $3  }
0x3a: {  	_ = 	snop  }
0x3b: {  	_ = 	snop  }
0x3c: {  	p2 =	seq.s32 s10, $0x1;
	s10 =	sld [smem:$0x3FA8]  }
0x3d: {  	_ =	shalt  }
0x3e: {  	_ =	shalt  }
0x3f: {  	_ =	shalt  }
0x40: {  	_ =	shalt  }
0x41: {  	_ =	shalt  }
0x42: {  	_ =	shalt  }
0x43: {  	_ =	shalt  }
0x44: {  	_ =	shalt  }
0x45: {  	_ =	shalt  }
0x46: {  	_ =	shalt  }
0x47: {  	_ =	shalt  }
0x48: {  	_ =	shalt  }
0x49: {  	_ =	shalt  }
0x4a: {  	_ =	shalt  }
0x4b: {  	_ =	shalt  }
0x4c: {  	_ =	shalt  }
0x4d: {  	_ =	shalt  }
0x4e: {  	_ =	shalt  }
0x4f: {  	_ =	shalt  }
0x50: {  	_ =	shalt  }
0x51: {  	_ =	shalt  }
0x52: {  	_ =	shalt  }
0x53: {  	_ =	shalt  }
0x54: {  	_ =	shalt  }
0x55: {  	_ =	shalt  }
0x56: {  	_ =	shalt  }
0x57: {  	_ =	shalt  }
0x58: {  	_ =	shalt  }
0x59: {  	_ =	shalt  }
0x5a: {  	_ =	shalt  }
0x5b: {  	_ =	shalt  }
0x5c: {  	_ =	shalt  }
0x5d: {  	_ =	shalt  }
0x5e: {  	_ =	shalt  }
0x5f: {  	_ =	shalt  }
0x60: {  	_ =	shalt  }
0x61: {  	_ =	shalt  }
0x62: {  	_ =	shalt  }
0x63: {  	_ =	shalt  }
0x64: {  	_ =	shalt  }
0x65: {  	_ =	shalt  }
0x66: {  	_ =	shalt  }
0x67: {  	_ =	shalt  }
0x68: {  	_ =	shalt  }
0x69: {  	_ =	shalt  }
0x6a: {  	_ =	shalt  }
0x6b: {  	_ =	shalt  }
0x6c: {  	_ =	shalt  }
0x6d: {  	_ =	shalt  }
0x6e: {  	_ =	shalt  }
0x6f: {  	_ =	shalt  }
0x70: {  	_ =	shalt  }
0x71: {  	_ =	shalt  }
0x72: {  	_ =	shalt  }
0x73: {  	_ =	shalt  }
0x74: {  	_ =	shalt  }
0x75: {  	_ =	shalt  }
0x76: {  	_ =	shalt  }
0x77: {  	_ =	shalt  }
0x78: {  	_ =	shalt  }
0x79: {  	_ =	shalt  }
0x7a: {  	_ =	shalt  }
0x7b: {  	_ =	shalt  }
0x7c: {  	_ =	shalt  }
0x7d: {  	_ =	shalt  }
0x7e: {  	_ =	shalt  }
0x7f: {  	_ =	shalt  }
0x80: {  	_ =	shalt  }
0x81: {  	_ =	shalt  }
0x82: {  	_ =	shalt  }
0x83: {  	_ =	shalt  }
0x84: {  	_ =	shalt  }
0x85: {  	_ =	shalt  }
0x86: {  	_ =	shalt  }
0x87: {  	_ =	shalt  }
.Lfunc_end0:
.L_simem_size_0:
called_computation.1_lowered:
.L_overlay_start_0:
0x88: {  	s2 =	sld [smem:$0x3FD9]  }
0x89: {  	s3 =	sld [smem:$0x3FFE];
	_ =	sdelay $0x1  }
0x8a: {  	s1 =	srdreg.scid  }
0x8b: {  	s0 =	sand.u32 $0x1, s1  }
0x8c: {  	s17 =	sshll.u32 s0, $0xA;
	s2 =	sadd.s32 s3, s2  }
0x8d: {  	s2 =	sadd.s32 s2, s17  }
0x8e: {  	[smem:$0x3FB4] =	sst s2  }
0x8f: {  	_ = 	snop  }
0x90: {  	s2 =	sld [smem:$0x3FBE];
	(tm) =	ssettm $0x1  }
0x91: {  	s18 =	sld [smem:$0x3FFB];
	_ =	sdelay $0x3  }
0x92: {  	_ =	strace s18  }
0x93: {  	s3 =	sld [smem:$0x3FFC];
	_ =	sdelay $0x3  }
0x94: {  	_ =	strace s3  }
0x95: {  	s3 =	sld [smem:$0x3FFD];
	_ =	sdelay $0x3  }
0x96: {  	_ =	strace s3  }
0x97: {  	_ =	strace $0x8FFFFFFF  }
0x98: {  	s19 =	sld [smem:$0x3FDB];
	_ =	sdelay $0x1  }
0x99: {  	s4 =	simm.s32 $_scs_section_size  }
0x9a: {  	s5 =	simm.s32 $_size__tile_overlayer_lowered;
	s6 =	simm.s32 $_tile_overlayer_lowered  }
0x9b: {  	s22 =	simm.s32 $0x1BFF;
	s21 =	sshll.u32 s6, $0x1;
	s3 =	sadd.s32 s4, s19  }
0x9c: {  	s7 =	simm.s32 $0x0;
	s20 =	sshll.u32 s5, $0x1;
	s5 =	sadd.s32 s21, s3  }
0x9d: {  	[timem:s7], [sflag:s22] =	dma.local [hbm:s5], s20  }
0x9e: {  	_ =	swait.ge [sflag:s22], s20  }
0x9f: {  	s4 =	ssub.s32 $0x0, s20;
	[sflag:s22] =	ssyncset.done $0x0  }
0xa0: {  	[sflag:s22] =	ssyncadd.s32 s4;
	_ =	sdelay $0x1  }
0xa1: {  	s23 =	simm.s32 $0x1B8B  }
0xa2: {  	_ =	swait.ge [sflag:s23], $0x1  }
0xa3: {  	[sflag:s23] =	ssyncset.done $0x0  }
0xa4: {  	s25 =	simm.s32 $0x1B8E;
	s24 =	sld [smem:$0x3FFE];
	[sflag:s23] =	ssyncadd.s32 $0xFFFFFFFF  }
0xa5: {  	s26 =	simm.s32 $execute0_lowered;
	[smem:$0x3FD2] =	sst s25  }
0xa6: {  	s5 =	sshll.u32 s26, $0x1;
	_ =	strace $0x80000049;
	[dreg:$0x1] =	wrdreg $0xFFFFFFFF  }
0xa7: {  	s28 =	simm.s32 $_size_execute0_lowered;
	s3 =	sadd.s32 s3, s5;
	[dreg:$0x0] =	wrdreg $0x0  }
0xa8: {  	s5 =	sshll.u32 s28, $0x1;
	[dreg:$0x2] =	wrdreg s3  }
0xa9: {  	[dreg:$0x3] =	wrdreg s5  }
0xaa: {  	[dreg:$0x4] =	wrdreg $0xC0  }
0xab: {  	_ =	task [dreg:s7], $0x5FFFF  }
0xac: {  	[dreg:$0x1] =	wrdreg $0xFFFFFFFF  }
0xad: {  	[dreg:$0x0] =	wrdreg $0x60  }
0xae: {  	[dreg:$0x2] =	wrdreg s24  }
0xaf: {  	[dreg:$0x3] =	wrdreg s2  }
0xb0: {  	[dreg:$0x4] =	wrdreg $0x0  }
0xb1: {  	[dreg:$0x5] =	wrdreg $0x9  }
0xb2: {  	_ =	task.clear_ibuf [dreg:s7], $0x6FFFF;
	_ =	strace $0x90000049  }
0xb3: {  	s29 =	simm.s32 $0x9;
	_ =	strace $0x8000004B  }
0xb4: {  	_ =	swait.ge [sflag:s29], $0x1  }
0xb5: {  	[sflag:s29] =	ssyncadd.s32 $0xFFFFFFFF  }
0xb6: {  	_ =	strace $0x9000004B  }
0xb7: {  	_ =	sfence  }
0xb8: {  	s30 =	sld [smem:$0x0];
	_ =	sdelay $0x2  }
0xb9: {  	s31 =	sshll.u32 s1, $0xD;
	s1 =	sshrl.u32 s1, $0x2  }
0xba: {  	s3 =	sand.u32 $0x4000, s31;
	s1 =	sadd.s32 s1, s30  }
0xbb: {  	s0 =	sor.u32 s3, s0;
	s1 =	sshll.u32 s1, $0x11  }
0xbc: {  	s0 =	sor.u32 s1, s0  }
0xbd: {  	s0 =	sadd.s32 $0x8F2B, s0  }
0xbe: {  	[sflag:s0] =	ssyncadd.remote.s32 $0x1  }
0xbf: {  	_ =	sfence.sel $0xFFFF  }
0xc0: {  	[dreg:$0x0] =	wrdreg $0xFFFFFFFF;
	(pc) =	sbr.abs _section_cstart, $3  }
0xc1: {  	[dreg:$0x1] =	wrdreg $0xFFFFFFFF  }
0xc2: {  	_ =	task.clear_ibuf [dreg:s7], $0x2FFFF;
	_ =	strace $0x9FFFFFFF  }
0xc3: {  	(tm) =	ssettm $0x7FFFFFFF  }
tec
execute0_lowered:
.L_overlay_start_1:
0x0: {  	(tag) =	ssettag $0x1  }
0x1: {  	s0 =	rddreg [dreg:$0x0]  }
0x2: {  	s2 =	rddreg [dreg:$0x2];
	s3 =	simm.s32 $0x0;
	s1 =	srdreg.scid  }
0x3: {  	s4 =	stileid.u32;
	s18 =	simm.s32 $0x14380;
	s19 =	simm.s32 $0x2  }
0x4: {  	s20 =	simm.s32 $0x18380;
	s21 =	simm.s32 $0x18580;
	s22 =	simm.s32 $0x14000  }
0x5: {  	s23 =	simm.s32 $0x14080;
	s24 =	simm.s32 $0x14100;
	s25 =	simm.s32 $0x80  }
0x6: {  	s26 =	simm.s32 $0x1;
	s28 =	simm.s32 $0x0;
	[smem:$0x7FF] =	sst s3  }
0x7: {  	s5 =	sadd.s32 $0x18800, s0;
	s6 =	sadd.s32 $0x4C00, s0;
	s7 =	sadd.s32 $0xEA00, s0  }
0x8: {  	s1 =	sand.u32 $0x1, s1;
	s10 =	smul.u32 $0x50000, s4;
	s8 =	sadd.s32 $0x4F4A00, s0  }
0x9: {  	s9 =	sadd.s32 $0x90800, s0;
	s17 =	smul.u32 $0x2800, s4;
	_ =	strace $0x8000004A  }
0xa: {  	s11 =	ssub.s32 $0x2, s1;
	s13 =	sshll.u32 s1, $0x4;
	p0 =	seq.s32 s1, $0x1  }
0xb: {  	s1 =	simm.s32 $0x68800;
	s12 =	sshrl.u32 s11, $0x1;
	s10 =	sshrl.u32 s10, $0x2  }
0xc: {  	s15 =	sor.u32 s4, s13;
	s1 =	simm.s32 @!p0 $0x40800;
	s16 =	ssub.s32 s11, s12  }
0xd: {  	s10 =	sadd.s32 s10, s2;
	s0 =	sadd.s32 s1, s0;
	s15 =	smul.u32 $0x2780, s15  }
0xe: {  	s11 =	sadd.s32 $0x4000, s10;
	s12 =	sadd.s32 $0x8000, s10;
	s13 =	sadd.s32 $0xC000, s10  }
0xf: {  	v0 =	vimm.f32 $0.0e+00;
	s14 =	sadd.s32 $0x10000, s10;
	s16 =	smax.u32 s16, $0x1;
	s17 =	sadd.s32 s0, s17  }
.LBB2_1:
0x10: {  	s0 =	simm.s32 $0x0;
	s1 =	simm.s32 $0x200  }
.LBB2_2:
0x11: {  	p0 =	sne.s32 s1, $0xFE00;
	[tilespmem:s0+$0x143F0] =	vst v0  }
0x12: {  	[tilespmem:s0+$0x14380] =	vst v0  }
0x13: {  	[tilespmem:s0+$0x14390] =	vst v0  }
.Ltmp0:
0x14: {  	[tilespmem:s0+$0x143A0] =	vst v0;
	(pc) =	sbr.rel @p0 .LBB2_2-.Ltmp0, $4  }
0x15: {  	[tilespmem:s0+$0x143B0] =	vst v0  }
0x16: {  	[tilespmem:s0+$0x143C0] =	vst v0  }
0x17: {  	[tilespmem:s0+$0x143D0] =	vst v0  }
0x18: {  	[tilespmem:s0+$0x143E0] =	vst v0;
	s0 =	sshra.s32 s1, $0x2;
	s1 =	sadd.s32 $0x200, s1  }
0x19: {  	[tilespmem:s0+$0x143F0] =	vst v0  }
0x1a: {  	[tilespmem:s0+$0x14380] =	vst v0  }
0x1b: {  	[tilespmem:s0+$0x14390] =	vst v0  }
0x1c: {  	[tilespmem:s0+$0x143A0] =	vst v0  }
0x1d: {  	[tilespmem:s0+$0x143B0] =	vst v0  }
0x1e: {  	[tilespmem:s0+$0x143C0] =	vst v0  }
0x1f: {  	[tilespmem:s0+$0x143D0] =	vst v0  }
0x20: {  	[tilespmem:s0+$0x143E0] =	vst v0  }
0x21: {  	[spmem:s10] =	stream.linear.scatter [tilespmem:s18], [sflag:$0x2], $0x4000, $0x38;
	[tilespmem:$0x18600] =	vst v63  }
0x22: {  	_ =	swait.ge [sflag:s19], $0x4000  }
0x23: {  	[sflag:s19] =	ssyncset.done $0x0  }
0x24: {  	[sflag:s19] =	ssyncadd.s32 $0xFFFFC000  }
0x25: {  	[spmem:s11] =	stream.linear.scatter [tilespmem:s18], [sflag:$0x2], $0x4000, $0x38;
	[tilespmem:$0x18600] =	vst v63  }
0x26: {  	_ =	swait.ge [sflag:s19], $0x4000  }
0x27: {  	[sflag:s19] =	ssyncset.done $0x0  }
0x28: {  	[sflag:s19] =	ssyncadd.s32 $0xFFFFC000  }
0x29: {  	[spmem:s12] =	stream.linear.scatter [tilespmem:s18], [sflag:$0x2], $0x4000, $0x38;
	[tilespmem:$0x18600] =	vst v63  }
0x2a: {  	_ =	swait.ge [sflag:s19], $0x4000  }
0x2b: {  	[sflag:s19] =	ssyncset.done $0x0  }
0x2c: {  	[sflag:s19] =	ssyncadd.s32 $0xFFFFC000  }
0x2d: {  	[spmem:s13] =	stream.linear.scatter [tilespmem:s18], [sflag:$0x2], $0x4000, $0x38;
	[tilespmem:$0x18600] =	vst v63  }
0x2e: {  	_ =	swait.ge [sflag:s19], $0x4000  }
0x2f: {  	[sflag:s19] =	ssyncset.done $0x0  }
0x30: {  	[sflag:s19] =	ssyncadd.s32 $0xFFFFC000  }
0x31: {  	[spmem:s14] =	stream.linear.scatter [tilespmem:s18], [sflag:$0x2], $0x4000, $0x38;
	[tilespmem:$0x18600] =	vst v63  }
0x32: {  	_ =	swait.ge [sflag:s19], $0x4000  }
0x33: {  	[sflag:s19] =	ssyncset.done $0x0  }
0x34: {  	[sflag:s19] =	ssyncadd.s32 $0xFFFFC000  }
0x35: {  	[tilespmem:s20], [sflag:$0x2] =	stream.linear.gather [hbm4b:s9+s28], $0x200, $0x38;
	[tilespmem:$0x18600] =	vst v63  }
0x36: {  	_ =	swait.ge [sflag:s19], $0x200  }
0x37: {  	[sflag:s19] =	ssyncset.done $0x0  }
0x38: {  	[sflag:s19] =	ssyncadd.s32 $0xFFFFFE00  }
0x39: {  	s31 =	rddreg [dreg:$0x1]  }
0x3a: {  	[tilespmem:s21], [sflag:$0x2] =	stream.linear.gather [hbm4b:s31+s28], $0x80, $0x38;
	[tilespmem:$0x18600] =	vst v63  }
0x3b: {  	_ =	swait.ge [sflag:s19], $0x80  }
0x3c: {  	[sflag:s19] =	ssyncset.done $0x0  }
0x3d: {  	[sflag:s19] =	ssyncadd.s32 $0xFFFFFF80  }
0x3e: {  	s29 =	simm.s32 $0x0;
	[bflag:$0x0] =	sbarrier.arrive $0xFFFF  }
.LBB2_4:
0x3f: {  	v12 =	vld [tilespmem:$0x18380]  }
0x40: {  	v14 =	vld [tilespmem:$0x18390]  }
0x41: {  	v15 =	vld [tilespmem:$0x183A0]  }
0x42: {  	v17 =	vld [tilespmem:$0x183B0]  }
0x43: {  	v7 =	vld [tilespmem:$0x183C0]  }
0x44: {  	v19 =	vld [tilespmem:$0x183D0]  }
0x45: {  	v22 =	vld [tilespmem:$0x183E0]  }
0x46: {  	v24 =	vld [tilespmem:$0x183F0]  }
0x47: {  	v25 =	vld [tilespmem:$0x18400]  }
0x48: {  	v11 =	vld [tilespmem:$0x18410]  }
0x49: {  	v29 =	vld [tilespmem:$0x18420]  }
0x4a: {  	v30 =	vld [tilespmem:$0x18430]  }
0x4b: {  	v32 =	vld [tilespmem:$0x18440]  }
0x4c: {  	v28 =	vld [tilespmem:$0x18450]  }
0x4d: {  	v16 =	vld [tilespmem:$0x18460]  }
0x4e: {  	v34 =	vld [tilespmem:$0x18470]  }
0x4f: {  	v31 =	vld [tilespmem:$0x18480]  }
0x50: {  	v35 =	vld [tilespmem:$0x18490]  }
0x51: {  	v37 =	vld [tilespmem:$0x184A0]  }
0x52: {  	v38 =	vld [tilespmem:$0x184B0]  }
0x53: {  	v36 =	vld [tilespmem:$0x184C0]  }
0x54: {  	v33 =	vld [tilespmem:$0x184D0]  }
0x55: {  	v23 =	vld [tilespmem:$0x184E0]  }
0x56: {  	v40 =	vld [tilespmem:$0x184F0]  }
0x57: {  	v6 =	vld [tilespmem:$0x18500]  }
0x58: {  	v3 =	vld [tilespmem:$0x18510]  }
0x59: {  	v13 =	vld [tilespmem:$0x18520]  }
0x5a: {  	v39 =	vld [tilespmem:$0x18530]  }
0x5b: {  	v5 =	vld [tilespmem:$0x18540]  }
0x5c: {  	v26 =	vld [tilespmem:$0x18550]  }
0x5d: {  	v20 =	vld [tilespmem:$0x18560]  }
0x5e: {  	v9 =	vld [tilespmem:$0x18570]  }
0x5f: {  	v4 =	vld [tilespmem:$0x18580]  }
0x60: {  	v1 =	vld [tilespmem:$0x18590]  }
0x61: {  	v10 =	vld [tilespmem:$0x185A0]  }
0x62: {  	v27 =	vld [tilespmem:$0x185B0];
	s0 =	sshll.u32 s29, $0x7  }
0x63: {  	v2 =	vld [tilespmem:$0x185C0];
	s0 =	sadd.s32 s15, s0  }
0x64: {  	v18 =	vld [tilespmem:$0x185D0];
	s1 =	sshrl.u32 s0, $0x3  }
0x65: {  	v21 =	vld [tilespmem:$0x185E0];
	s30 =	sadd.s32 s6, s1  }
0x66: {  	v8 =	vld [tilespmem:$0x185F0];
	[tilespmem:s22], [sflag:$0x2] =	stream.linear.gather [hbm4b:s30+s28], $0x80, $0x38  }
0x67: {  	_ =	swait.ge [sflag:s19], $0x80  }
0x68: {  	[sflag:s19] =	ssyncset.done $0x0  }
0x69: {  	s1 =	sadd.s32 s7, s1;
	[sflag:s19] =	ssyncadd.s32 $0xFFFFFF80  }
0x6a: {  	[tilespmem:s23], [sflag:$0x2] =	stream.linear.gather [hbm4b:s1+s28], $0x80, $0x38;
	[tilespmem:$0x18600] =	vst v63  }
0x6b: {  	_ =	swait.ge [sflag:s19], $0x80  }
0x6c: {  	s0 =	sshrl.u32 s0, $0x1;
	[sflag:s19] =	ssyncset.done $0x0  }
0x6d: {  	s0 =	sadd.s32 s8, s0;
	[sflag:s19] =	ssyncadd.s32 $0xFFFFFF80  }
0x6e: {  	[tilespmem:s24], [sflag:$0x2] =	stream.linear.gather [hbm4b:s0+s28], $0x200, $0x38;
	[tilespmem:$0x18600] =	vst v63  }
0x6f: {  	_ =	swait.ge [sflag:s19], $0x200  }
0x70: {  	[sflag:s19] =	ssyncset.done $0x0  }
0x71: {  	[sflag:s19] =	ssyncadd.s32 $0xFFFFFE00  }
0x72: {  	[tilespmem:s18], [sflag:$0x1] =	stream.indirect.gather [hbm4b:s5+s25], $0x80, s22, s25, $0xb8;
	[tilespmem:$0x18600] =	vst v63  }
0x73: {  	_ =	swait.ge [sflag:s26], $0x4000  }
0x74: {  	[sflag:s26] =	ssyncset.done $0x0  }
0x75: {  	s1 =	simm.s32 $0x0;
	[sflag:s26] =	ssyncadd.s32 $0xFFFFC000  }
0x76: {  	v41 =	vld [tilespmem:s1+$0x14100];
	_ =	sdelay $0x4  }
0x77: {  	v46 =	vbroadcast v41, $0x0;
	v45 =	vbroadcast v41, $0x2  }
0x78: {  	v47 =	vbroadcast v41, $0x1;
	v42 =	vbroadcast v41, $0x3  }
0x79: {  	v44 =	vmul.f32 v46, v14;
	v43 =	vmul.f32 v45, v40  }
0x7a: {  	v41 =	vmul.f32 v45, v35;
	v53 =	vmul.f32 v47, v29  }
0x7b: {  	v50 =	vmul.f32 v47, v25;
	v52 =	vmul.f32 v45, v37  }
0x7c: {  	v55 =	vmul.f32 v47, v30;
	v49 =	vmul.f32 v46, v19  }
0x7d: {  	v51 =	vmul.f32 v46, v12;
	v48 =	vmul.f32 v47, v32  }
0x7e: {  	v56 =	vmul.f32 v46, v15;
	v57 =	vmul.f32 v46, v17  }
0x7f: {  	v54 =	vmul.f32 v46, v24;
	v58 =	vmul.f32 v45, v38;
	v51 =	vadd.f32 v50, v51  }
0x80: {  	s31 =	simm.s32 $0x143C0;
	s30 =	simm.s32 $0x143C0;
	s0 =	simm.s32 $0x10;
	v50 =	vmul.f32 v46, v22;
	v57 =	vadd.f32 v55, v57;
	v55 =	vmul.f32 v47, v34  }
.LBB2_5:
0x81: {  	p0 =	sne.s32 s0, $0x7F0  }
0x82: {  	v53 =	vadd.f32 v53, v56;
	v56 =	vmul.f32 v45, v36;
	v59 =	vmul.f32 v47, v28;
	s31 =	sadd.s32 $0x80, s31;
	s1 =	smov.u32 s0;
	s0 =	sadd.s32 $0x10, s0  }
0x83: {  	v60 =	vmul.f32 v45, v31;
	v57 =	vadd.f32 v57, v58;
	v58 =	vmul.f32 v42, v39  }
0x84: {  	v54 =	vadd.f32 v55, v54;
	v52 =	vadd.f32 v53, v52;
	v53 =	vmul.f32 v45, v33  }
0x85: {  	v55 =	vmul.f32 v47, v11;
	v47 =	vmul.f32 v47, v16;
	v57 =	vadd.f32 v57, v58  }
0x86: {  	v46 =	vmul.f32 v46, v7;
	v49 =	vadd.f32 v59, v49;
	v45 =	vmul.f32 v45, v23  }
0x87: {  	v51 =	vadd.f32 v51, v60;
	v58 =	vmul.f32 v42, v3;
	v47 =	vadd.f32 v47, v50  }
0x88: {  	v44 =	vadd.f32 v55, v44;
	v50 =	vmul.f32 v42, v26;
	v49 =	vadd.f32 v49, v53  }
0x89: {  	v46 =	vadd.f32 v48, v46;
	v45 =	vadd.f32 v47, v45;
	v47 =	vmul.f32 v42, v20;
	v48 =	vld [tilespmem:s30+$0x10]  }
0x8a: {  	v53 =	vmul.f32 v42, v13;
	v55 =	vadd.f32 v57, v27;
	v49 =	vadd.f32 v49, v50;
	v50 =	vld [tilespmem:s30+$0x20]  }
0x8b: {  	v46 =	vadd.f32 v46, v56;
	v45 =	vadd.f32 v45, v47;
	v57 =	vld [tilespmem:s30+$0xFFFFFFE0]  }
0x8c: {  	v47 =	vadd.f32 v52, v53;
	v49 =	vadd.f32 v49, v18  }
0x8d: {  	v43 =	vadd.f32 v54, v43;
	v52 =	vmul.f32 v42, v9;
	v45 =	vadd.f32 v45, v21  }
0x8e: {  	v53 =	vmul.f32 v42, v6;
	v47 =	vadd.f32 v47, v10;
	v48 =	vadd.f32 v48, v49;
	v49 =	vld [tilespmem:s30+$0x30]  }
0x8f: {  	v42 =	vmul.f32 v42, v5;
	v43 =	vadd.f32 v43, v52;
	v54 =	vld [tilespmem:s30+$0xFFFFFFC0];
	v45 =	vadd.f32 v50, v45  }
0x90: {  	v50 =	vadd.f32 v51, v53;
	v47 =	vadd.f32 v47, v57;
	v51 =	vld [tilespmem:s30+$0xFFFFFFF0];
	v48 =	vmax.f32 v48, $0.0e+00  }
0x91: {  	v41 =	vadd.f32 v44, v41;
	v43 =	vadd.f32 v43, v8;
	v44 =	vld [tilespmem:s30+$0x0];
	[tilespmem:s30+$0x10] =	vst v48;
	v45 =	vmax.f32 v45, $0.0e+00  }
0x92: {  	v42 =	vadd.f32 v46, v42;
	v48 =	vadd.f32 v50, v4;
	v50 =	vld [tilespmem:s30+$0xFFFFFFD0];
	v47 =	vmax.f32 v47, $0.0e+00;
	[tilespmem:s30+$0x20] =	vst v45  }
0x93: {  	v41 =	vadd.f32 v41, v58;
	[tilespmem:s30+$0xFFFFFFE0] =	vst v47;
	v43 =	vadd.f32 v49, v43  }
0x94: {  	v42 =	vadd.f32 v42, v2;
	v45 =	vadd.f32 v48, v54  }
0x95: {  	s1 =	sshra.s32 s1, $0x2;
	v41 =	vadd.f32 v41, v1;
	v46 =	vadd.f32 v51, v55;
	v43 =	vmax.f32 v43, $0.0e+00  }
0x96: {  	v45 =	vmax.f32 v45, $0.0e+00;
	v42 =	vadd.f32 v44, v42;
	[tilespmem:s30+$0x30] =	vst v43  }
0x97: {  	[tilespmem:s30+$0xFFFFFFC0] =	vst v45;
	v41 =	vadd.f32 v41, v50;
	v43 =	vmax.f32 v46, $0.0e+00  }
0x98: {  	[tilespmem:s30+$0xFFFFFFF0] =	vst v43;
	v42 =	vmax.f32 v42, $0.0e+00  }
0x99: {  	v41 =	vmax.f32 v41, $0.0e+00;
	[tilespmem:s30+$0x0] =	vst v42  }
0x9a: {  	[tilespmem:s30+$0xFFFFFFD0] =	vst v41;
	s30 =	smov.u32 s31  }
0x9b: {  	v41 =	vld [tilespmem:s1+$0x14100];
	_ =	sdelay $0x4  }
0x9c: {  	v46 =	vbroadcast v41, $0x0;
	v45 =	vbroadcast v41, $0x2  }
0x9d: {  	v47 =	vbroadcast v41, $0x1;
	v42 =	vbroadcast v41, $0x3  }
0x9e: {  	v44 =	vmul.f32 v46, v14;
	v43 =	vmul.f32 v45, v40  }
0x9f: {  	v41 =	vmul.f32 v45, v35;
	v53 =	vmul.f32 v47, v29  }
0xa0: {  	v50 =	vmul.f32 v47, v25;
	v52 =	vmul.f32 v45, v37  }
.Ltmp1:
0xa1: {  	v55 =	vmul.f32 v47, v30;
	v49 =	vmul.f32 v46, v19;
	(pc) =	sbr.rel @p0 .LBB2_5-.Ltmp1, $4  }
0xa2: {  	v51 =	vmul.f32 v46, v12;
	v48 =	vmul.f32 v47, v32  }
0xa3: {  	v56 =	vmul.f32 v46, v15;
	v57 =	vmul.f32 v46, v17  }
0xa4: {  	v54 =	vmul.f32 v46, v24;
	v51 =	vadd.f32 v50, v51;
	v50 =	vmul.f32 v46, v22  }
0xa5: {  	v58 =	vmul.f32 v45, v38;
	v57 =	vadd.f32 v55, v57;
	v55 =	vmul.f32 v47, v34  }
0xa6: {  	v14 =	vmul.f32 v45, v36;
	v15 =	vmul.f32 v47, v28  }
0xa7: {  	v17 =	vmul.f32 v45, v31;
	v22 =	vmul.f32 v42, v39  }
0xa8: {  	v12 =	vadd.f32 v53, v56;
	v24 =	vmul.f32 v45, v33;
	v11 =	vmul.f32 v47, v11  }
0xa9: {  	v16 =	vmul.f32 v47, v16;
	v19 =	vadd.f32 v57, v58;
	v25 =	vadd.f32 v55, v54  }
0xaa: {  	v7 =	vmul.f32 v46, v7;
	v12 =	vadd.f32 v12, v52;
	v15 =	vadd.f32 v15, v49  }
0xab: {  	v46 =	vmul.f32 v45, v23;
	v17 =	vadd.f32 v51, v17;
	v16 =	vadd.f32 v16, v50  }
0xac: {  	v47 =	vmul.f32 v42, v26;
	v11 =	vadd.f32 v11, v44;
	v7 =	vadd.f32 v48, v7  }
0xad: {  	v13 =	vmul.f32 v42, v13;
	v19 =	vadd.f32 v19, v22;
	v53 =	vadd.f32 v25, v43  }
0xae: {  	v6 =	vmul.f32 v42, v6;
	v15 =	vadd.f32 v15, v24;
	v16 =	vadd.f32 v16, v46  }
0xaf: {  	v9 =	vmul.f32 v42, v9;
	v7 =	vadd.f32 v7, v14;
	v12 =	vadd.f32 v12, v13  }
0xb0: {  	v20 =	vmul.f32 v42, v20;
	v50 =	vld [tilespmem:s30+$0xFFFFFFE0];
	v6 =	vadd.f32 v17, v6;
	v11 =	vadd.f32 v11, v41  }
0xb1: {  	v56 =	vld [tilespmem:s30+$0xFFFFFFC0];
	v5 =	vmul.f32 v42, v5;
	v19 =	vadd.f32 v19, v27;
	v9 =	vadd.f32 v53, v9  }
0xb2: {  	v3 =	vmul.f32 v42, v3;
	v57 =	vld [tilespmem:s30+$0xFFFFFFF0];
	v15 =	vadd.f32 v15, v47;
	v51 =	vadd.f32 v16, v20  }
0xb3: {  	v55 =	vld [tilespmem:s30+$0x30];
	v10 =	vadd.f32 v12, v10;
	v4 =	vadd.f32 v6, v4  }
0xb4: {  	v48 =	vld [tilespmem:s30+$0x10];
	v5 =	vadd.f32 v7, v5;
	v3 =	vadd.f32 v11, v3  }
0xb5: {  	v49 =	vld [tilespmem:s30+$0x20];
	v8 =	vadd.f32 v9, v8;
	v10 =	vadd.f32 v10, v50  }
0xb6: {  	v58 =	vld [tilespmem:s30+$0x0];
	v52 =	vadd.f32 v15, v18;
	v4 =	vadd.f32 v4, v56  }
0xb7: {  	v60 =	vld [tilespmem:s30+$0xFFFFFFD0];
	v1 =	vadd.f32 v3, v1;
	v3 =	vadd.f32 v57, v19;
	v62 =	vmax.f32 v10, $0.0e+00  }
0xb8: {  	v14 =	vadd.f32 v51, v21;
	v8 =	vadd.f32 v55, v8;
	v4 =	vmax.f32 v4, $0.0e+00;
	[tilespmem:s30+$0xFFFFFFE0] =	vst v62  }
0xb9: {  	v2 =	vadd.f32 v5, v2;
	v54 =	vadd.f32 v48, v52;
	v3 =	vmax.f32 v3, $0.0e+00;
	[tilespmem:s30+$0xFFFFFFC0] =	vst v4  }
0xba: {  	v14 =	vadd.f32 v49, v14;
	v63 =	vmax.f32 v8, $0.0e+00;
	[tilespmem:s30+$0xFFFFFFF0] =	vst v3  }
0xbb: {  	v2 =	vadd.f32 v58, v2;
	v59 =	vmax.f32 v54, $0.0e+00;
	[tilespmem:s30+$0x30] =	vst v63  }
0xbc: {  	v1 =	vadd.f32 v1, v60;
	v61 =	vmax.f32 v14, $0.0e+00;
	[tilespmem:s30+$0x10] =	vst v59  }
0xbd: {  	s29 =	sadd.s32 $0x1, s29;
	v2 =	vmax.f32 v2, $0.0e+00;
	[tilespmem:s30+$0x20] =	vst v61  }
0xbe: {  	p0 =	sne.s32 s29, $0x4F;
	v1 =	vmax.f32 v1, $0.0e+00;
	[tilespmem:s30+$0x0] =	vst v2  }
.Ltmp2:
0xbf: {  	[tilespmem:s30+$0xFFFFFFD0] =	vst v1;
	(pc) =	sbr.rel @p0 .LBB2_4-.Ltmp2, $4  }
0xc0: {  	[spmem:s2] =	stream.indirect.scatter.add.f32 [tilespmem:s18], [sflag:$0x2], $0x80, s23, s25, $0xb8;
	[tilespmem:$0x18600] =	vst v63  }
0xc1: {  	_ =	swait.ge [sflag:s19], $0x4000  }
0xc2: {  	[sflag:s19] =	ssyncset.done $0x0  }
0xc3: {  	[sflag:s19] =	ssyncadd.s32 $0xFFFFC000  }
0xc4: {  	s3 =	sadd.s32 $0x1, s3  }
0xc5: {  	s0 =	sshll.u32 s4, $0x6;
	[bflag:$0x0] =	sbarrier.arrive $0xFFFF;
	p0 =	sne.s32 s3, s16  }
.Ltmp3:
0xc6: {  	s1 =	sshrl.u32 s10, $0x3;
	s0 =	sor.u32 $0x1C02, s0;
	(pc) =	sbr.rel @p0 .LBB2_1-.Ltmp3, $4  }
0xc7: {  	[hbm:s17], [sflag:s0] =	dma.local [spmem:s1], $0x2800  }
0xc8: {  	_ =	swait.ge [sflag:s19], $0x2800  }
0xc9: {  	[sflag:s19] =	ssyncset.done $0x0  }
0xca: {  	[sflag:s19] =	ssyncadd.s32 $0xFFFFD800  }
0xcb: {  	_ =	sfence.sel $0x180000  }
0xcc: {  	[bflag:$0x0] =	sbarrier.arrive $0xFFFF  }
0xcd: {  	_ =	strace $0x9000004A  }
0xce: {  	[bflag:$0x2] =	sbarrier.arrive $0xFFFF  }
0xcf: {  	p0 =	sne.s32 s4, $0x0;
	s0 =	rddreg [dreg:$0x3]  }
0xd0: {  	s0 =	sadd.s32 @!p0 $0x100000, s0  }
0xd1: {  	[sflag:s0] =	ssyncadd.tile.s32 @!p0 $0x1;
	_ =	shalt  }
.Lfunc_end2:
_tile_overlayer_lowered:
.L_overlay_start_2:
0xd2: {  	(tag) =	ssettag $0x2  }
0xd3: {  	s0 =	rddreg [dreg:$0x0];
	s2 =	stileid.u32  }
0xd4: {  	s1 =	rddreg [dreg:$0x1];
	p0 =	sne.s32 s2, $0x0  }
0xd5: {  	s3 =	rddreg [dreg:$0x2];
	[bflag:$0x3] =	sbarrier.arrive $0xFFFF;
	s2 =	simm.s32 @!p0 $0x1C02  }
0xd6: {  	[timem:s3], [sflag:s2] =	dma.local @!p0 [hbm:s0], s1  }
0xd7: {  	s0 =	simm.s32 @!p0 $0x2  }
0xd8: {  	_ =	swait.ge @!p0 [sflag:s0], s1  }
0xd9: {  	s1 =	ssub.s32 @!p0 $0x0, s1;
	[sflag:s0] =	ssyncset.done @!p0 $0x0  }
0xda: {  	[sflag:s0] =	ssyncadd.s32 @!p0 s1  }
0xdb: {  	[bflag:$0x3] =	sbarrier.arrive $0xFFFF  }
0xdc: {  	_ =	shalt  }

// kernel: kernel.7.cloned.1.call-start
scs
__scs_entry_jumppad:
0x0: {  	(pc) =	sbr.rel $0x88, $3  }
0x1: {  	(tag) =	ssettag $0x0;
	lr =	simm.s32 $0x1  }
0x2: {  	[smem:$0x3F8D] =	sst lr;
	_ =	strace $0xD0000000  }
0x3: {  	_ = 	snop  }
0x4: {  	_ = 	snop  }
0x5: {  	_ = 	snop  }
0x6: {  	_ = 	snop  }
0x7: {  	_ = 	snop  }
__scs_overlays_trampoline_lowered:
0x8: {  	[smem:$0x3F9C] =	sst s0  }
0x9: {  	[smem:$0x3F9D] =	sst s1  }
0xa: {  	[smem:$0x3F9E] =	sst s2  }
0xb: {  	[smem:$0x3F9F] =	sst s3  }
0xc: {  	[smem:$0x3FA0] =	sst s4  }
0xd: {  	[smem:$0x3FA1] =	sst s5  }
0xe: {  	[smem:$0x3FA2] =	sst s6  }
0xf: {  	[smem:$0x3FA3] =	sst s7  }
0x10: {  	[smem:$0x3FA4] =	sst s8  }
0x11: {  	[smem:$0x3FA5] =	sst s9;
	s0 =	simm.s32 @!p0 $0x0  }
0x12: {  	s1 =	sld [smem:$0x3F8B];
	s0 =	simm.s32 @p0 $0x1  }
0x13: {  	[smem:$0x3FA6] =	sst s0;
	s0 =	simm.s32 @!p1 $0x0  }
0x14: {  	s2 =	sld [smem:$0x3F8A];
	s0 =	simm.s32 @p1 $0x1  }
0x15: {  	[smem:$0x3FA7] =	sst s0;
	s0 =	simm.s32 @!p2 $0x0  }
0x16: {  	s3 =	sld [smem:$0x3FDB];
	s0 =	simm.s32 @p2 $0x1  }
0x17: {  	s4 =	simm.s32 $0x1BF5;
	[smem:$0x3FA9] =	sst s0  }
0x18: {  	s0 =	sld [smem:$0x3F8C];
	_ =	swait.ge [sflag:s4], $0x0  }
0x19: {  	s7 =	sld [smem:$0x3F8D]  }
0x1a: {  	s8 =	sadd.s32 $0xFFFFE003, lr  }
0x1b: {  	s9 =	sadd.s32 $0xFFFFFEF7, lr;
	s5 =	simm.s32 $0xFFFFFFFF;
	p2 =	slt.u32 s8, $0xFFFFF086  }
0x1c: {  	p1 =	slt.u32 s9, $0xF7A;
	s5 =	simm.s32 @!p2 $0x0  }
0x1d: {  	s5 =	simm.s32 @p1 $0x1;
	p0 =	seq.s32 s7, s2  }
0x1e: {  	s7 =	smul.u32 @!p0 $0xF7A, s2;
	p2 =	seq.s32 @!p0 s5, $0x0  }
0x1f: {  	s9 =	smul.u32 $0xF7A, s1;
	s8 =	simm.s32 @!p0 $0x1BF5;
	p2 =	por !p2, p0  }
0x20: {  	[sflag:s8] =	ssyncset.s32 @!p0 $0xFFFFF086;
	s6 =	sadd.s32 @!p0 s3, s7;
	s7 =	simm.s32 @!p0 $0x108  }
0x21: {  	s3 =	sadd.s32 s3, s9;
	s6 =	sadd.s32 @!p0 $0x88, s6;
	s7 =	simm.s32 @p2 $0x1082  }
0x22: {  	[simem:s7], [sflag:s8] =	dma.local @!p0 [hbm:s6], $0xF7A  }
0x23: {  	s9 =	sor.u32 $0xD0000000, s2;
	s6 =	simm.s32 $0x108;
	_ =	swait.ge @!p0 [sflag:s8], $0x0  }
0x24: {  	s3 =	sadd.s32 $0x88, s3;
	s6 =	simm.s32 @!p1 $0x1082;
	[sflag:s4] =	ssyncset.s32 $0xFFFFF086  }
0x25: {  	[simem:s6], [sflag:s4] =	dma.local [hbm:s3], $0xF7A  }
0x26: {  	[smem:$0x3F8D] =	sst s1;
	(tag) =	ssettag s2;
	_ =	strace s9  }
0x27: {  	s1 =	sld [smem:$0x3F9D]  }
0x28: {  	s2 =	sld [smem:$0x3F9E]  }
0x29: {  	s4 =	sld [smem:$0x3FA0]  }
0x2a: {  	p0 =	seq.s32 s5, $0x0;
	s5 =	sld [smem:$0x3FA1]  }
0x2b: {  	s6 =	sld [smem:$0x3FA2]  }
0x2c: {  	s7 =	sld [smem:$0x3FA3]  }
0x2d: {  	s3 =	simm.s32 $0x108;
	s8 =	sld [smem:$0x3FA4]  }
0x2e: {  	s3 =	simm.s32 @!p0 $0x1082;
	s9 =	sld [smem:$0x3FA5]  }
0x2f: {  	lr =	sadd.s32 s0, s3;
	s0 =	sld [smem:$0x3F9C]  }
0x30: {  	s3 =	sld [smem:$0x3F9F]  }
0x31: {  	[smem:$0x3FA8] =	sst s10  }
0x32: {  	s10 =	sld [smem:$0x3FA6];
	_ =	sdelay $0x3  }
0x33: {  	p0 =	seq.s32 s10, $0x1;
	s10 =	sld [smem:$0x3FA8];
	_ =	sdelay $0x3  }
0x34: {  	[smem:$0x3FA8] =	sst s10  }
0x35: {  	s10 =	sld [smem:$0x3FA7];
	_ =	sdelay $0x3  }
0x36: {  	p1 =	seq.s32 s10, $0x1;
	s10 =	sld [smem:$0x3FA8];
	_ =	sdelay $0x3  }
0x37: {  	[smem:$0x3FA8] =	sst s10  }
0x38: {  	s10 =	sld [smem:$0x3FA9]  }
0x39: {  	_ = 	snop;
	(pc) =	sbr.ind lr, $3  }
0x3a: {  	_ = 	snop  }
0x3b: {  	_ = 	snop  }
0x3c: {  	p2 =	seq.s32 s10, $0x1;
	s10 =	sld [smem:$0x3FA8]  }
0x3d: {  	_ =	shalt  }
0x3e: {  	_ =	shalt  }
0x3f: {  	_ =	shalt  }
0x40: {  	_ =	shalt  }
0x41: {  	_ =	shalt  }
0x42: {  	_ =	shalt  }
0x43: {  	_ =	shalt  }
0x44: {  	_ =	shalt  }
0x45: {  	_ =	shalt  }
0x46: {  	_ =	shalt  }
0x47: {  	_ =	shalt  }
0x48: {  	_ =	shalt  }
0x49: {  	_ =	shalt  }
0x4a: {  	_ =	shalt  }
0x4b: {  	_ =	shalt  }
0x4c: {  	_ =	shalt  }
0x4d: {  	_ =	shalt  }
0x4e: {  	_ =	shalt  }
0x4f: {  	_ =	shalt  }
0x50: {  	_ =	shalt  }
0x51: {  	_ =	shalt  }
0x52: {  	_ =	shalt  }
0x53: {  	_ =	shalt  }
0x54: {  	_ =	shalt  }
0x55: {  	_ =	shalt  }
0x56: {  	_ =	shalt  }
0x57: {  	_ =	shalt  }
0x58: {  	_ =	shalt  }
0x59: {  	_ =	shalt  }
0x5a: {  	_ =	shalt  }
0x5b: {  	_ =	shalt  }
0x5c: {  	_ =	shalt  }
0x5d: {  	_ =	shalt  }
0x5e: {  	_ =	shalt  }
0x5f: {  	_ =	shalt  }
0x60: {  	_ =	shalt  }
0x61: {  	_ =	shalt  }
0x62: {  	_ =	shalt  }
0x63: {  	_ =	shalt  }
0x64: {  	_ =	shalt  }
0x65: {  	_ =	shalt  }
0x66: {  	_ =	shalt  }
0x67: {  	_ =	shalt  }
0x68: {  	_ =	shalt  }
0x69: {  	_ =	shalt  }
0x6a: {  	_ =	shalt  }
0x6b: {  	_ =	shalt  }
0x6c: {  	_ =	shalt  }
0x6d: {  	_ =	shalt  }
0x6e: {  	_ =	shalt  }
0x6f: {  	_ =	shalt  }
0x70: {  	_ =	shalt  }
0x71: {  	_ =	shalt  }
0x72: {  	_ =	shalt  }
0x73: {  	_ =	shalt  }
0x74: {  	_ =	shalt  }
0x75: {  	_ =	shalt  }
0x76: {  	_ =	shalt  }
0x77: {  	_ =	shalt  }
0x78: {  	_ =	shalt  }
0x79: {  	_ =	shalt  }
0x7a: {  	_ =	shalt  }
0x7b: {  	_ =	shalt  }
0x7c: {  	_ =	shalt  }
0x7d: {  	_ =	shalt  }
0x7e: {  	_ =	shalt  }
0x7f: {  	_ =	shalt  }
0x80: {  	_ =	shalt  }
0x81: {  	_ =	shalt  }
0x82: {  	_ =	shalt  }
0x83: {  	_ =	shalt  }
0x84: {  	_ =	shalt  }
0x85: {  	_ =	shalt  }
0x86: {  	_ =	shalt  }
0x87: {  	_ =	shalt  }
.Lfunc_end0:
.L_simem_size_0:
called_computation_lowered:
.L_overlay_start_0:
0x88: {  	s2 =	sld [smem:$0x3FD9]  }
0x89: {  	s3 =	sld [smem:$0x3FFE];
	_ =	sdelay $0x1  }
0x8a: {  	s1 =	srdreg.scid  }
0x8b: {  	s0 =	sand.u32 $0x1, s1  }
0x8c: {  	s17 =	sshll.u32 s0, $0xA;
	s2 =	sadd.s32 s3, s2  }
0x8d: {  	s2 =	sadd.s32 s2, s17  }
0x8e: {  	[smem:$0x3FB4] =	sst s2  }
0x8f: {  	_ = 	snop  }
0x90: {  	s2 =	sld [smem:$0x3FC4];
	(tm) =	ssettm $0x1  }
0x91: {  	s18 =	sld [smem:$0x3FFB];
	_ =	sdelay $0x3  }
0x92: {  	_ =	strace s18  }
0x93: {  	s3 =	sld [smem:$0x3FFC];
	_ =	sdelay $0x3  }
0x94: {  	_ =	strace s3  }
0x95: {  	s3 =	sld [smem:$0x3FFD];
	_ =	sdelay $0x3  }
0x96: {  	_ =	strace s3  }
0x97: {  	_ =	strace $0x8FFFFFFF  }
0x98: {  	s19 =	sld [smem:$0x3FDB];
	_ =	sdelay $0x1  }
0x99: {  	s4 =	simm.s32 $_scs_section_size  }
0x9a: {  	s5 =	simm.s32 $_size__tile_overlayer_lowered;
	s6 =	simm.s32 $_tile_overlayer_lowered  }
0x9b: {  	s22 =	simm.s32 $0x1BFF;
	s21 =	sshll.u32 s6, $0x1;
	s3 =	sadd.s32 s4, s19  }
0x9c: {  	s7 =	simm.s32 $0x0;
	s20 =	sshll.u32 s5, $0x1;
	s5 =	sadd.s32 s21, s3  }
0x9d: {  	[timem:s7], [sflag:s22] =	dma.local [hbm:s5], s20  }
0x9e: {  	_ =	swait.ge [sflag:s22], s20  }
0x9f: {  	s4 =	ssub.s32 $0x0, s20;
	[sflag:s22] =	ssyncset.done $0x0  }
0xa0: {  	[sflag:s22] =	ssyncadd.s32 s4;
	_ =	sdelay $0x1  }
0xa1: {  	s23 =	simm.s32 $0x1B8B  }
0xa2: {  	_ =	swait.ge [sflag:s23], $0x1  }
0xa3: {  	[sflag:s23] =	ssyncset.done $0x0  }
0xa4: {  	s25 =	simm.s32 $0x1B8E;
	s24 =	sld [smem:$0x3FFE];
	[sflag:s23] =	ssyncadd.s32 $0xFFFFFFFF  }
0xa5: {  	s26 =	simm.s32 $execute0_lowered;
	[smem:$0x3FD2] =	sst s25  }
0xa6: {  	s5 =	sshll.u32 s26, $0x1;
	_ =	strace $0x80000046;
	[dreg:$0x1] =	wrdreg $0xFFFFFFFF  }
0xa7: {  	s28 =	simm.s32 $_size_execute0_lowered;
	s3 =	sadd.s32 s3, s5;
	[dreg:$0x0] =	wrdreg $0x0  }
0xa8: {  	s5 =	sshll.u32 s28, $0x1;
	[dreg:$0x2] =	wrdreg s3  }
0xa9: {  	[dreg:$0x3] =	wrdreg s5  }
0xaa: {  	[dreg:$0x4] =	wrdreg $0xC0  }
0xab: {  	_ =	task [dreg:s7], $0x5FFFF  }
0xac: {  	[dreg:$0x1] =	wrdreg $0xFFFFFFFF  }
0xad: {  	[dreg:$0x0] =	wrdreg $0x60  }
0xae: {  	[dreg:$0x2] =	wrdreg s24  }
0xaf: {  	[dreg:$0x3] =	wrdreg s2  }
0xb0: {  	[dreg:$0x4] =	wrdreg $0x0  }
0xb1: {  	[dreg:$0x5] =	wrdreg $0x9  }
0xb2: {  	_ =	task.clear_ibuf [dreg:s7], $0x6FFFF;
	_ =	strace $0x90000046  }
0xb3: {  	s29 =	simm.s32 $0x9;
	_ =	strace $0x80000048  }
0xb4: {  	_ =	swait.ge [sflag:s29], $0x1  }
0xb5: {  	[sflag:s29] =	ssyncadd.s32 $0xFFFFFFFF  }
0xb6: {  	_ =	strace $0x90000048  }
0xb7: {  	_ =	sfence  }
0xb8: {  	s30 =	sld [smem:$0x0];
	_ =	sdelay $0x2  }
0xb9: {  	s31 =	sshll.u32 s1, $0xD;
	s1 =	sshrl.u32 s1, $0x2  }
0xba: {  	s3 =	sand.u32 $0x4000, s31;
	s1 =	sadd.s32 s1, s30  }
0xbb: {  	s0 =	sor.u32 s3, s0;
	s1 =	sshll.u32 s1, $0x11  }
0xbc: {  	s0 =	sor.u32 s1, s0  }
0xbd: {  	s0 =	sadd.s32 $0x8F2B, s0  }
0xbe: {  	[sflag:s0] =	ssyncadd.remote.s32 $0x1  }
0xbf: {  	_ =	sfence.sel $0xFFFF  }
0xc0: {  	[dreg:$0x0] =	wrdreg $0xFFFFFFFF;
	(pc) =	sbr.abs _section_cstart, $3  }
0xc1: {  	[dreg:$0x1] =	wrdreg $0xFFFFFFFF  }
0xc2: {  	_ =	task.clear_ibuf [dreg:s7], $0x2FFFF;
	_ =	strace $0x9FFFFFFF  }
0xc3: {  	(tm) =	ssettm $0x7FFFFFFF  }
tec
execute0_lowered:
.L_overlay_start_1:
0x0: {  	(tag) =	ssettag $0x1  }
0x1: {  	s0 =	rddreg [dreg:$0x0]  }
0x2: {  	s2 =	rddreg [dreg:$0x2];
	s3 =	simm.s32 $0x0;
	s1 =	srdreg.scid  }
0x3: {  	s4 =	stileid.u32;
	s18 =	simm.s32 $0x14380;
	s19 =	simm.s32 $0x2  }
0x4: {  	s20 =	simm.s32 $0x18380;
	s21 =	simm.s32 $0x18580;
	s22 =	simm.s32 $0x14000  }
0x5: {  	s23 =	simm.s32 $0x14080;
	s24 =	simm.s32 $0x14100;
	s25 =	simm.s32 $0x80  }
0x6: {  	s26 =	simm.s32 $0x1;
	s28 =	simm.s32 $0x0;
	[smem:$0x7FF] =	sst s3  }
0x7: {  	s5 =	sadd.s32 $0x18800, s0;
	s6 =	sadd.s32 $0x4C00, s0;
	s7 =	sadd.s32 $0xEA00, s0  }
0x8: {  	s1 =	sand.u32 $0x1, s1;
	s10 =	smul.u32 $0x50000, s4;
	s8 =	sadd.s32 $0x4F4A00, s0  }
0x9: {  	s9 =	sadd.s32 $0x4A00, s0;
	s17 =	smul.u32 $0x2800, s4;
	_ =	strace $0x80000047  }
0xa: {  	s11 =	ssub.s32 $0x2, s1;
	s13 =	sshll.u32 s1, $0x4;
	p0 =	seq.s32 s1, $0x1  }
0xb: {  	s1 =	simm.s32 $0x68800;
	s12 =	sshrl.u32 s11, $0x1;
	s10 =	sshrl.u32 s10, $0x2  }
0xc: {  	s15 =	sor.u32 s4, s13;
	s1 =	simm.s32 @!p0 $0x40800;
	s16 =	ssub.s32 s11, s12  }
0xd: {  	s10 =	sadd.s32 s10, s2;
	s0 =	sadd.s32 s1, s0;
	s15 =	smul.u32 $0x2780, s15  }
0xe: {  	s11 =	sadd.s32 $0x4000, s10;
	s12 =	sadd.s32 $0x8000, s10;
	s13 =	sadd.s32 $0xC000, s10  }
0xf: {  	v0 =	vimm.f32 $0.0e+00;
	s14 =	sadd.s32 $0x10000, s10;
	s16 =	smax.u32 s16, $0x1;
	s17 =	sadd.s32 s0, s17  }
.LBB2_1:
0x10: {  	s0 =	simm.s32 $0x0;
	s1 =	simm.s32 $0x200  }
.LBB2_2:
0x11: {  	p0 =	sne.s32 s1, $0xFE00;
	[tilespmem:s0+$0x143F0] =	vst v0  }
0x12: {  	[tilespmem:s0+$0x14380] =	vst v0  }
0x13: {  	[tilespmem:s0+$0x14390] =	vst v0  }
.Ltmp0:
0x14: {  	[tilespmem:s0+$0x143A0] =	vst v0;
	(pc) =	sbr.rel @p0 .LBB2_2-.Ltmp0, $4  }
0x15: {  	[tilespmem:s0+$0x143B0] =	vst v0  }
0x16: {  	[tilespmem:s0+$0x143C0] =	vst v0  }
0x17: {  	[tilespmem:s0+$0x143D0] =	vst v0  }
0x18: {  	[tilespmem:s0+$0x143E0] =	vst v0;
	s0 =	sshra.s32 s1, $0x2;
	s1 =	sadd.s32 $0x200, s1  }
0x19: {  	[tilespmem:s0+$0x143F0] =	vst v0  }
0x1a: {  	[tilespmem:s0+$0x14380] =	vst v0  }
0x1b: {  	[tilespmem:s0+$0x14390] =	vst v0  }
0x1c: {  	[tilespmem:s0+$0x143A0] =	vst v0  }
0x1d: {  	[tilespmem:s0+$0x143B0] =	vst v0  }
0x1e: {  	[tilespmem:s0+$0x143C0] =	vst v0  }
0x1f: {  	[tilespmem:s0+$0x143D0] =	vst v0  }
0x20: {  	[tilespmem:s0+$0x143E0] =	vst v0  }
0x21: {  	[spmem:s10] =	stream.linear.scatter [tilespmem:s18], [sflag:$0x2], $0x4000, $0x38;
	[tilespmem:$0x18600] =	vst v63  }
0x22: {  	_ =	swait.ge [sflag:s19], $0x4000  }
0x23: {  	[sflag:s19] =	ssyncset.done $0x0  }
0x24: {  	[sflag:s19] =	ssyncadd.s32 $0xFFFFC000  }
0x25: {  	[spmem:s11] =	stream.linear.scatter [tilespmem:s18], [sflag:$0x2], $0x4000, $0x38;
	[tilespmem:$0x18600] =	vst v63  }
0x26: {  	_ =	swait.ge [sflag:s19], $0x4000  }
0x27: {  	[sflag:s19] =	ssyncset.done $0x0  }
0x28: {  	[sflag:s19] =	ssyncadd.s32 $0xFFFFC000  }
0x29: {  	[spmem:s12] =	stream.linear.scatter [tilespmem:s18], [sflag:$0x2], $0x4000, $0x38;
	[tilespmem:$0x18600] =	vst v63  }
0x2a: {  	_ =	swait.ge [sflag:s19], $0x4000  }
0x2b: {  	[sflag:s19] =	ssyncset.done $0x0  }
0x2c: {  	[sflag:s19] =	ssyncadd.s32 $0xFFFFC000  }
0x2d: {  	[spmem:s13] =	stream.linear.scatter [tilespmem:s18], [sflag:$0x2], $0x4000, $0x38;
	[tilespmem:$0x18600] =	vst v63  }
0x2e: {  	_ =	swait.ge [sflag:s19], $0x4000  }
0x2f: {  	[sflag:s19] =	ssyncset.done $0x0  }
0x30: {  	[sflag:s19] =	ssyncadd.s32 $0xFFFFC000  }
0x31: {  	[spmem:s14] =	stream.linear.scatter [tilespmem:s18], [sflag:$0x2], $0x4000, $0x38;
	[tilespmem:$0x18600] =	vst v63  }
0x32: {  	_ =	swait.ge [sflag:s19], $0x4000  }
0x33: {  	[sflag:s19] =	ssyncset.done $0x0  }
0x34: {  	[sflag:s19] =	ssyncadd.s32 $0xFFFFC000  }
0x35: {  	[tilespmem:s20], [sflag:$0x2] =	stream.linear.gather [hbm4b:s9+s28], $0x200, $0x38;
	[tilespmem:$0x18600] =	vst v63  }
0x36: {  	_ =	swait.ge [sflag:s19], $0x200  }
0x37: {  	[sflag:s19] =	ssyncset.done $0x0  }
0x38: {  	[sflag:s19] =	ssyncadd.s32 $0xFFFFFE00  }
0x39: {  	s31 =	rddreg [dreg:$0x1]  }
0x3a: {  	[tilespmem:s21], [sflag:$0x2] =	stream.linear.gather [hbm4b:s31+s28], $0x80, $0x38;
	[tilespmem:$0x18600] =	vst v63  }
0x3b: {  	_ =	swait.ge [sflag:s19], $0x80  }
0x3c: {  	[sflag:s19] =	ssyncset.done $0x0  }
0x3d: {  	[sflag:s19] =	ssyncadd.s32 $0xFFFFFF80  }
0x3e: {  	s29 =	simm.s32 $0x0;
	[bflag:$0x0] =	sbarrier.arrive $0xFFFF  }
.LBB2_4:
0x3f: {  	v12 =	vld [tilespmem:$0x18380]  }
0x40: {  	v14 =	vld [tilespmem:$0x18390]  }
0x41: {  	v15 =	vld [tilespmem:$0x183A0]  }
0x42: {  	v17 =	vld [tilespmem:$0x183B0]  }
0x43: {  	v7 =	vld [tilespmem:$0x183C0]  }
0x44: {  	v19 =	vld [tilespmem:$0x183D0]  }
0x45: {  	v22 =	vld [tilespmem:$0x183E0]  }
0x46: {  	v24 =	vld [tilespmem:$0x183F0]  }
0x47: {  	v25 =	vld [tilespmem:$0x18400]  }
0x48: {  	v11 =	vld [tilespmem:$0x18410]  }
0x49: {  	v29 =	vld [tilespmem:$0x18420]  }
0x4a: {  	v30 =	vld [tilespmem:$0x18430]  }
0x4b: {  	v32 =	vld [tilespmem:$0x18440]  }
0x4c: {  	v28 =	vld [tilespmem:$0x18450]  }
0x4d: {  	v16 =	vld [tilespmem:$0x18460]  }
0x4e: {  	v34 =	vld [tilespmem:$0x18470]  }
0x4f: {  	v31 =	vld [tilespmem:$0x18480]  }
0x50: {  	v35 =	vld [tilespmem:$0x18490]  }
0x51: {  	v37 =	vld [tilespmem:$0x184A0]  }
0x52: {  	v38 =	vld [tilespmem:$0x184B0]  }
0x53: {  	v36 =	vld [tilespmem:$0x184C0]  }
0x54: {  	v33 =	vld [tilespmem:$0x184D0]  }
0x55: {  	v23 =	vld [tilespmem:$0x184E0]  }
0x56: {  	v40 =	vld [tilespmem:$0x184F0]  }
0x57: {  	v6 =	vld [tilespmem:$0x18500]  }
0x58: {  	v3 =	vld [tilespmem:$0x18510]  }
0x59: {  	v13 =	vld [tilespmem:$0x18520]  }
0x5a: {  	v39 =	vld [tilespmem:$0x18530]  }
0x5b: {  	v5 =	vld [tilespmem:$0x18540]  }
0x5c: {  	v26 =	vld [tilespmem:$0x18550]  }
0x5d: {  	v20 =	vld [tilespmem:$0x18560]  }
0x5e: {  	v9 =	vld [tilespmem:$0x18570]  }
0x5f: {  	v4 =	vld [tilespmem:$0x18580]  }
0x60: {  	v1 =	vld [tilespmem:$0x18590]  }
0x61: {  	v10 =	vld [tilespmem:$0x185A0]  }
0x62: {  	v27 =	vld [tilespmem:$0x185B0];
	s0 =	sshll.u32 s29, $0x7  }
0x63: {  	v2 =	vld [tilespmem:$0x185C0];
	s0 =	sadd.s32 s15, s0  }
0x64: {  	v18 =	vld [tilespmem:$0x185D0];
	s1 =	sshrl.u32 s0, $0x3  }
0x65: {  	v21 =	vld [tilespmem:$0x185E0];
	s30 =	sadd.s32 s6, s1  }
0x66: {  	v8 =	vld [tilespmem:$0x185F0];
	[tilespmem:s22], [sflag:$0x2] =	stream.linear.gather [hbm4b:s30+s28], $0x80, $0x38  }
0x67: {  	_ =	swait.ge [sflag:s19], $0x80  }
0x68: {  	[sflag:s19] =	ssyncset.done $0x0  }
0x69: {  	s1 =	sadd.s32 s7, s1;
	[sflag:s19] =	ssyncadd.s32 $0xFFFFFF80  }
0x6a: {  	[tilespmem:s23], [sflag:$0x2] =	stream.linear.gather [hbm4b:s1+s28], $0x80, $0x38;
	[tilespmem:$0x18600] =	vst v63  }
0x6b: {  	_ =	swait.ge [sflag:s19], $0x80  }
0x6c: {  	s0 =	sshrl.u32 s0, $0x1;
	[sflag:s19] =	ssyncset.done $0x0  }
0x6d: {  	s0 =	sadd.s32 s8, s0;
	[sflag:s19] =	ssyncadd.s32 $0xFFFFFF80  }
0x6e: {  	[tilespmem:s24], [sflag:$0x2] =	stream.linear.gather [hbm4b:s0+s28], $0x200, $0x38;
	[tilespmem:$0x18600] =	vst v63  }
0x6f: {  	_ =	swait.ge [sflag:s19], $0x200  }
0x70: {  	[sflag:s19] =	ssyncset.done $0x0  }
0x71: {  	[sflag:s19] =	ssyncadd.s32 $0xFFFFFE00  }
0x72: {  	[tilespmem:s18], [sflag:$0x1] =	stream.indirect.gather [hbm4b:s5+s25], $0x80, s22, s25, $0xb8;
	[tilespmem:$0x18600] =	vst v63  }
0x73: {  	_ =	swait.ge [sflag:s26], $0x4000  }
0x74: {  	[sflag:s26] =	ssyncset.done $0x0  }
0x75: {  	s1 =	simm.s32 $0x0;
	[sflag:s26] =	ssyncadd.s32 $0xFFFFC000  }
0x76: {  	v41 =	vld [tilespmem:s1+$0x14100];
	_ =	sdelay $0x4  }
0x77: {  	v46 =	vbroadcast v41, $0x0;
	v45 =	vbroadcast v41, $0x2  }
0x78: {  	v47 =	vbroadcast v41, $0x1;
	v42 =	vbroadcast v41, $0x3  }
0x79: {  	v44 =	vmul.f32 v46, v14;
	v43 =	vmul.f32 v45, v40  }
0x7a: {  	v41 =	vmul.f32 v45, v35;
	v53 =	vmul.f32 v47, v29  }
0x7b: {  	v50 =	vmul.f32 v47, v25;
	v52 =	vmul.f32 v45, v37  }
0x7c: {  	v55 =	vmul.f32 v47, v30;
	v49 =	vmul.f32 v46, v19  }
0x7d: {  	v51 =	vmul.f32 v46, v12;
	v48 =	vmul.f32 v47, v32  }
0x7e: {  	v56 =	vmul.f32 v46, v15;
	v57 =	vmul.f32 v46, v17  }
0x7f: {  	v54 =	vmul.f32 v46, v24;
	v58 =	vmul.f32 v45, v38;
	v51 =	vadd.f32 v50, v51  }
0x80: {  	s31 =	simm.s32 $0x143C0;
	s30 =	simm.s32 $0x143C0;
	s0 =	simm.s32 $0x10;
	v50 =	vmul.f32 v46, v22;
	v57 =	vadd.f32 v55, v57;
	v55 =	vmul.f32 v47, v34  }
.LBB2_5:
0x81: {  	p0 =	sne.s32 s0, $0x7F0  }
0x82: {  	v53 =	vadd.f32 v53, v56;
	v56 =	vmul.f32 v45, v36;
	v59 =	vmul.f32 v47, v28;
	s31 =	sadd.s32 $0x80, s31;
	s1 =	smov.u32 s0;
	s0 =	sadd.s32 $0x10, s0  }
0x83: {  	v60 =	vmul.f32 v45, v31;
	v57 =	vadd.f32 v57, v58;
	v58 =	vmul.f32 v42, v39  }
0x84: {  	v54 =	vadd.f32 v55, v54;
	v52 =	vadd.f32 v53, v52;
	v53 =	vmul.f32 v45, v33  }
0x85: {  	v55 =	vmul.f32 v47, v11;
	v47 =	vmul.f32 v47, v16;
	v57 =	vadd.f32 v57, v58  }
0x86: {  	v46 =	vmul.f32 v46, v7;
	v49 =	vadd.f32 v59, v49;
	v45 =	vmul.f32 v45, v23  }
0x87: {  	v51 =	vadd.f32 v51, v60;
	v58 =	vmul.f32 v42, v3;
	v47 =	vadd.f32 v47, v50  }
0x88: {  	v44 =	vadd.f32 v55, v44;
	v50 =	vmul.f32 v42, v26;
	v49 =	vadd.f32 v49, v53  }
0x89: {  	v46 =	vadd.f32 v48, v46;
	v45 =	vadd.f32 v47, v45;
	v47 =	vmul.f32 v42, v20;
	v48 =	vld [tilespmem:s30+$0x10]  }
0x8a: {  	v53 =	vmul.f32 v42, v13;
	v55 =	vadd.f32 v57, v27;
	v49 =	vadd.f32 v49, v50;
	v50 =	vld [tilespmem:s30+$0x20]  }
0x8b: {  	v46 =	vadd.f32 v46, v56;
	v45 =	vadd.f32 v45, v47;
	v57 =	vld [tilespmem:s30+$0xFFFFFFE0]  }
0x8c: {  	v47 =	vadd.f32 v52, v53;
	v49 =	vadd.f32 v49, v18  }
0x8d: {  	v43 =	vadd.f32 v54, v43;
	v52 =	vmul.f32 v42, v9;
	v45 =	vadd.f32 v45, v21  }
0x8e: {  	v53 =	vmul.f32 v42, v6;
	v47 =	vadd.f32 v47, v10;
	v48 =	vadd.f32 v48, v49;
	v49 =	vld [tilespmem:s30+$0x30]  }
0x8f: {  	v42 =	vmul.f32 v42, v5;
	v43 =	vadd.f32 v43, v52;
	v54 =	vld [tilespmem:s30+$0xFFFFFFC0];
	v45 =	vadd.f32 v50, v45  }
0x90: {  	v50 =	vadd.f32 v51, v53;
	v47 =	vadd.f32 v47, v57;
	v51 =	vld [tilespmem:s30+$0xFFFFFFF0];
	v48 =	vmax.f32 v48, $0.0e+00  }
0x91: {  	v41 =	vadd.f32 v44, v41;
	v43 =	vadd.f32 v43, v8;
	v44 =	vld [tilespmem:s30+$0x0];
	[tilespmem:s30+$0x10] =	vst v48;
	v45 =	vmax.f32 v45, $0.0e+00  }
0x92: {  	v42 =	vadd.f32 v46, v42;
	v48 =	vadd.f32 v50, v4;
	v50 =	vld [tilespmem:s30+$0xFFFFFFD0];
	v47 =	vmax.f32 v47, $0.0e+00;
	[tilespmem:s30+$0x20] =	vst v45  }
0x93: {  	v41 =	vadd.f32 v41, v58;
	[tilespmem:s30+$0xFFFFFFE0] =	vst v47;
	v43 =	vadd.f32 v49, v43  }
0x94: {  	v42 =	vadd.f32 v42, v2;
	v45 =	vadd.f32 v48, v54  }
0x95: {  	s1 =	sshra.s32 s1, $0x2;
	v41 =	vadd.f32 v41, v1;
	v46 =	vadd.f32 v51, v55;
	v43 =	vmax.f32 v43, $0.0e+00  }
0x96: {  	v45 =	vmax.f32 v45, $0.0e+00;
	v42 =	vadd.f32 v44, v42;
	[tilespmem:s30+$0x30] =	vst v43  }
0x97: {  	[tilespmem:s30+$0xFFFFFFC0] =	vst v45;
	v41 =	vadd.f32 v41, v50;
	v43 =	vmax.f32 v46, $0.0e+00  }
0x98: {  	[tilespmem:s30+$0xFFFFFFF0] =	vst v43;
	v42 =	vmax.f32 v42, $0.0e+00  }
0x99: {  	v41 =	vmax.f32 v41, $0.0e+00;
	[tilespmem:s30+$0x0] =	vst v42  }
0x9a: {  	[tilespmem:s30+$0xFFFFFFD0] =	vst v41;
	s30 =	smov.u32 s31  }
0x9b: {  	v41 =	vld [tilespmem:s1+$0x14100];
	_ =	sdelay $0x4  }
0x9c: {  	v46 =	vbroadcast v41, $0x0;
	v45 =	vbroadcast v41, $0x2  }
0x9d: {  	v47 =	vbroadcast v41, $0x1;
	v42 =	vbroadcast v41, $0x3  }
0x9e: {  	v44 =	vmul.f32 v46, v14;
	v43 =	vmul.f32 v45, v40  }
0x9f: {  	v41 =	vmul.f32 v45, v35;
	v53 =	vmul.f32 v47, v29  }
0xa0: {  	v50 =	vmul.f32 v47, v25;
	v52 =	vmul.f32 v45, v37  }
.Ltmp1:
0xa1: {  	v55 =	vmul.f32 v47, v30;
	v49 =	vmul.f32 v46, v19;
	(pc) =	sbr.rel @p0 .LBB2_5-.Ltmp1, $4  }
0xa2: {  	v51 =	vmul.f32 v46, v12;
	v48 =	vmul.f32 v47, v32  }
0xa3: {  	v56 =	vmul.f32 v46, v15;
	v57 =	vmul.f32 v46, v17  }
0xa4: {  	v54 =	vmul.f32 v46, v24;
	v51 =	vadd.f32 v50, v51;
	v50 =	vmul.f32 v46, v22  }
0xa5: {  	v58 =	vmul.f32 v45, v38;
	v57 =	vadd.f32 v55, v57;
	v55 =	vmul.f32 v47, v34  }
0xa6: {  	v14 =	vmul.f32 v45, v36;
	v15 =	vmul.f32 v47, v28  }
0xa7: {  	v17 =	vmul.f32 v45, v31;
	v22 =	vmul.f32 v42, v39  }
0xa8: {  	v12 =	vadd.f32 v53, v56;
	v24 =	vmul.f32 v45, v33;
	v11 =	vmul.f32 v47, v11  }
0xa9: {  	v16 =	vmul.f32 v47, v16;
	v19 =	vadd.f32 v57, v58;
	v25 =	vadd.f32 v55, v54  }
0xaa: {  	v7 =	vmul.f32 v46, v7;
	v12 =	vadd.f32 v12, v52;
	v15 =	vadd.f32 v15, v49  }
0xab: {  	v46 =	vmul.f32 v45, v23;
	v17 =	vadd.f32 v51, v17;
	v16 =	vadd.f32 v16, v50  }
0xac: {  	v47 =	vmul.f32 v42, v26;
	v11 =	vadd.f32 v11, v44;
	v7 =	vadd.f32 v48, v7  }
0xad: {  	v13 =	vmul.f32 v42, v13;
	v19 =	vadd.f32 v19, v22;
	v53 =	vadd.f32 v25, v43  }
0xae: {  	v6 =	vmul.f32 v42, v6;
	v15 =	vadd.f32 v15, v24;
	v16 =	vadd.f32 v16, v46  }
0xaf: {  	v9 =	vmul.f32 v42, v9;
	v7 =	vadd.f32 v7, v14;
	v12 =	vadd.f32 v12, v13  }
0xb0: {  	v20 =	vmul.f32 v42, v20;
	v50 =	vld [tilespmem:s30+$0xFFFFFFE0];
	v6 =	vadd.f32 v17, v6;
	v11 =	vadd.f32 v11, v41  }
0xb1: {  	v56 =	vld [tilespmem:s30+$0xFFFFFFC0];
	v5 =	vmul.f32 v42, v5;
	v19 =	vadd.f32 v19, v27;
	v9 =	vadd.f32 v53, v9  }
0xb2: {  	v3 =	vmul.f32 v42, v3;
	v57 =	vld [tilespmem:s30+$0xFFFFFFF0];
	v15 =	vadd.f32 v15, v47;
	v51 =	vadd.f32 v16, v20  }
0xb3: {  	v55 =	vld [tilespmem:s30+$0x30];
	v10 =	vadd.f32 v12, v10;
	v4 =	vadd.f32 v6, v4  }
0xb4: {  	v48 =	vld [tilespmem:s30+$0x10];
	v5 =	vadd.f32 v7, v5;
	v3 =	vadd.f32 v11, v3  }
0xb5: {  	v49 =	vld [tilespmem:s30+$0x20];
	v8 =	vadd.f32 v9, v8;
	v10 =	vadd.f32 v10, v50  }
0xb6: {  	v58 =	vld [tilespmem:s30+$0x0];
	v52 =	vadd.f32 v15, v18;
	v4 =	vadd.f32 v4, v56  }
0xb7: {  	v60 =	vld [tilespmem:s30+$0xFFFFFFD0];
	v1 =	vadd.f32 v3, v1;
	v3 =	vadd.f32 v57, v19;
	v62 =	vmax.f32 v10, $0.0e+00  }
0xb8: {  	v14 =	vadd.f32 v51, v21;
	v8 =	vadd.f32 v55, v8;
	v4 =	vmax.f32 v4, $0.0e+00;
	[tilespmem:s30+$0xFFFFFFE0] =	vst v62  }
0xb9: {  	v2 =	vadd.f32 v5, v2;
	v54 =	vadd.f32 v48, v52;
	v3 =	vmax.f32 v3, $0.0e+00;
	[tilespmem:s30+$0xFFFFFFC0] =	vst v4  }
0xba: {  	v14 =	vadd.f32 v49, v14;
	v63 =	vmax.f32 v8, $0.0e+00;
	[tilespmem:s30+$0xFFFFFFF0] =	vst v3  }
0xbb: {  	v2 =	vadd.f32 v58, v2;
	v59 =	vmax.f32 v54, $0.0e+00;
	[tilespmem:s30+$0x30] =	vst v63  }
0xbc: {  	v1 =	vadd.f32 v1, v60;
	v61 =	vmax.f32 v14, $0.0e+00;
	[tilespmem:s30+$0x10] =	vst v59  }
0xbd: {  	s29 =	sadd.s32 $0x1, s29;
	v2 =	vmax.f32 v2, $0.0e+00;
	[tilespmem:s30+$0x20] =	vst v61  }
0xbe: {  	p0 =	sne.s32 s29, $0x4F;
	v1 =	vmax.f32 v1, $0.0e+00;
	[tilespmem:s30+$0x0] =	vst v2  }
.Ltmp2:
0xbf: {  	[tilespmem:s30+$0xFFFFFFD0] =	vst v1;
	(pc) =	sbr.rel @p0 .LBB2_4-.Ltmp2, $4  }
0xc0: {  	[spmem:s2] =	stream.indirect.scatter.add.f32 [tilespmem:s18], [sflag:$0x2], $0x80, s23, s25, $0xb8;
	[tilespmem:$0x18600] =	vst v63  }
0xc1: {  	_ =	swait.ge [sflag:s19], $0x4000  }
0xc2: {  	[sflag:s19] =	ssyncset.done $0x0  }
0xc3: {  	[sflag:s19] =	ssyncadd.s32 $0xFFFFC000  }
0xc4: {  	s3 =	sadd.s32 $0x1, s3  }
0xc5: {  	s0 =	sshll.u32 s4, $0x6;
	[bflag:$0x0] =	sbarrier.arrive $0xFFFF;
	p0 =	sne.s32 s3, s16  }
.Ltmp3:
0xc6: {  	s1 =	sshrl.u32 s10, $0x3;
	s0 =	sor.u32 $0x1C02, s0;
	(pc) =	sbr.rel @p0 .LBB2_1-.Ltmp3, $4  }
0xc7: {  	[hbm:s17], [sflag:s0] =	dma.local [spmem:s1], $0x2800  }
0xc8: {  	_ =	swait.ge [sflag:s19], $0x2800  }
0xc9: {  	[sflag:s19] =	ssyncset.done $0x0  }
0xca: {  	[sflag:s19] =	ssyncadd.s32 $0xFFFFD800  }
0xcb: {  	_ =	sfence.sel $0x180000  }
0xcc: {  	[bflag:$0x0] =	sbarrier.arrive $0xFFFF  }
0xcd: {  	_ =	strace $0x90000047  }
0xce: {  	[bflag:$0x2] =	sbarrier.arrive $0xFFFF  }
0xcf: {  	p0 =	sne.s32 s4, $0x0;
	s0 =	rddreg [dreg:$0x3]  }
0xd0: {  	s0 =	sadd.s32 @!p0 $0x100000, s0  }
0xd1: {  	[sflag:s0] =	ssyncadd.tile.s32 @!p0 $0x1;
	_ =	shalt  }
.Lfunc_end2:
_tile_overlayer_lowered:
.L_overlay_start_2:
0xd2: {  	(tag) =	ssettag $0x2  }
0xd3: {  	s0 =	rddreg [dreg:$0x0];
	s2 =	stileid.u32  }
0xd4: {  	s1 =	rddreg [dreg:$0x1];
	p0 =	sne.s32 s2, $0x0  }
0xd5: {  	s3 =	rddreg [dreg:$0x2];
	[bflag:$0x3] =	sbarrier.arrive $0xFFFF;
	s2 =	simm.s32 @!p0 $0x1C02  }
0xd6: {  	[timem:s3], [sflag:s2] =	dma.local @!p0 [hbm:s0], s1  }
0xd7: {  	s0 =	simm.s32 @!p0 $0x2  }
0xd8: {  	_ =	swait.ge @!p0 [sflag:s0], s1  }
0xd9: {  	s1 =	ssub.s32 @!p0 $0x0, s1;
	[sflag:s0] =	ssyncset.done @!p0 $0x0  }
0xda: {  	[sflag:s0] =	ssyncadd.s32 @!p0 s1  }
0xdb: {  	[bflag:$0x3] =	sbarrier.arrive $0xFFFF  }
0xdc: {  	_ =	shalt  }

</sc_bundles>
